<compile_context>
chip_gen: v7x
topology: tpu7x:2x2x1
jax: 0.10.2.dev20260603
libtpu: 0.0.44.dev20260713+nightly
codegen_flags: <defaults>
</compile_context>

<pallas_src>
import functools
import numpy as np

import jax
import jax.numpy as jnp
from jax import lax
from jax.experimental import pallas as pl
from jax.experimental.pallas import tpu as pltpu
from jax.experimental.pallas import tpu_sc as plsc

D_MODEL = 1024
N_HEADS = 16
D_FF = 4096
ENC_IN = 21
C_OUT = 21
SEQ_LEN = 1536
PRED_LEN = 512
BUCKET = 64
N_HASHES = 4
L_TOT = SEQ_LEN + PRED_LEN
DH = D_MODEL // N_HEADS
NBK = L_TOT // BUCKET
NB = N_HASHES * NBK
NS = N_HASHES * L_TOT
NC = NS // BUCKET
BATCH = 2
BH = BATCH * N_HEADS
RB = 512
F32 = jnp.float32
BF16 = jnp.bfloat16


def _bdot(a, b, dims):
    return lax.dot_general(a.astype(BF16), b.astype(BF16), (dims, ((), ())),
                           preferred_element_type=F32)


def _pos_embed(L, d):
    position = jnp.arange(L, dtype=F32)[:, None]
    div = jnp.exp(jnp.arange(0, d, 2, dtype=F32) * (-np.log(10000.0) / d))
    pe = jnp.zeros((L, d), F32)
    pe = pe.at[:, 0::2].set(jnp.sin(position * div))
    pe = pe.at[:, 1::2].set(jnp.cos(position * div))
    return pe


def _embed_kern(xin_ref, w_ref, pe_ref, o_ref):
    o_ref[...] = _bdot(xin_ref[...], w_ref[...], ((1,), (0,))) + pe_ref[...]


def _embed(xin, w_in, pe):
    n = xin.shape[0] // RB
    c3 = xin.shape[1]
    return pl.pallas_call(
        _embed_kern,
        grid=(n,),
        in_specs=[
            pl.BlockSpec((RB, c3), lambda i: (i, 0)),
            pl.BlockSpec((c3, D_MODEL), lambda i: (0, 0)),
            pl.BlockSpec((RB, D_MODEL), lambda i: (i, 0)),
        ],
        out_specs=pl.BlockSpec((RB, D_MODEL), lambda i: (i, 0)),
        out_shape=jax.ShapeDtypeStruct((xin.shape[0], D_MODEL), F32),
    )(xin, w_in, pe)


def _qkv_kern(x_ref, wqk_ref, wv_ref, rm_ref, qkv_ref, bkt_ref):
    x = x_ref[0]
    qk = _bdot(x, wqk_ref[0], ((1,), (1,)))
    v = _bdot(x, wv_ref[0], ((1,), (1,)))
    qkv_ref[0, 0, :, 0:DH] = qk
    qkv_ref[0, 0, :, DH:2 * DH] = v
    rot = _bdot(qk, rm_ref[...], ((1,), (0,)))
    for g in range(N_HASHES):
        r = rot[:, g * (NBK // 2):(g + 1) * (NBK // 2)]
        c = jnp.concatenate([r, -r], axis=1)
        mx = jnp.max(c, axis=1, keepdims=True)
        io = lax.broadcasted_iota(jnp.int32, (L_TOT, NBK), 1)
        idx = jnp.min(jnp.where(c == mx, io, NB), axis=1, keepdims=True)
        bkt_ref[0, 0, g, :, 0:1] = idx + g * NBK


def _qkv_buckets(enc, wqk_h, wv_h, rm):
    return pl.pallas_call(
        _qkv_kern,
        grid=(BATCH, N_HEADS),
        in_specs=[
            pl.BlockSpec((1, L_TOT, D_MODEL), lambda b, h: (b, 0, 0)),
            pl.BlockSpec((1, DH, D_MODEL), lambda b, h: (h, 0, 0)),
            pl.BlockSpec((1, DH, D_MODEL), lambda b, h: (h, 0, 0)),
            pl.BlockSpec((DH, DH), lambda b, h: (0, 0)),
        ],
        out_specs=[
            pl.BlockSpec((1, 1, L_TOT, 2 * DH), lambda b, h: (b, h, 0, 0)),
            pl.BlockSpec((1, 1, N_HASHES, L_TOT, 1), lambda b, h: (b, h, 0, 0, 0)),
        ],
        out_shape=[
            jax.ShapeDtypeStruct((BATCH, N_HEADS, L_TOT, 2 * DH), F32),
            jax.ShapeDtypeStruct((BATCH, N_HEADS, N_HASHES, L_TOT, 1), jnp.int32),
        ],
    )(enc, wqk_h, wv_h, rm)


CH = 1024


def _undo_kern(bkt_ref, lmat_ref, undo_ref):
    io_l = lax.broadcasted_iota(jnp.int32, (CH, NB), 1)

    def count_body(c, counts):
        bc = bkt_ref[0, pl.ds(c * CH, CH), :]
        oh = (bc == io_l).astype(F32)
        return counts + jnp.sum(oh, axis=0, keepdims=True)

    counts = lax.fori_loop(0, NS // CH, count_body, jnp.zeros((1, NB), F32))
    s = counts
    for sh in (1, 2, 4, 8, 16, 32, 64):
        s = s + jnp.concatenate([jnp.zeros((1, sh), F32), s[:, :NB - sh]], axis=1)
    cum_excl = s - counts

    def rank_body(c, run):
        bc = bkt_ref[0, pl.ds(c * CH, CH), :]
        ohb = bc == io_l
        oh = ohb.astype(F32)
        rank = lax.dot_general(lmat_ref[...], oh.astype(BF16),
                               (((1,), (0,)), ((), ())),
                               preferred_element_type=F32)
        base = cum_excl + run
        pos = jnp.sum(jnp.where(ohb, rank + base, 0.0), axis=1, keepdims=True)
        undo_ref[0, pl.ds(c * CH, CH), :] = pos.astype(jnp.int32)
        return run + jnp.sum(oh, axis=0, keepdims=True)

    lax.fori_loop(0, NS // CH, rank_body, jnp.zeros((1, NB), F32))


def _undo_sort(bkt):
    lmat = jnp.asarray(np.tril(np.ones((CH, CH), np.float32), -1), BF16)
    return pl.pallas_call(
        _undo_kern,
        grid=(BH,),
        in_specs=[pl.BlockSpec((1, NS, 1), lambda i: (i, 0, 0)),
                  pl.BlockSpec((CH, CH), lambda i: (0, 0))],
        out_specs=pl.BlockSpec((1, NS, 1), lambda i: (i, 0, 0)),
        out_shape=jax.ShapeDtypeStruct((BH, NS, 1), jnp.int32),
    )(bkt, lmat)


SCH = 256
SKV = SCH + BUCKET
NSC = NS // SCH


def _attn_kern(sqkv_ref, stc_ref, str_ref, sop_ref):
    qi = lax.broadcasted_iota(jnp.int32, (SCH, SKV), 0) // BUCKET
    kj = lax.broadcasted_iota(jnp.int32, (SCH, SKV), 1) // BUCKET
    d = qi + 1 - kj
    outside = jnp.logical_or(d < 0, d > 1)

    def do_super(s, kv, kt):
        q = sqkv_ref[0, pl.ds(s * SCH, SCH), 0:DH]
        k = kv[:, 0:DH]
        vv = kv[:, DH:2 * DH]
        nrm = jnp.sqrt(jnp.sum(k * k, axis=1, keepdims=True))
        kn = k / jnp.maximum(nrm, 1e-12)
        dots = _bdot(q, kn, ((1,), (1,))) * (DH ** -0.5)
        qt = stc_ref[0, pl.ds(s * SCH, SCH), :]
        dots = jnp.where(qt == kt, -5e4, dots)
        dots = jnp.where(outside, -1e9, dots)
        mx = jnp.max(dots, axis=1, keepdims=True)
        ex = jnp.exp(dots - mx)
        lse = mx + jnp.log(jnp.sum(ex, axis=1, keepdims=True))
        probs = jnp.exp(dots - lse)
        bo = _bdot(probs, vv, ((1,), (0,)))
        sop_ref[0, pl.ds(s * SCH, SCH), 0:DH] = bo
        sop_ref[0, pl.ds(s * SCH, SCH), DH:DH + 16] = jnp.broadcast_to(
            lse, (SCH, 16))

    nps = SCH // BUCKET
    def kt_row(p):
        return str_ref[0, pl.ds(p, 1), :]

    kv0 = jnp.concatenate([sqkv_ref[0, pl.ds(NS - BUCKET, BUCKET), :],
                           sqkv_ref[0, pl.ds(0, SCH), :]], axis=0)
    kt0 = jnp.concatenate([kt_row(NC - 1)] + [kt_row(p) for p in range(nps)],
                          axis=1)
    do_super(0, kv0, kt0)

    def body(s, _):
        kv = sqkv_ref[0, pl.ds(s * SCH - BUCKET, SKV), :]
        kt = jnp.concatenate([kt_row(s * nps - 1 + p) for p in range(nps + 1)],
                             axis=1)
        do_super(s, kv, kt)
        return 0

    lax.fori_loop(1, NSC, body, 0)


def _attention(sqkv, st):
    stc = st.reshape(BH, NS, 1)
    strow = st.reshape(BH, NC, BUCKET)
    return pl.pallas_call(
        _attn_kern,
        grid=(BH,),
        in_specs=[
            pl.BlockSpec((1, NS, 2 * DH), lambda i: (i, 0, 0)),
            pl.BlockSpec((1, NS, 1), lambda i: (i, 0, 0)),
            pl.BlockSpec((1, NC, BUCKET), lambda i: (i, 0, 0)),
        ],
        out_specs=pl.BlockSpec((1, NS, 2 * DH), lambda i: (i, 0, 0)),
        out_shape=jax.ShapeDtypeStruct((BH, NS, 2 * DH), F32),
    )(sqkv, stc, strow)


def _combine_kern(og_ref, out_ref):
    for hh in range(2):
        lgs = [og_ref[0, hh, g, :, DH:DH + 1] for g in range(N_HASHES)]
        mx = lgs[0]
        for g in range(1, N_HASHES):
            mx = jnp.maximum(mx, lgs[g])
        ssum = sum(jnp.exp(lg - mx) for lg in lgs)
        lse = mx + jnp.log(ssum)
        acc = jnp.zeros((L_TOT, DH), F32)
        for g in range(N_HASHES):
            acc = acc + jnp.exp(lgs[g] - lse) * og_ref[0, hh, g, :, 0:DH]
        out_ref[0, :, hh * DH:(hh + 1) * DH] = acc


def _combine(og):
    return pl.pallas_call(
        _combine_kern,
        grid=(BATCH, N_HEADS // 2),
        in_specs=[pl.BlockSpec((1, 2, N_HASHES, L_TOT, 2 * DH),
                               lambda b, h: (b, h, 0, 0, 0))],
        out_specs=pl.BlockSpec((1, L_TOT, 2 * DH), lambda b, h: (b, 0, h)),
        out_shape=jax.ShapeDtypeStruct((BATCH, L_TOT, D_MODEL), F32),
    )(og)


def _ln(x, g, b):
    m = jnp.mean(x, axis=1, keepdims=True)
    v = jnp.mean((x - m) ** 2, axis=1, keepdims=True)
    return (x - m) / jnp.sqrt(v + 1e-5) * g + b


def _post_kern(attn_ref, enc_ref, wo_ref, bo_ref, g1_ref, bn1_ref, xr_ref):
    acc = _bdot(attn_ref[0], wo_ref[...], ((1,), (1,)))
    acc = acc + bo_ref[...] + enc_ref[0]
    xr_ref[0] = _ln(acc, g1_ref[...], bn1_ref[...])


def _post_attn(attn, enc, wo, bo, g1, bn1):
    n = L_TOT // RB
    return pl.pallas_call(
        _post_kern,
        grid=(BATCH, n),
        in_specs=[
            pl.BlockSpec((1, RB, D_MODEL), lambda b, i: (b, i, 0)),
            pl.BlockSpec((1, RB, D_MODEL), lambda b, i: (b, i, 0)),
            pl.BlockSpec((D_MODEL, D_MODEL), lambda b, i: (0, 0)),
            pl.BlockSpec((1, D_MODEL), lambda b, i: (0, 0)),
            pl.BlockSpec((1, D_MODEL), lambda b, i: (0, 0)),
            pl.BlockSpec((1, D_MODEL), lambda b, i: (0, 0)),
        ],
        out_specs=pl.BlockSpec((1, RB, D_MODEL), lambda b, i: (b, i, 0)),
        out_shape=jax.ShapeDtypeStruct((BATCH, L_TOT, D_MODEL), F32),
    )(attn, enc, wo, bo, g1, bn1)


FB = D_FF // 1024


def _ffn_kern(xr_ref, w1_ref, b1_ref, w2_ref, b2_ref, g2_ref, bn2_ref, out_ref):
    j = pl.program_id(2)
    y = _bdot(xr_ref[0], w1_ref[...], ((1,), (1,))) + b1_ref[...]
    y = 0.5 * y * (lax.erf(y * (2 ** -0.5)) + 1.0)
    part = _bdot(y, w2_ref[...], ((1,), (1,)))

    @pl.when(j == 0)
    def _():
        out_ref[0] = part

    @pl.when(j > 0)
    def _():
        out_ref[0] += part

    @pl.when(j == FB - 1)
    def _():
        acc = out_ref[0] + b2_ref[...] + xr_ref[0]
        out_ref[0] = _ln(acc, g2_ref[...], bn2_ref[...])


def _ffn(xr, w1, b1, w2, b2, g2, bn2):
    n = L_TOT // RB
    return pl.pallas_call(
        _ffn_kern,
        grid=(BATCH, n, FB),
        in_specs=[
            pl.BlockSpec((1, RB, D_MODEL), lambda b, i, j: (b, i, 0)),
            pl.BlockSpec((1024, D_MODEL), lambda b, i, j: (j, 0)),
            pl.BlockSpec((1, 1024), lambda b, i, j: (0, j)),
            pl.BlockSpec((D_MODEL, 1024), lambda b, i, j: (0, j)),
            pl.BlockSpec((1, D_MODEL), lambda b, i, j: (0, 0)),
            pl.BlockSpec((1, D_MODEL), lambda b, i, j: (0, 0)),
            pl.BlockSpec((1, D_MODEL), lambda b, i, j: (0, 0)),
        ],
        out_specs=pl.BlockSpec((1, RB, D_MODEL), lambda b, i, j: (b, i, 0)),
        out_shape=jax.ShapeDtypeStruct((BATCH, L_TOT, D_MODEL), F32),
    )(xr, w1, b1, w2, b2, g2, bn2)


def _final_kern(enc_ref, gf_ref, bf_ref, wp_ref, bp_ref, out_ref):
    x = _ln(enc_ref[0], gf_ref[...], bf_ref[...])
    out_ref[0] = _bdot(x, wp_ref[...], ((1,), (1,))) + bp_ref[...]


def _final(enc, gf, bf, wp, bp):
    n = L_TOT // RB
    return pl.pallas_call(
        _final_kern,
        grid=(BATCH, n),
        in_specs=[
            pl.BlockSpec((1, RB, D_MODEL), lambda b, i: (b, i, 0)),
            pl.BlockSpec((1, D_MODEL), lambda b, i: (0, 0)),
            pl.BlockSpec((1, D_MODEL), lambda b, i: (0, 0)),
            pl.BlockSpec((C_OUT, D_MODEL), lambda b, i: (0, 0)),
            pl.BlockSpec((1, C_OUT), lambda b, i: (0, 0)),
        ],
        out_specs=pl.BlockSpec((1, RB, C_OUT), lambda b, i: (b, i, 0)),
        out_shape=jax.ShapeDtypeStruct((BATCH, L_TOT, C_OUT), F32),
    )(enc, gf, bf, wp, bp)


CGN = 128


def _db_gather(tbl_row, idx_v, out_hbm, w, bufa, bufb, sema, semb):
    nchunk = NS // CGN

    def start(j, buf, sem):
        pltpu.async_copy(tbl_row.at[idx_v.at[pl.ds(j * CGN, CGN)]], buf, sem)

    def drain(buf, sem):
        pltpu.make_async_copy(out_hbm.at[w, pl.ds(0, CGN)], buf, sem).wait()

    start(0, bufa, sema)

    def body(j, _):
        even = j % 2 == 0

        @pl.when(jnp.logical_and(even, j + 1 < nchunk))
        def _():
            start(j + 1, bufb, semb)

        @pl.when(jnp.logical_and(jnp.logical_not(even), j + 1 < nchunk))
        def _():
            start(j + 1, bufa, sema)

        @pl.when(even)
        def _():
            drain(bufa, sema)
            pltpu.sync_copy(bufa, out_hbm.at[w, pl.ds(j * CGN, CGN)])

        @pl.when(jnp.logical_not(even))
        def _():
            drain(bufb, semb)
            pltpu.sync_copy(bufb, out_hbm.at[w, pl.ds(j * CGN, CGN)])

        return 0

    lax.fori_loop(0, nchunk, body, 0)


def _sc_sort_gather(undo, qkvr):
    mesh = plsc.VectorSubcoreMesh(core_axis_name="c", subcore_axis_name="s")

    @functools.partial(
        pl.kernel,
        mesh=mesh,
        out_type=[
            jax.ShapeDtypeStruct((BH, NS), jnp.int32),
            jax.ShapeDtypeStruct((BH, NS, 2 * DH), F32),
        ],
        scratch_types=[
            pltpu.VMEM((NS,), jnp.int32),
            pltpu.VMEM((NS,), jnp.int32),
            pltpu.VMEM((CGN, 2 * DH), F32),
            pltpu.VMEM((CGN, 2 * DH), F32),
            pltpu.SemaphoreType.DMA,
            pltpu.SemaphoreType.DMA,
        ],
        compiler_params=pltpu.CompilerParams(needs_layout_passes=False),
    )
    def k(undo_hbm, qkv_hbm, st_hbm, sqkv_hbm, undo_v, st_v, bufa, bufb,
          sema, semb):
        w = lax.axis_index("s") * 2 + lax.axis_index("c")
        pltpu.sync_copy(undo_hbm.at[w], undo_v)

        def scat(i, _):
            idx = undo_v[pl.ds(i * 16, 16)]
            val = (lax.iota(jnp.int32, 16) + i * 16) & (L_TOT - 1)
            plsc.store_scatter(st_v, [idx], val)
            return 0

        lax.fori_loop(0, NS // 16, scat, 0)
        pltpu.sync_copy(st_v, st_hbm.at[w])
        _db_gather(qkv_hbm.at[w], st_v, sqkv_hbm, w, bufa, bufb, sema, semb)

    return k(undo, qkvr)


def _sc_unsort_gather(sop, undo):
    mesh = plsc.VectorSubcoreMesh(core_axis_name="c", subcore_axis_name="s")
    D = 2 * DH

    @functools.partial(
        pl.kernel,
        mesh=mesh,
        out_type=jax.ShapeDtypeStruct((BH, NS, D), F32),
        scratch_types=[
            pltpu.VMEM((NS,), jnp.int32),
            pltpu.VMEM((CGN, D), F32),
            pltpu.VMEM((CGN, D), F32),
            pltpu.SemaphoreType.DMA,
            pltpu.SemaphoreType.DMA,
        ],
    )
    def k(sop_hbm, undo_hbm, og_hbm, undo_v, bufa, bufb, sema, semb):
        w = lax.axis_index("s") * 2 + lax.axis_index("c")
        pltpu.sync_copy(undo_hbm.at[w], undo_v)
        _db_gather(sop_hbm.at[w], undo_v, og_hbm, w, bufa, bufb, sema, semb)

    return k(sop, undo)


def _layer(enc, p, rm):
    wqk_h = p['Wqk'].reshape(N_HEADS, DH, D_MODEL)
    wv_h = p['Wv'].reshape(N_HEADS, DH, D_MODEL)
    qkv, bkt = _qkv_buckets(enc, wqk_h, wv_h, rm)
    qkvr = qkv.reshape(BH, L_TOT, 2 * DH)
    bktr = bkt.reshape(BH, NS, 1)
    undo = _undo_sort(bktr)[:, :, 0]
    st, sqkv = _sc_sort_gather(undo, qkvr)
    sop = _attention(sqkv, st)
    og = _sc_unsort_gather(sop, undo)
    attn = _combine(og.reshape(BATCH, N_HEADS, N_HASHES, L_TOT, 2 * DH))
    xr = _post_attn(attn, enc, p['Wo'], p['bo'].reshape(1, D_MODEL),
                    p['g1'].reshape(1, D_MODEL), p['bn1'].reshape(1, D_MODEL))
    return _ffn(xr, p['W1'], p['b1'].reshape(1, D_FF), p['W2'],
                p['b2'].reshape(1, D_MODEL), p['g2'].reshape(1, D_MODEL),
                p['bn2'].reshape(1, D_MODEL))


def kernel(x_enc, x_mark_enc, x_dec, x_mark_dec, params):
    x = jnp.concatenate([x_enc, x_dec[:, -PRED_LEN:, :]], axis=1)
    xm = jnp.concatenate([x_mark_enc, x_mark_dec[:, -PRED_LEN:, :]], axis=1)
    B, L, _ = x.shape
    W = params['conv_token']
    xin = jnp.concatenate([jnp.roll(x, 1, axis=1), x, jnp.roll(x, -1, axis=1), xm],
                          axis=-1)
    w_in = jnp.concatenate([W[:, :, 0].T, W[:, :, 1].T, W[:, :, 2].T,
                            params['W_timef'].T], axis=0)
    pe = _pos_embed(L, D_MODEL)
    pe2 = jnp.broadcast_to(pe[None], (B, L, D_MODEL)).reshape(B * L, D_MODEL)
    enc = _embed(xin.reshape(B * L, -1), w_in, pe2).reshape(B, L, D_MODEL)

    for li, p in enumerate(params['layers']):
        k = jax.random.fold_in(jax.random.key(42), li)
        rot = jax.random.normal(k, (1, DH, N_HASHES, NBK // 2), F32)
        rm = rot[0].reshape(DH, N_HASHES * (NBK // 2))
        enc = _layer(enc, p, rm)

    dec = _final(enc, params['gf'].reshape(1, D_MODEL),
                 params['bf'].reshape(1, D_MODEL), params['Wp'],
                 params['bp'].reshape(1, C_OUT))
    return dec[:, -PRED_LEN:, :]

# --- scband reference (transcript-rebuilt; emitter-appended) ---
"""Pipeline reference for scband-model-17471926960893 (READ-ONLY COPY).

The authoritative reference and input builder live on the scoring server;
editing this copy changes nothing except your own understanding.
"""

import jax, jax.numpy as jnp
import numpy as np

D_MODEL = 1024
N_HEADS = 16
D_FF = 4096
E_LAYERS = 2
ENC_IN = 21
C_OUT = 21
SEQ_LEN = 1536
PRED_LEN = 512
BUCKET = 64
N_HASHES = 4
MARK = 4
BATCH = 2


def _layer_norm(x, g, b):
    m = jnp.mean(x, axis=-1, keepdims=True)
    v = jnp.mean((x - m) ** 2, axis=-1, keepdims=True)
    return (x - m) / jnp.sqrt(v + 1e-5) * g + b


def _pos_embed(L, d):
    position = jnp.arange(L, dtype=jnp.float32)[:, None]
    div = jnp.exp(jnp.arange(0, d, 2, dtype=jnp.float32) * (-np.log(10000.0) / d))
    pe = jnp.zeros((L, d), jnp.float32)
    pe = pe.at[:, 0::2].set(jnp.sin(position * div))
    pe = pe.at[:, 1::2].set(jnp.cos(position * div))
    return pe


def _lsh_attention(qk, v, key):
    # qk, v: [bh, t, dh]; shared-QK LSH attention, faithful to reformer_pytorch LSHAttention
    bh, t, dh = qk.shape
    n_buckets = t // BUCKET
    rot = jax.random.normal(key, (1, dh, N_HASHES, n_buckets // 2), jnp.float32)
    rot = jnp.broadcast_to(rot, (bh, dh, N_HASHES, n_buckets // 2))
    rotated = jnp.einsum('btf,bfhi->bhti', qk, rot)
    rotated = jnp.concatenate([rotated, -rotated], axis=-1)
    buckets = jnp.argmax(rotated, axis=-1)  # [bh, n_hashes, t]
    offsets = (jnp.arange(N_HASHES) * n_buckets)[None, :, None]
    buckets = (buckets + offsets).reshape(bh, N_HASHES * t)
    ticker = jnp.broadcast_to(jnp.arange(N_HASHES * t)[None, :], (bh, N_HASHES * t))
    buckets_and_t = t * buckets + (ticker % t)
    sticker = jnp.argsort(buckets_and_t, axis=-1)
    undo_sort = jnp.argsort(sticker, axis=-1)
    st = sticker % t
    sqk = jnp.take_along_axis(qk, st[..., None], axis=1)
    sv = jnp.take_along_axis(v, st[..., None], axis=1)
    n_chunks = N_HASHES * n_buckets
    bq_t = st.reshape(bh, n_chunks, BUCKET)
    bqk = sqk.reshape(bh, n_chunks, BUCKET, dh)
    bv = sv.reshape(bh, n_chunks, BUCKET, dh)
    bq = bqk
    bk = bqk / jnp.maximum(jnp.linalg.norm(bqk, axis=-1, keepdims=True), 1e-12)
    def look_one_back(x):
        return jnp.concatenate([x, jnp.roll(x, 1, axis=1)], axis=2)
    bk = look_one_back(bk)
    bv = look_one_back(bv)
    bkv_t = look_one_back(bq_t)
    dots = jnp.einsum('bcie,bcje->bcij', bq, bk) * (dh ** -0.5)
    self_mask = bq_t[:, :, :, None] == bkv_t[:, :, None, :]
    dots = jnp.where(self_mask, -5e4, dots)
    dots_lse = jax.scipy.special.logsumexp(dots, axis=-1, keepdims=True)
    probs = jnp.exp(dots - dots_lse)
    bo = jnp.einsum('bcij,bcje->bcie', probs, bv)
    so = bo.reshape(bh, -1, dh)
    slogits = dots_lse.reshape(bh, -1)
    o = jnp.take_along_axis(so, undo_sort[..., None], axis=1)
    logits = jnp.take_along_axis(slogits, undo_sort, axis=1)
    o = o.reshape(bh, N_HASHES, t, dh)
    logits = logits.reshape(bh, N_HASHES, t, 1)
    w = jnp.exp(logits - jax.scipy.special.logsumexp(logits, axis=1, keepdims=True))
    return jnp.sum(o * w, axis=1)


def _lsh_self_attn(x, p, key):
    b, t, d = x.shape
    h = N_HEADS
    dh = d // h
    qk = x @ p['Wqk'].T
    v = x @ p['Wv'].T
    def split(z):
        return z.reshape(b, t, h, dh).transpose(0, 2, 1, 3).reshape(b * h, t, dh)
    out = _lsh_attention(split(qk), split(v), key)
    out = out.reshape(b, h, t, dh).transpose(0, 2, 1, 3).reshape(b, t, d)
    return out @ p['Wo'].T + p['bo']


def _forward(x_enc, x_mark_enc, x_dec, x_mark_dec, params):
    x = jnp.concatenate([x_enc, x_dec[:, -PRED_LEN:, :]], axis=1)
    xm = jnp.concatenate([x_mark_enc, x_mark_dec[:, -PRED_LEN:, :]], axis=1)
    B, L, _ = x.shape
    W = params['conv_token']  # [d_model, c_in, 3], circular conv1d k=3 pad=1
    xp = jnp.concatenate([x[:, -1:, :], x, x[:, :1, :]], axis=1)
    val = sum(jnp.einsum('blc,dc->bld', xp[:, k:k + L, :], W[:, :, k]) for k in range(3))
    temp = xm @ params['W_timef'].T
    enc = val + temp + _pos_embed(L, D_MODEL)[None]
    for li, p in enumerate(params['layers']):
        k = jax.random.fold_in(jax.random.key(42), li)
        new_x = _lsh_self_attn(enc, p, k)
        xr = enc + new_x
        xr = _layer_norm(xr, p['g1'], p['bn1'])
        y = jax.nn.gelu(xr @ p['W1'].T + p['b1'], approximate=False)
        y = y @ p['W2'].T + p['b2']
        enc = _layer_norm(xr + y, p['g2'], p['bn2'])
    enc = _layer_norm(enc, params['gf'], params['bf'])
    dec = enc @ params['Wp'].T + params['bp']
    return dec[:, -PRED_LEN:, :]


def setup_inputs(seed: int = 0) -> dict:
    key = jax.random.key(seed)
    ks = jax.random.split(key, 24)
    def w(k, shape):
        return jax.random.normal(k, shape, jnp.float32) * 0.02
    inp = {}
    inp['x_enc'] = jax.random.normal(ks[0], (BATCH, SEQ_LEN, ENC_IN), jnp.float32)
    inp['x_mark_enc'] = jax.random.normal(ks[1], (BATCH, SEQ_LEN, MARK), jnp.float32)
    inp['x_dec'] = jax.random.normal(ks[2], (BATCH, PRED_LEN, ENC_IN), jnp.float32)
    inp['x_mark_dec'] = jax.random.normal(ks[3], (BATCH, PRED_LEN, MARK), jnp.float32)
    params = {
        'conv_token': w(ks[4], (D_MODEL, ENC_IN, 3)),
        'W_timef': w(ks[5], (D_MODEL, MARK)),
        'Wp': w(ks[6], (C_OUT, D_MODEL)),
        'bp': jnp.zeros((C_OUT,), jnp.float32),
        'gf': jnp.ones((D_MODEL,), jnp.float32),
        'bf': jnp.zeros((D_MODEL,), jnp.float32),
        'layers': [],
    }
    i = 7
    for l in range(E_LAYERS):
        params['layers'].append({
            'Wqk': w(ks[i], (D_MODEL, D_MODEL)),
            'Wv': w(ks[i + 1], (D_MODEL, D_MODEL)),
            'Wo': w(ks[i + 2], (D_MODEL, D_MODEL)),
            'bo': jnp.zeros((D_MODEL,), jnp.float32),
            'W1': w(ks[i + 3], (D_FF, D_MODEL)),
            'b1': jnp.zeros((D_FF,), jnp.float32),
            'W2': w(ks[i + 4], (D_MODEL, D_FF)),
            'b2': jnp.zeros((D_MODEL,), jnp.float32),
            'g1': jnp.ones((D_MODEL,), jnp.float32),
            'bn1': jnp.zeros((D_MODEL,), jnp.float32),
            'g2': jnp.ones((D_MODEL,), jnp.float32),
            'bn2': jnp.zeros((D_MODEL,), jnp.float32),
        })
        i += 5
    inp['params'] = params
    return inp


def reference(x_enc, x_mark_enc, x_dec, x_mark_dec, params):
    return _forward(x_enc, x_mark_enc, x_dec, x_mark_dec, params)

if __name__ == "__main__":
    import jax
    _d = setup_inputs()
    print(jax.jit(kernel)(*tuple(_d.values())))

</pallas_src>

<mosaic_0001>
#map = affine_map<(d0, d1) -> (0, 0, 0)>
#map1 = affine_map<(d0, d1) -> (0, 0)>
module attributes {stable_mosaic.version = 14 : i64} {
  func.func @k(%arg0: i32, %arg1: i32, %arg2: memref<32x8192x128xf32, #tpu.memory_space<hbm>>, %arg3: memref<32x8192xi32, #tpu.memory_space<hbm>>, %arg4: memref<32x8192x128xf32, #tpu.memory_space<hbm>>, %arg5: memref<8192xi32, #tpu.memory_space<vmem>>, %arg6: memref<128x128xf32, #tpu.memory_space<vmem>>, %arg7: memref<128x128xf32, #tpu.memory_space<vmem>>, %arg8: memref<!tpu.dma_semaphore, #tpu.memory_space<semaphore_mem>>, %arg9: memref<!tpu.dma_semaphore, #tpu.memory_space<semaphore_mem>>) attributes {dimension_semantics = [#tpu.dimension_semantics<core_parallel>, #tpu.dimension_semantics<subcore_parallel>], iteration_bounds = array<i64: 2, 16>, scalar_prefetch = 0 : i64, scratch_operands = 5 : i64, tpu.core_type = #tpu.core_type<sc_vector_subcore>, window_params = [{transform_indices = #map}, {transform_indices = #map1}, {transform_indices = #map}]} {
    %mul3A = arith.constant 2 : i32
    %mul3A_0 = arith.muli %arg1, %mul3A : i32
    %add3A = arith.addi %mul3A_0, %arg0 : i32
    "tpu.region"() ({
      %run_scoped3A = tpu.sem_alloc : memref<!tpu.dma_semaphore, #tpu.memory_space<semaphore_mem>>
      %dma_start3A_15 = arith.constant 0 : i32
      %dma_start3A_16 = tpu.memref_slice %arg3[%add3A, %dma_start3A_15] : memref<32x8192xi32, #tpu.memory_space<hbm>> -> memref<1x8192xi32, #tpu.memory_space<hbm>>
      %dma_start3A_17 = tpu.memref_squeeze %dma_start3A_16 : memref<1x8192xi32, #tpu.memory_space<hbm>> -> memref<8192xi32, #tpu.memory_space<hbm>>
      %dma_start3A_18 = arith.constant 0 : i32
      %dma_start3A_19 = tpu.memref_slice %arg3[%add3A, %dma_start3A_18] : memref<32x8192xi32, #tpu.memory_space<hbm>> -> memref<1x8192xi32, #tpu.memory_space<hbm>>
      %dma_start3A_20 = tpu.memref_squeeze %dma_start3A_19 : memref<1x8192xi32, #tpu.memory_space<hbm>> -> memref<8192xi32, #tpu.memory_space<hbm>>
      tpu.enqueue_dma source(%dma_start3A_20 : memref<8192xi32, #tpu.memory_space<hbm>>) target(%arg5 : memref<8192xi32, #tpu.memory_space<vmem>>) target_semaphore(%run_scoped3A : memref<!tpu.dma_semaphore, #tpu.memory_space<semaphore_mem>>)
      %dma_wait3A = arith.constant 0 : i32
      %dma_wait3A_21 = tpu.memref_slice %arg3[%add3A, %dma_wait3A] : memref<32x8192xi32, #tpu.memory_space<hbm>> -> memref<1x8192xi32, #tpu.memory_space<hbm>>
      %dma_wait3A_22 = tpu.memref_squeeze %dma_wait3A_21 : memref<1x8192xi32, #tpu.memory_space<hbm>> -> memref<8192xi32, #tpu.memory_space<hbm>>
      %dma_wait3A_23 = arith.constant 0 : i32
      %dma_wait3A_24 = tpu.memref_slice %arg3[%add3A, %dma_wait3A_23] : memref<32x8192xi32, #tpu.memory_space<hbm>> -> memref<1x8192xi32, #tpu.memory_space<hbm>>
      %dma_wait3A_25 = tpu.memref_squeeze %dma_wait3A_24 : memref<1x8192xi32, #tpu.memory_space<hbm>> -> memref<8192xi32, #tpu.memory_space<hbm>>
      tpu.wait_dma2 semaphore(%run_scoped3A : memref<!tpu.dma_semaphore, #tpu.memory_space<semaphore_mem>>) src(%dma_wait3A_25 : memref<8192xi32, #tpu.memory_space<hbm>>) dst(%arg5 : memref<8192xi32, #tpu.memory_space<vmem>>)
      tpu.yield
    }) : () -> ()
    %dma_start3A = arith.constant 0 : i32
    %dma_start3A_1 = tpu.memref_slice %arg5[%dma_start3A] : memref<8192xi32, #tpu.memory_space<vmem>> -> memref<128xi32, #tpu.memory_space<vmem>>
    %dma_start3A_2 = arith.constant 0 : i32
    %dma_start3A_3 = arith.constant 0 : i32
    %dma_start3A_4 = tpu.memref_slice %arg2[%add3A, %dma_start3A_2, %dma_start3A_3] : memref<32x8192x128xf32, #tpu.memory_space<hbm>> -> memref<1x8192x128xf32, #tpu.memory_space<hbm>>
    %dma_start3A_5 = tpu.memref_squeeze %dma_start3A_4 : memref<1x8192x128xf32, #tpu.memory_space<hbm>> -> memref<8192x128xf32, #tpu.memory_space<hbm>>
    %dma_start3A_6 = arith.constant 0 : i32
    %dma_start3A_7 = arith.constant 0 : i32
    %dma_start3A_8 = tpu.memref_slice %dma_start3A_5[%dma_start3A_6, %dma_start3A_7] : memref<8192x128xf32, #tpu.memory_space<hbm>> -> memref<8192x128xf32, #tpu.memory_space<hbm>>
    tpu.enqueue_indirect_dma source(%dma_start3A_8 : memref<8192x128xf32, #tpu.memory_space<hbm>>) target(%arg6 : memref<128x128xf32, #tpu.memory_space<vmem>>) offsets(%dma_start3A_1 : memref<128xi32, #tpu.memory_space<vmem>>) semaphore(%arg8 : memref<!tpu.dma_semaphore, #tpu.memory_space<semaphore_mem>>)
    %scan3A = arith.constant 0 : i32
    %scan3A_9 = arith.constant 0 : i32
    %scan3A_10 = arith.constant 64 : i32
    %scan3A_11 = arith.addi %scan3A_9, %scan3A_10 : i32
    %scan3A_12 = arith.constant 1 : i32
    %scan3A_13 = scf.for %scan3A_15 = %scan3A_9 to %scan3A_11 step %scan3A_12 iter_args(%scan3A_16 = %scan3A) -> (i32)  : i32 {
      %jit3A = arith.constant 2 : i32
      %eq3A = arith.constant 0 : i32
      %eq3A_17 = arith.cmpi eq, %jit3A, %eq3A : i32
      %jit3A_18 = arith.constant 1 : i32
      %select_n3A = arith.select %eq3A_17, %jit3A_18, %jit3A : i32
      %rem3A = arith.remsi %scan3A_15, %select_n3A : i32
      %ne3A = arith.constant 0 : i32
      %ne3A_19 = arith.cmpi ne, %rem3A, %ne3A : i32
      %lt3A = arith.constant 0 : i32
      %lt3A_20 = arith.cmpi slt, %rem3A, %lt3A : i32
      %lt3A_21 = arith.constant 0 : i32
      %lt3A_22 = arith.cmpi slt, %select_n3A, %lt3A_21 : i32
      %ne3A_23 = arith.xori %lt3A_20, %lt3A_22 : i1
      %and3A = arith.andi %ne3A_23, %ne3A_19 : i1
      %add3A_24 = arith.addi %rem3A, %select_n3A : i32
      %select_n3A_25 = arith.select %and3A, %add3A_24, %rem3A : i32
      %eq3A_26 = arith.constant 0 : i32
      %eq3A_27 = arith.cmpi eq, %select_n3A_25, %eq3A_26 : i32
      %add3A_28 = arith.constant 1 : i32
      %add3A_29 = arith.addi %scan3A_15, %add3A_28 : i32
      %lt3A_30 = arith.constant 64 : i32
      %lt3A_31 = arith.cmpi slt, %add3A_29, %lt3A_30 : i32
      %and3A_32 = arith.andi %eq3A_27, %lt3A_31 : i1
      %convert_element_type3A = arith.extui %and3A_32 : i1 to i32
      %cond3A = arith.constant 0 : i32
      %cond3A_33 = arith.cmpi ne, %convert_element_type3A, %cond3A : i32
      scf.if %cond3A_33 {
        %add3A_52 = arith.constant 1 : i32
        %add3A_53 = arith.addi %scan3A_15, %add3A_52 : i32
        %mul3A_54 = arith.constant 128 : i32
        %mul3A_55 = arith.muli %add3A_53, %mul3A_54 : i32
        %dma_start3A_56 = tpu.memref_slice %arg5[%mul3A_55] : memref<8192xi32, #tpu.memory_space<vmem>> -> memref<128xi32, #tpu.memory_space<vmem>>
        %dma_start3A_57 = arith.constant 0 : i32
        %dma_start3A_58 = arith.constant 0 : i32
        %dma_start3A_59 = tpu.memref_slice %arg2[%add3A, %dma_start3A_57, %dma_start3A_58] : memref<32x8192x128xf32, #tpu.memory_space<hbm>> -> memref<1x8192x128xf32, #tpu.memory_space<hbm>>
        %dma_start3A_60 = tpu.memref_squeeze %dma_start3A_59 : memref<1x8192x128xf32, #tpu.memory_space<hbm>> -> memref<8192x128xf32, #tpu.memory_space<hbm>>
        %dma_start3A_61 = arith.constant 0 : i32
        %dma_start3A_62 = arith.constant 0 : i32
        %dma_start3A_63 = tpu.memref_slice %dma_start3A_60[%dma_start3A_61, %dma_start3A_62] : memref<8192x128xf32, #tpu.memory_space<hbm>> -> memref<8192x128xf32, #tpu.memory_space<hbm>>
        tpu.enqueue_indirect_dma source(%dma_start3A_63 : memref<8192x128xf32, #tpu.memory_space<hbm>>) target(%arg7 : memref<128x128xf32, #tpu.memory_space<vmem>>) offsets(%dma_start3A_56 : memref<128xi32, #tpu.memory_space<vmem>>) semaphore(%arg9 : memref<!tpu.dma_semaphore, #tpu.memory_space<semaphore_mem>>)
      } else {
      }
      %not3A = arith.constant true
      %not3A_34 = arith.xori %eq3A_27, %not3A : i1
      %add3A_35 = arith.constant 1 : i32
      %add3A_36 = arith.addi %scan3A_15, %add3A_35 : i32
      %lt3A_37 = arith.constant 64 : i32
      %lt3A_38 = arith.cmpi slt, %add3A_36, %lt3A_37 : i32
      %and3A_39 = arith.andi %not3A_34, %lt3A_38 : i1
      %convert_element_type3A_40 = arith.extui %and3A_39 : i1 to i32
      %cond3A_41 = arith.constant 0 : i32
      %cond3A_42 = arith.cmpi ne, %convert_element_type3A_40, %cond3A_41 : i32
      scf.if %cond3A_42 {
        %add3A_52 = arith.constant 1 : i32
        %add3A_53 = arith.addi %scan3A_15, %add3A_52 : i32
        %mul3A_54 = arith.constant 128 : i32
        %mul3A_55 = arith.muli %add3A_53, %mul3A_54 : i32
        %dma_start3A_56 = tpu.memref_slice %arg5[%mul3A_55] : memref<8192xi32, #tpu.memory_space<vmem>> -> memref<128xi32, #tpu.memory_space<vmem>>
        %dma_start3A_57 = arith.constant 0 : i32
        %dma_start3A_58 = arith.constant 0 : i32
        %dma_start3A_59 = tpu.memref_slice %arg2[%add3A, %dma_start3A_57, %dma_start3A_58] : memref<32x8192x128xf32, #tpu.memory_space<hbm>> -> memref<1x8192x128xf32, #tpu.memory_space<hbm>>
        %dma_start3A_60 = tpu.memref_squeeze %dma_start3A_59 : memref<1x8192x128xf32, #tpu.memory_space<hbm>> -> memref<8192x128xf32, #tpu.memory_space<hbm>>
        %dma_start3A_61 = arith.constant 0 : i32
        %dma_start3A_62 = arith.constant 0 : i32
        %dma_start3A_63 = tpu.memref_slice %dma_start3A_60[%dma_start3A_61, %dma_start3A_62] : memref<8192x128xf32, #tpu.memory_space<hbm>> -> memref<8192x128xf32, #tpu.memory_space<hbm>>
        tpu.enqueue_indirect_dma source(%dma_start3A_63 : memref<8192x128xf32, #tpu.memory_space<hbm>>) target(%arg6 : memref<128x128xf32, #tpu.memory_space<vmem>>) offsets(%dma_start3A_56 : memref<128xi32, #tpu.memory_space<vmem>>) semaphore(%arg8 : memref<!tpu.dma_semaphore, #tpu.memory_space<semaphore_mem>>)
      } else {
      }
      %convert_element_type3A_43 = arith.extui %eq3A_27 : i1 to i32
      %cond3A_44 = arith.constant 0 : i32
      %cond3A_45 = arith.cmpi ne, %convert_element_type3A_43, %cond3A_44 : i32
      scf.if %cond3A_45 {
        %dma_wait3A = arith.constant 0 : i32
        %dma_wait3A_52 = arith.constant 0 : i32
        %dma_wait3A_53 = tpu.memref_slice %arg4[%add3A, %dma_wait3A, %dma_wait3A_52] : memref<32x8192x128xf32, #tpu.memory_space<hbm>> -> memref<1x128x128xf32, #tpu.memory_space<hbm>>
        %dma_wait3A_54 = tpu.memref_squeeze %dma_wait3A_53 : memref<1x128x128xf32, #tpu.memory_space<hbm>> -> memref<128x128xf32, #tpu.memory_space<hbm>>
        %dma_wait3A_55 = arith.constant 0 : i32
        %dma_wait3A_56 = arith.constant 0 : i32
        %dma_wait3A_57 = tpu.memref_slice %arg4[%add3A, %dma_wait3A_55, %dma_wait3A_56] : memref<32x8192x128xf32, #tpu.memory_space<hbm>> -> memref<1x128x128xf32, #tpu.memory_space<hbm>>
        %dma_wait3A_58 = tpu.memref_squeeze %dma_wait3A_57 : memref<1x128x128xf32, #tpu.memory_space<hbm>> -> memref<128x128xf32, #tpu.memory_space<hbm>>
        tpu.wait_dma2 semaphore(%arg8 : memref<!tpu.dma_semaphore, #tpu.memory_space<semaphore_mem>>) src(%dma_wait3A_58 : memref<128x128xf32, #tpu.memory_space<hbm>>) dst(%arg6 : memref<128x128xf32, #tpu.memory_space<vmem>>)
        %mul3A_59 = arith.constant 128 : i32
        %mul3A_60 = arith.muli %scan3A_15, %mul3A_59 : i32
        "tpu.region"() ({
          %run_scoped3A = tpu.sem_alloc : memref<!tpu.dma_semaphore, #tpu.memory_space<semaphore_mem>>
          %dma_start3A_61 = arith.constant 0 : i32
          %dma_start3A_62 = tpu.memref_slice %arg4[%add3A, %mul3A_60, %dma_start3A_61] : memref<32x8192x128xf32, #tpu.memory_space<hbm>> -> memref<1x128x128xf32, #tpu.memory_space<hbm>>
          %dma_start3A_63 = tpu.memref_squeeze %dma_start3A_62 : memref<1x128x128xf32, #tpu.memory_space<hbm>> -> memref<128x128xf32, #tpu.memory_space<hbm>>
          %dma_start3A_64 = arith.constant 0 : i32
          %dma_start3A_65 = tpu.memref_slice %arg4[%add3A, %mul3A_60, %dma_start3A_64] : memref<32x8192x128xf32, #tpu.memory_space<hbm>> -> memref<1x128x128xf32, #tpu.memory_space<hbm>>
          %dma_start3A_66 = tpu.memref_squeeze %dma_start3A_65 : memref<1x128x128xf32, #tpu.memory_space<hbm>> -> memref<128x128xf32, #tpu.memory_space<hbm>>
          tpu.enqueue_dma source(%arg6 : memref<128x128xf32, #tpu.memory_space<vmem>>) target(%dma_start3A_66 : memref<128x128xf32, #tpu.memory_space<hbm>>) target_semaphore(%run_scoped3A : memref<!tpu.dma_semaphore, #tpu.memory_space<semaphore_mem>>)
          %dma_wait3A_67 = arith.constant 0 : i32
          %dma_wait3A_68 = tpu.memref_slice %arg4[%add3A, %mul3A_60, %dma_wait3A_67] : memref<32x8192x128xf32, #tpu.memory_space<hbm>> -> memref<1x128x128xf32, #tpu.memory_space<hbm>>
          %dma_wait3A_69 = tpu.memref_squeeze %dma_wait3A_68 : memref<1x128x128xf32, #tpu.memory_space<hbm>> -> memref<128x128xf32, #tpu.memory_space<hbm>>
          %dma_wait3A_70 = arith.constant 0 : i32
          %dma_wait3A_71 = tpu.memref_slice %arg4[%add3A, %mul3A_60, %dma_wait3A_70] : memref<32x8192x128xf32, #tpu.memory_space<hbm>> -> memref<1x128x128xf32, #tpu.memory_space<hbm>>
          %dma_wait3A_72 = tpu.memref_squeeze %dma_wait3A_71 : memref<1x128x128xf32, #tpu.memory_space<hbm>> -> memref<128x128xf32, #tpu.memory_space<hbm>>
          tpu.wait_dma2 semaphore(%run_scoped3A : memref<!tpu.dma_semaphore, #tpu.memory_space<semaphore_mem>>) src(%arg6 : memref<128x128xf32, #tpu.memory_space<vmem>>) dst(%dma_wait3A_72 : memref<128x128xf32, #tpu.memory_space<hbm>>)
          tpu.yield
        }) : () -> ()
      } else {
      }
      %not3A_46 = arith.constant true
      %not3A_47 = arith.xori %eq3A_27, %not3A_46 : i1
      %convert_element_type3A_48 = arith.extui %not3A_47 : i1 to i32
      %cond3A_49 = arith.constant 0 : i32
      %cond3A_50 = arith.cmpi ne, %convert_element_type3A_48, %cond3A_49 : i32
      scf.if %cond3A_50 {
        %dma_wait3A = arith.constant 0 : i32
        %dma_wait3A_52 = arith.constant 0 : i32
        %dma_wait3A_53 = tpu.memref_slice %arg4[%add3A, %dma_wait3A, %dma_wait3A_52] : memref<32x8192x128xf32, #tpu.memory_space<hbm>> -> memref<1x128x128xf32, #tpu.memory_space<hbm>>
        %dma_wait3A_54 = tpu.memref_squeeze %dma_wait3A_53 : memref<1x128x128xf32, #tpu.memory_space<hbm>> -> memref<128x128xf32, #tpu.memory_space<hbm>>
        %dma_wait3A_55 = arith.constant 0 : i32
        %dma_wait3A_56 = arith.constant 0 : i32
        %dma_wait3A_57 = tpu.memref_slice %arg4[%add3A, %dma_wait3A_55, %dma_wait3A_56] : memref<32x8192x128xf32, #tpu.memory_space<hbm>> -> memref<1x128x128xf32, #tpu.memory_space<hbm>>
        %dma_wait3A_58 = tpu.memref_squeeze %dma_wait3A_57 : memref<1x128x128xf32, #tpu.memory_space<hbm>> -> memref<128x128xf32, #tpu.memory_space<hbm>>
        tpu.wait_dma2 semaphore(%arg9 : memref<!tpu.dma_semaphore, #tpu.memory_space<semaphore_mem>>) src(%dma_wait3A_58 : memref<128x128xf32, #tpu.memory_space<hbm>>) dst(%arg7 : memref<128x128xf32, #tpu.memory_space<vmem>>)
        %mul3A_59 = arith.constant 128 : i32
        %mul3A_60 = arith.muli %scan3A_15, %mul3A_59 : i32
        "tpu.region"() ({
          %run_scoped3A = tpu.sem_alloc : memref<!tpu.dma_semaphore, #tpu.memory_space<semaphore_mem>>
          %dma_start3A_61 = arith.constant 0 : i32
          %dma_start3A_62 = tpu.memref_slice %arg4[%add3A, %mul3A_60, %dma_start3A_61] : memref<32x8192x128xf32, #tpu.memory_space<hbm>> -> memref<1x128x128xf32, #tpu.memory_space<hbm>>
          %dma_start3A_63 = tpu.memref_squeeze %dma_start3A_62 : memref<1x128x128xf32, #tpu.memory_space<hbm>> -> memref<128x128xf32, #tpu.memory_space<hbm>>
          %dma_start3A_64 = arith.constant 0 : i32
          %dma_start3A_65 = tpu.memref_slice %arg4[%add3A, %mul3A_60, %dma_start3A_64] : memref<32x8192x128xf32, #tpu.memory_space<hbm>> -> memref<1x128x128xf32, #tpu.memory_space<hbm>>
          %dma_start3A_66 = tpu.memref_squeeze %dma_start3A_65 : memref<1x128x128xf32, #tpu.memory_space<hbm>> -> memref<128x128xf32, #tpu.memory_space<hbm>>
          tpu.enqueue_dma source(%arg7 : memref<128x128xf32, #tpu.memory_space<vmem>>) target(%dma_start3A_66 : memref<128x128xf32, #tpu.memory_space<hbm>>) target_semaphore(%run_scoped3A : memref<!tpu.dma_semaphore, #tpu.memory_space<semaphore_mem>>)
          %dma_wait3A_67 = arith.constant 0 : i32
          %dma_wait3A_68 = tpu.memref_slice %arg4[%add3A, %mul3A_60, %dma_wait3A_67] : memref<32x8192x128xf32, #tpu.memory_space<hbm>> -> memref<1x128x128xf32, #tpu.memory_space<hbm>>
          %dma_wait3A_69 = tpu.memref_squeeze %dma_wait3A_68 : memref<1x128x128xf32, #tpu.memory_space<hbm>> -> memref<128x128xf32, #tpu.memory_space<hbm>>
          %dma_wait3A_70 = arith.constant 0 : i32
          %dma_wait3A_71 = tpu.memref_slice %arg4[%add3A, %mul3A_60, %dma_wait3A_70] : memref<32x8192x128xf32, #tpu.memory_space<hbm>> -> memref<1x128x128xf32, #tpu.memory_space<hbm>>
          %dma_wait3A_72 = tpu.memref_squeeze %dma_wait3A_71 : memref<1x128x128xf32, #tpu.memory_space<hbm>> -> memref<128x128xf32, #tpu.memory_space<hbm>>
          tpu.wait_dma2 semaphore(%run_scoped3A : memref<!tpu.dma_semaphore, #tpu.memory_space<semaphore_mem>>) src(%arg7 : memref<128x128xf32, #tpu.memory_space<vmem>>) dst(%dma_wait3A_72 : memref<128x128xf32, #tpu.memory_space<hbm>>)
          tpu.yield
        }) : () -> ()
      } else {
      }
      %scan3A_51 = arith.constant 0 : i32
      scf.yield %scan3A_51 : i32
    }
    %scan3A_14 = arith.constant 64 : i32
    return
  }
}

#map = affine_map<(d0, d1) -> (0, 0)>
#map1 = affine_map<(d0, d1) -> (0, 0, 0)>
module attributes {stable_mosaic.version = 14 : i64} {
  func.func @k(%arg0: i32, %arg1: i32, %arg2: memref<32x8192xi32, #tpu.memory_space<hbm>>, %arg3: memref<32x2048x128xf32, #tpu.memory_space<hbm>>, %arg4: memref<32x8192xi32, #tpu.memory_space<hbm>>, %arg5: memref<32x8192x128xf32, #tpu.memory_space<hbm>>, %arg6: memref<8192xi32, #tpu.memory_space<vmem>>, %arg7: memref<8192xi32, #tpu.memory_space<vmem>>, %arg8: memref<128x128xf32, #tpu.memory_space<vmem>>, %arg9: memref<128x128xf32, #tpu.memory_space<vmem>>, %arg10: memref<!tpu.dma_semaphore, #tpu.memory_space<semaphore_mem>>, %arg11: memref<!tpu.dma_semaphore, #tpu.memory_space<semaphore_mem>>) attributes {dimension_semantics = [#tpu.dimension_semantics<core_parallel>, #tpu.dimension_semantics<subcore_parallel>], iteration_bounds = array<i64: 2, 16>, scalar_prefetch = 0 : i64, scratch_operands = 6 : i64, tpu.core_type = #tpu.core_type<sc_vector_subcore>, window_params = [{transform_indices = #map}, {transform_indices = #map1}, {transform_indices = #map}, {transform_indices = #map1}]} {
    %mul3A = arith.constant 2 : i32
    %mul3A_0 = arith.muli %arg1, %mul3A : i32
    %add3A = arith.addi %mul3A_0, %arg0 : i32
    "tpu.region"() ({
      %run_scoped3A = tpu.sem_alloc : memref<!tpu.dma_semaphore, #tpu.memory_space<semaphore_mem>>
      %dma_start3A_22 = arith.constant 0 : i32
      %dma_start3A_23 = tpu.memref_slice %arg2[%add3A, %dma_start3A_22] : memref<32x8192xi32, #tpu.memory_space<hbm>> -> memref<1x8192xi32, #tpu.memory_space<hbm>>
      %dma_start3A_24 = tpu.memref_squeeze %dma_start3A_23 : memref<1x8192xi32, #tpu.memory_space<hbm>> -> memref<8192xi32, #tpu.memory_space<hbm>>
      %dma_start3A_25 = arith.constant 0 : i32
      %dma_start3A_26 = tpu.memref_slice %arg2[%add3A, %dma_start3A_25] : memref<32x8192xi32, #tpu.memory_space<hbm>> -> memref<1x8192xi32, #tpu.memory_space<hbm>>
      %dma_start3A_27 = tpu.memref_squeeze %dma_start3A_26 : memref<1x8192xi32, #tpu.memory_space<hbm>> -> memref<8192xi32, #tpu.memory_space<hbm>>
      tpu.enqueue_dma source(%dma_start3A_27 : memref<8192xi32, #tpu.memory_space<hbm>>) target(%arg6 : memref<8192xi32, #tpu.memory_space<vmem>>) target_semaphore(%run_scoped3A : memref<!tpu.dma_semaphore, #tpu.memory_space<semaphore_mem>>)
      %dma_wait3A = arith.constant 0 : i32
      %dma_wait3A_28 = tpu.memref_slice %arg2[%add3A, %dma_wait3A] : memref<32x8192xi32, #tpu.memory_space<hbm>> -> memref<1x8192xi32, #tpu.memory_space<hbm>>
      %dma_wait3A_29 = tpu.memref_squeeze %dma_wait3A_28 : memref<1x8192xi32, #tpu.memory_space<hbm>> -> memref<8192xi32, #tpu.memory_space<hbm>>
      %dma_wait3A_30 = arith.constant 0 : i32
      %dma_wait3A_31 = tpu.memref_slice %arg2[%add3A, %dma_wait3A_30] : memref<32x8192xi32, #tpu.memory_space<hbm>> -> memref<1x8192xi32, #tpu.memory_space<hbm>>
      %dma_wait3A_32 = tpu.memref_squeeze %dma_wait3A_31 : memref<1x8192xi32, #tpu.memory_space<hbm>> -> memref<8192xi32, #tpu.memory_space<hbm>>
      tpu.wait_dma2 semaphore(%run_scoped3A : memref<!tpu.dma_semaphore, #tpu.memory_space<semaphore_mem>>) src(%dma_wait3A_32 : memref<8192xi32, #tpu.memory_space<hbm>>) dst(%arg6 : memref<8192xi32, #tpu.memory_space<vmem>>)
      tpu.yield
    }) : () -> ()
    %scan3A = arith.constant 0 : i32
    %scan3A_1 = arith.constant 0 : i32
    %scan3A_2 = arith.constant 512 : i32
    %scan3A_3 = arith.addi %scan3A_1, %scan3A_2 : i32
    %scan3A_4 = arith.constant 1 : i32
    %scan3A_5 = scf.for %scan3A_22 = %scan3A_1 to %scan3A_3 step %scan3A_4 iter_args(%scan3A_23 = %scan3A) -> (i32)  : i32 {
      %mul3A_24 = arith.constant 16 : i32
      %mul3A_25 = arith.muli %scan3A_22, %mul3A_24 : i32
      %get3A = arith.index_cast %mul3A_25 : i32 to index
      %get3A_26 = tpu.vector_load %arg6[%get3A] {strides = array<i32>} : memref<8192xi32, #tpu.memory_space<vmem>>, vector<16xi32>,
      %iota3A = tpu.iota {dimensions = array<i32: 0>} : vector<16xi32>
      %mul3A_27 = arith.constant 16 : i32
      %mul3A_28 = arith.muli %scan3A_22, %mul3A_27 : i32
      %add3A_29 = vector.broadcast %mul3A_28 : i32 to vector<16xi32>
      %add3A_30 = arith.addi %iota3A, %add3A_29 : vector<16xi32>
      %and3A = arith.constant 2047 : i32
      %and3A_31 = vector.broadcast %and3A : i32 to vector<16xi32>
      %and3A_32 = arith.andi %add3A_30, %and3A_31 : vector<16xi32>
      tpu.vector_store_idx %arg7[%get3A_26], %and3A_32 : memref<8192xi32, #tpu.memory_space<vmem>>[vector<16xi32>], vector<16xi32>,
      %scan3A_33 = arith.constant 0 : i32
      scf.yield %scan3A_33 : i32
    }
    %scan3A_6 = arith.constant 512 : i32
    "tpu.region"() ({
      %run_scoped3A = tpu.sem_alloc : memref<!tpu.dma_semaphore, #tpu.memory_space<semaphore_mem>>
      %dma_start3A_22 = arith.constant 0 : i32
      %dma_start3A_23 = tpu.memref_slice %arg4[%add3A, %dma_start3A_22] : memref<32x8192xi32, #tpu.memory_space<hbm>> -> memref<1x8192xi32, #tpu.memory_space<hbm>>
      %dma_start3A_24 = tpu.memref_squeeze %dma_start3A_23 : memref<1x8192xi32, #tpu.memory_space<hbm>> -> memref<8192xi32, #tpu.memory_space<hbm>>
      %dma_start3A_25 = arith.constant 0 : i32
      %dma_start3A_26 = tpu.memref_slice %arg4[%add3A, %dma_start3A_25] : memref<32x8192xi32, #tpu.memory_space<hbm>> -> memref<1x8192xi32, #tpu.memory_space<hbm>>
      %dma_start3A_27 = tpu.memref_squeeze %dma_start3A_26 : memref<1x8192xi32, #tpu.memory_space<hbm>> -> memref<8192xi32, #tpu.memory_space<hbm>>
      tpu.enqueue_dma source(%arg7 : memref<8192xi32, #tpu.memory_space<vmem>>) target(%dma_start3A_27 : memref<8192xi32, #tpu.memory_space<hbm>>) target_semaphore(%run_scoped3A : memref<!tpu.dma_semaphore, #tpu.memory_space<semaphore_mem>>)
      %dma_wait3A = arith.constant 0 : i32
      %dma_wait3A_28 = tpu.memref_slice %arg4[%add3A, %dma_wait3A] : memref<32x8192xi32, #tpu.memory_space<hbm>> -> memref<1x8192xi32, #tpu.memory_space<hbm>>
      %dma_wait3A_29 = tpu.memref_squeeze %dma_wait3A_28 : memref<1x8192xi32, #tpu.memory_space<hbm>> -> memref<8192xi32, #tpu.memory_space<hbm>>
      %dma_wait3A_30 = arith.constant 0 : i32
      %dma_wait3A_31 = tpu.memref_slice %arg4[%add3A, %dma_wait3A_30] : memref<32x8192xi32, #tpu.memory_space<hbm>> -> memref<1x8192xi32, #tpu.memory_space<hbm>>
      %dma_wait3A_32 = tpu.memref_squeeze %dma_wait3A_31 : memref<1x8192xi32, #tpu.memory_space<hbm>> -> memref<8192xi32, #tpu.memory_space<hbm>>
      tpu.wait_dma2 semaphore(%run_scoped3A : memref<!tpu.dma_semaphore, #tpu.memory_space<semaphore_mem>>) src(%arg7 : memref<8192xi32, #tpu.memory_space<vmem>>) dst(%dma_wait3A_32 : memref<8192xi32, #tpu.memory_space<hbm>>)
      tpu.yield
    }) : () -> ()
    %dma_start3A = arith.constant 0 : i32
    %dma_start3A_7 = tpu.memref_slice %arg7[%dma_start3A] : memref<8192xi32, #tpu.memory_space<vmem>> -> memref<128xi32, #tpu.memory_space<vmem>>
    %dma_start3A_8 = arith.constant 0 : i32
    %dma_start3A_9 = arith.constant 0 : i32
    %dma_start3A_10 = tpu.memref_slice %arg3[%add3A, %dma_start3A_8, %dma_start3A_9] : memref<32x2048x128xf32, #tpu.memory_space<hbm>> -> memref<1x2048x128xf32, #tpu.memory_space<hbm>>
    %dma_start3A_11 = tpu.memref_squeeze %dma_start3A_10 : memref<1x2048x128xf32, #tpu.memory_space<hbm>> -> memref<2048x128xf32, #tpu.memory_space<hbm>>
    %dma_start3A_12 = arith.constant 0 : i32
    %dma_start3A_13 = arith.constant 0 : i32
    %dma_start3A_14 = tpu.memref_slice %dma_start3A_11[%dma_start3A_12, %dma_start3A_13] : memref<2048x128xf32, #tpu.memory_space<hbm>> -> memref<2048x128xf32, #tpu.memory_space<hbm>>
    tpu.enqueue_indirect_dma source(%dma_start3A_14 : memref<2048x128xf32, #tpu.memory_space<hbm>>) target(%arg8 : memref<128x128xf32, #tpu.memory_space<vmem>>) offsets(%dma_start3A_7 : memref<128xi32, #tpu.memory_space<vmem>>) semaphore(%arg10 : memref<!tpu.dma_semaphore, #tpu.memory_space<semaphore_mem>>)
    %scan3A_15 = arith.constant 0 : i32
    %scan3A_16 = arith.constant 0 : i32
    %scan3A_17 = arith.constant 64 : i32
    %scan3A_18 = arith.addi %scan3A_16, %scan3A_17 : i32
    %scan3A_19 = arith.constant 1 : i32
    %scan3A_20 = scf.for %scan3A_22 = %scan3A_16 to %scan3A_18 step %scan3A_19 iter_args(%scan3A_23 = %scan3A_15) -> (i32)  : i32 {
      %jit3A = arith.constant 2 : i32
      %eq3A = arith.constant 0 : i32
      %eq3A_24 = arith.cmpi eq, %jit3A, %eq3A : i32
      %jit3A_25 = arith.constant 1 : i32
      %select_n3A = arith.select %eq3A_24, %jit3A_25, %jit3A : i32
      %rem3A = arith.remsi %scan3A_22, %select_n3A : i32
      %ne3A = arith.constant 0 : i32
      %ne3A_26 = arith.cmpi ne, %rem3A, %ne3A : i32
      %lt3A = arith.constant 0 : i32
      %lt3A_27 = arith.cmpi slt, %rem3A, %lt3A : i32
      %lt3A_28 = arith.constant 0 : i32
      %lt3A_29 = arith.cmpi slt, %select_n3A, %lt3A_28 : i32
      %ne3A_30 = arith.xori %lt3A_27, %lt3A_29 : i1
      %and3A = arith.andi %ne3A_30, %ne3A_26 : i1
      %add3A_31 = arith.addi %rem3A, %select_n3A : i32
      %select_n3A_32 = arith.select %and3A, %add3A_31, %rem3A : i32
      %eq3A_33 = arith.constant 0 : i32
      %eq3A_34 = arith.cmpi eq, %select_n3A_32, %eq3A_33 : i32
      %add3A_35 = arith.constant 1 : i32
      %add3A_36 = arith.addi %scan3A_22, %add3A_35 : i32
      %lt3A_37 = arith.constant 64 : i32
      %lt3A_38 = arith.cmpi slt, %add3A_36, %lt3A_37 : i32
      %and3A_39 = arith.andi %eq3A_34, %lt3A_38 : i1
      %convert_element_type3A = arith.extui %and3A_39 : i1 to i32
      %cond3A = arith.constant 0 : i32
      %cond3A_40 = arith.cmpi ne, %convert_element_type3A, %cond3A : i32
      scf.if %cond3A_40 {
        %add3A_59 = arith.constant 1 : i32
        %add3A_60 = arith.addi %scan3A_22, %add3A_59 : i32
        %mul3A_61 = arith.constant 128 : i32
        %mul3A_62 = arith.muli %add3A_60, %mul3A_61 : i32
        %dma_start3A_63 = tpu.memref_slice %arg7[%mul3A_62] : memref<8192xi32, #tpu.memory_space<vmem>> -> memref<128xi32, #tpu.memory_space<vmem>>
        %dma_start3A_64 = arith.constant 0 : i32
        %dma_start3A_65 = arith.constant 0 : i32
        %dma_start3A_66 = tpu.memref_slice %arg3[%add3A, %dma_start3A_64, %dma_start3A_65] : memref<32x2048x128xf32, #tpu.memory_space<hbm>> -> memref<1x2048x128xf32, #tpu.memory_space<hbm>>
        %dma_start3A_67 = tpu.memref_squeeze %dma_start3A_66 : memref<1x2048x128xf32, #tpu.memory_space<hbm>> -> memref<2048x128xf32, #tpu.memory_space<hbm>>
        %dma_start3A_68 = arith.constant 0 : i32
        %dma_start3A_69 = arith.constant 0 : i32
        %dma_start3A_70 = tpu.memref_slice %dma_start3A_67[%dma_start3A_68, %dma_start3A_69] : memref<2048x128xf32, #tpu.memory_space<hbm>> -> memref<2048x128xf32, #tpu.memory_space<hbm>>
        tpu.enqueue_indirect_dma source(%dma_start3A_70 : memref<2048x128xf32, #tpu.memory_space<hbm>>) target(%arg9 : memref<128x128xf32, #tpu.memory_space<vmem>>) offsets(%dma_start3A_63 : memref<128xi32, #tpu.memory_space<vmem>>) semaphore(%arg11 : memref<!tpu.dma_semaphore, #tpu.memory_space<semaphore_mem>>)
      } else {
      }
      %not3A = arith.constant true
      %not3A_41 = arith.xori %eq3A_34, %not3A : i1
      %add3A_42 = arith.constant 1 : i32
      %add3A_43 = arith.addi %scan3A_22, %add3A_42 : i32
      %lt3A_44 = arith.constant 64 : i32
      %lt3A_45 = arith.cmpi slt, %add3A_43, %lt3A_44 : i32
      %and3A_46 = arith.andi %not3A_41, %lt3A_45 : i1
      %convert_element_type3A_47 = arith.extui %and3A_46 : i1 to i32
      %cond3A_48 = arith.constant 0 : i32
      %cond3A_49 = arith.cmpi ne, %convert_element_type3A_47, %cond3A_48 : i32
      scf.if %cond3A_49 {
        %add3A_59 = arith.constant 1 : i32
        %add3A_60 = arith.addi %scan3A_22, %add3A_59 : i32
        %mul3A_61 = arith.constant 128 : i32
        %mul3A_62 = arith.muli %add3A_60, %mul3A_61 : i32
        %dma_start3A_63 = tpu.memref_slice %arg7[%mul3A_62] : memref<8192xi32, #tpu.memory_space<vmem>> -> memref<128xi32, #tpu.memory_space<vmem>>
        %dma_start3A_64 = arith.constant 0 : i32
        %dma_start3A_65 = arith.constant 0 : i32
        %dma_start3A_66 = tpu.memref_slice %arg3[%add3A, %dma_start3A_64, %dma_start3A_65] : memref<32x2048x128xf32, #tpu.memory_space<hbm>> -> memref<1x2048x128xf32, #tpu.memory_space<hbm>>
        %dma_start3A_67 = tpu.memref_squeeze %dma_start3A_66 : memref<1x2048x128xf32, #tpu.memory_space<hbm>> -> memref<2048x128xf32, #tpu.memory_space<hbm>>
        %dma_start3A_68 = arith.constant 0 : i32
        %dma_start3A_69 = arith.constant 0 : i32
        %dma_start3A_70 = tpu.memref_slice %dma_start3A_67[%dma_start3A_68, %dma_start3A_69] : memref<2048x128xf32, #tpu.memory_space<hbm>> -> memref<2048x128xf32, #tpu.memory_space<hbm>>
        tpu.enqueue_indirect_dma source(%dma_start3A_70 : memref<2048x128xf32, #tpu.memory_space<hbm>>) target(%arg8 : memref<128x128xf32, #tpu.memory_space<vmem>>) offsets(%dma_start3A_63 : memref<128xi32, #tpu.memory_space<vmem>>) semaphore(%arg10 : memref<!tpu.dma_semaphore, #tpu.memory_space<semaphore_mem>>)
      } else {
      }
      %convert_element_type3A_50 = arith.extui %eq3A_34 : i1 to i32
      %cond3A_51 = arith.constant 0 : i32
      %cond3A_52 = arith.cmpi ne, %convert_element_type3A_50, %cond3A_51 : i32
      scf.if %cond3A_52 {
        %dma_wait3A = arith.constant 0 : i32
        %dma_wait3A_59 = arith.constant 0 : i32
        %dma_wait3A_60 = tpu.memref_slice %arg5[%add3A, %dma_wait3A, %dma_wait3A_59] : memref<32x8192x128xf32, #tpu.memory_space<hbm>> -> memref<1x128x128xf32, #tpu.memory_space<hbm>>
        %dma_wait3A_61 = tpu.memref_squeeze %dma_wait3A_60 : memref<1x128x128xf32, #tpu.memory_space<hbm>> -> memref<128x128xf32, #tpu.memory_space<hbm>>
        %dma_wait3A_62 = arith.constant 0 : i32
        %dma_wait3A_63 = arith.constant 0 : i32
        %dma_wait3A_64 = tpu.memref_slice %arg5[%add3A, %dma_wait3A_62, %dma_wait3A_63] : memref<32x8192x128xf32, #tpu.memory_space<hbm>> -> memref<1x128x128xf32, #tpu.memory_space<hbm>>
        %dma_wait3A_65 = tpu.memref_squeeze %dma_wait3A_64 : memref<1x128x128xf32, #tpu.memory_space<hbm>> -> memref<128x128xf32, #tpu.memory_space<hbm>>
        tpu.wait_dma2 semaphore(%arg10 : memref<!tpu.dma_semaphore, #tpu.memory_space<semaphore_mem>>) src(%dma_wait3A_65 : memref<128x128xf32, #tpu.memory_space<hbm>>) dst(%arg8 : memref<128x128xf32, #tpu.memory_space<vmem>>)
        %mul3A_66 = arith.constant 128 : i32
        %mul3A_67 = arith.muli %scan3A_22, %mul3A_66 : i32
        "tpu.region"() ({
          %run_scoped3A = tpu.sem_alloc : memref<!tpu.dma_semaphore, #tpu.memory_space<semaphore_mem>>
          %dma_start3A_68 = arith.constant 0 : i32
          %dma_start3A_69 = tpu.memref_slice %arg5[%add3A, %mul3A_67, %dma_start3A_68] : memref<32x8192x128xf32, #tpu.memory_space<hbm>> -> memref<1x128x128xf32, #tpu.memory_space<hbm>>
          %dma_start3A_70 = tpu.memref_squeeze %dma_start3A_69 : memref<1x128x128xf32, #tpu.memory_space<hbm>> -> memref<128x128xf32, #tpu.memory_space<hbm>>
          %dma_start3A_71 = arith.constant 0 : i32
          %dma_start3A_72 = tpu.memref_slice %arg5[%add3A, %mul3A_67, %dma_start3A_71] : memref<32x8192x128xf32, #tpu.memory_space<hbm>> -> memref<1x128x128xf32, #tpu.memory_space<hbm>>
          %dma_start3A_73 = tpu.memref_squeeze %dma_start3A_72 : memref<1x128x128xf32, #tpu.memory_space<hbm>> -> memref<128x128xf32, #tpu.memory_space<hbm>>
          tpu.enqueue_dma source(%arg8 : memref<128x128xf32, #tpu.memory_space<vmem>>) target(%dma_start3A_73 : memref<128x128xf32, #tpu.memory_space<hbm>>) target_semaphore(%run_scoped3A : memref<!tpu.dma_semaphore, #tpu.memory_space<semaphore_mem>>)
          %dma_wait3A_74 = arith.constant 0 : i32
          %dma_wait3A_75 = tpu.memref_slice %arg5[%add3A, %mul3A_67, %dma_wait3A_74] : memref<32x8192x128xf32, #tpu.memory_space<hbm>> -> memref<1x128x128xf32, #tpu.memory_space<hbm>>
          %dma_wait3A_76 = tpu.memref_squeeze %dma_wait3A_75 : memref<1x128x128xf32, #tpu.memory_space<hbm>> -> memref<128x128xf32, #tpu.memory_space<hbm>>
          %dma_wait3A_77 = arith.constant 0 : i32
          %dma_wait3A_78 = tpu.memref_slice %arg5[%add3A, %mul3A_67, %dma_wait3A_77] : memref<32x8192x128xf32, #tpu.memory_space<hbm>> -> memref<1x128x128xf32, #tpu.memory_space<hbm>>
          %dma_wait3A_79 = tpu.memref_squeeze %dma_wait3A_78 : memref<1x128x128xf32, #tpu.memory_space<hbm>> -> memref<128x128xf32, #tpu.memory_space<hbm>>
          tpu.wait_dma2 semaphore(%run_scoped3A : memref<!tpu.dma_semaphore, #tpu.memory_space<semaphore_mem>>) src(%arg8 : memref<128x128xf32, #tpu.memory_space<vmem>>) dst(%dma_wait3A_79 : memref<128x128xf32, #tpu.memory_space<hbm>>)
          tpu.yield
        }) : () -> ()
      } else {
      }
      %not3A_53 = arith.constant true
      %not3A_54 = arith.xori %eq3A_34, %not3A_53 : i1
      %convert_element_type3A_55 = arith.extui %not3A_54 : i1 to i32
      %cond3A_56 = arith.constant 0 : i32
      %cond3A_57 = arith.cmpi ne, %convert_element_type3A_55, %cond3A_56 : i32
      scf.if %cond3A_57 {
        %dma_wait3A = arith.constant 0 : i32
        %dma_wait3A_59 = arith.constant 0 : i32
        %dma_wait3A_60 = tpu.memref_slice %arg5[%add3A, %dma_wait3A, %dma_wait3A_59] : memref<32x8192x128xf32, #tpu.memory_space<hbm>> -> memref<1x128x128xf32, #tpu.memory_space<hbm>>
        %dma_wait3A_61 = tpu.memref_squeeze %dma_wait3A_60 : memref<1x128x128xf32, #tpu.memory_space<hbm>> -> memref<128x128xf32, #tpu.memory_space<hbm>>
        %dma_wait3A_62 = arith.constant 0 : i32
        %dma_wait3A_63 = arith.constant 0 : i32
        %dma_wait3A_64 = tpu.memref_slice %arg5[%add3A, %dma_wait3A_62, %dma_wait3A_63] : memref<32x8192x128xf32, #tpu.memory_space<hbm>> -> memref<1x128x128xf32, #tpu.memory_space<hbm>>
        %dma_wait3A_65 = tpu.memref_squeeze %dma_wait3A_64 : memref<1x128x128xf32, #tpu.memory_space<hbm>> -> memref<128x128xf32, #tpu.memory_space<hbm>>
        tpu.wait_dma2 semaphore(%arg11 : memref<!tpu.dma_semaphore, #tpu.memory_space<semaphore_mem>>) src(%dma_wait3A_65 : memref<128x128xf32, #tpu.memory_space<hbm>>) dst(%arg9 : memref<128x128xf32, #tpu.memory_space<vmem>>)
        %mul3A_66 = arith.constant 128 : i32
        %mul3A_67 = arith.muli %scan3A_22, %mul3A_66 : i32
        "tpu.region"() ({
          %run_scoped3A = tpu.sem_alloc : memref<!tpu.dma_semaphore, #tpu.memory_space<semaphore_mem>>
          %dma_start3A_68 = arith.constant 0 : i32
          %dma_start3A_69 = tpu.memref_slice %arg5[%add3A, %mul3A_67, %dma_start3A_68] : memref<32x8192x128xf32, #tpu.memory_space<hbm>> -> memref<1x128x128xf32, #tpu.memory_space<hbm>>
          %dma_start3A_70 = tpu.memref_squeeze %dma_start3A_69 : memref<1x128x128xf32, #tpu.memory_space<hbm>> -> memref<128x128xf32, #tpu.memory_space<hbm>>
          %dma_start3A_71 = arith.constant 0 : i32
          %dma_start3A_72 = tpu.memref_slice %arg5[%add3A, %mul3A_67, %dma_start3A_71] : memref<32x8192x128xf32, #tpu.memory_space<hbm>> -> memref<1x128x128xf32, #tpu.memory_space<hbm>>
          %dma_start3A_73 = tpu.memref_squeeze %dma_start3A_72 : memref<1x128x128xf32, #tpu.memory_space<hbm>> -> memref<128x128xf32, #tpu.memory_space<hbm>>
          tpu.enqueue_dma source(%arg9 : memref<128x128xf32, #tpu.memory_space<vmem>>) target(%dma_start3A_73 : memref<128x128xf32, #tpu.memory_space<hbm>>) target_semaphore(%run_scoped3A : memref<!tpu.dma_semaphore, #tpu.memory_space<semaphore_mem>>)
          %dma_wait3A_74 = arith.constant 0 : i32
          %dma_wait3A_75 = tpu.memref_slice %arg5[%add3A, %mul3A_67, %dma_wait3A_74] : memref<32x8192x128xf32, #tpu.memory_space<hbm>> -> memref<1x128x128xf32, #tpu.memory_space<hbm>>
          %dma_wait3A_76 = tpu.memref_squeeze %dma_wait3A_75 : memref<1x128x128xf32, #tpu.memory_space<hbm>> -> memref<128x128xf32, #tpu.memory_space<hbm>>
          %dma_wait3A_77 = arith.constant 0 : i32
          %dma_wait3A_78 = tpu.memref_slice %arg5[%add3A, %mul3A_67, %dma_wait3A_77] : memref<32x8192x128xf32, #tpu.memory_space<hbm>> -> memref<1x128x128xf32, #tpu.memory_space<hbm>>
          %dma_wait3A_79 = tpu.memref_squeeze %dma_wait3A_78 : memref<1x128x128xf32, #tpu.memory_space<hbm>> -> memref<128x128xf32, #tpu.memory_space<hbm>>
          tpu.wait_dma2 semaphore(%run_scoped3A : memref<!tpu.dma_semaphore, #tpu.memory_space<semaphore_mem>>) src(%arg9 : memref<128x128xf32, #tpu.memory_space<vmem>>) dst(%dma_wait3A_79 : memref<128x128xf32, #tpu.memory_space<hbm>>)
          tpu.yield
        }) : () -> ()
      } else {
      }
      %scan3A_58 = arith.constant 0 : i32
      scf.yield %scan3A_58 : i32
    }
    %scan3A_21 = arith.constant 64 : i32
    return
  }
}

#map = affine_map<(d0, d1) -> (0, 0)>
#map1 = affine_map<(d0, d1) -> (0, 0, 0)>
module attributes {stable_mosaic.version = 14 : i64} {
  func.func @k(%arg0: i32, %arg1: i32, %arg2: memref<32x8192xi32, #tpu.memory_space<hbm>>, %arg3: memref<32x2048x128xf32, #tpu.memory_space<hbm>>, %arg4: memref<32x8192xi32, #tpu.memory_space<hbm>>, %arg5: memref<32x8192x128xf32, #tpu.memory_space<hbm>>, %arg6: memref<8192xi32, #tpu.memory_space<vmem>>, %arg7: memref<8192xi32, #tpu.memory_space<vmem>>, %arg8: memref<128x128xf32, #tpu.memory_space<vmem>>, %arg9: memref<128x128xf32, #tpu.memory_space<vmem>>, %arg10: memref<!tpu.dma_semaphore, #tpu.memory_space<semaphore_mem>>, %arg11: memref<!tpu.dma_semaphore, #tpu.memory_space<semaphore_mem>>) attributes {dimension_semantics = [#tpu.dimension_semantics<core_parallel>, #tpu.dimension_semantics<subcore_parallel>], iteration_bounds = array<i64: 2, 16>, scalar_prefetch = 0 : i64, scratch_operands = 6 : i64, tpu.core_type = #tpu.core_type<sc_vector_subcore>, window_params = [{transform_indices = #map}, {transform_indices = #map1}, {transform_indices = #map}, {transform_indices = #map1}]} {
    %mul3A = arith.constant 2 : i32
    %mul3A_0 = arith.muli %arg1, %mul3A : i32
    %add3A = arith.addi %mul3A_0, %arg0 : i32
    "tpu.region"() ({
      %run_scoped3A = tpu.sem_alloc : memref<!tpu.dma_semaphore, #tpu.memory_space<semaphore_mem>>
      %dma_start3A_22 = arith.constant 0 : i32
      %dma_start3A_23 = tpu.memref_slice %arg2[%add3A, %dma_start3A_22] : memref<32x8192xi32, #tpu.memory_space<hbm>> -> memref<1x8192xi32, #tpu.memory_space<hbm>>
      %dma_start3A_24 = tpu.memref_squeeze %dma_start3A_23 : memref<1x8192xi32, #tpu.memory_space<hbm>> -> memref<8192xi32, #tpu.memory_space<hbm>>
      %dma_start3A_25 = arith.constant 0 : i32
      %dma_start3A_26 = tpu.memref_slice %arg2[%add3A, %dma_start3A_25] : memref<32x8192xi32, #tpu.memory_space<hbm>> -> memref<1x8192xi32, #tpu.memory_space<hbm>>
      %dma_start3A_27 = tpu.memref_squeeze %dma_start3A_26 : memref<1x8192xi32, #tpu.memory_space<hbm>> -> memref<8192xi32, #tpu.memory_space<hbm>>
      tpu.enqueue_dma source(%dma_start3A_27 : memref<8192xi32, #tpu.memory_space<hbm>>) target(%arg6 : memref<8192xi32, #tpu.memory_space<vmem>>) target_semaphore(%run_scoped3A : memref<!tpu.dma_semaphore, #tpu.memory_space<semaphore_mem>>)
      %dma_wait3A = arith.constant 0 : i32
      %dma_wait3A_28 = tpu.memref_slice %arg2[%add3A, %dma_wait3A] : memref<32x8192xi32, #tpu.memory_space<hbm>> -> memref<1x8192xi32, #tpu.memory_space<hbm>>
      %dma_wait3A_29 = tpu.memref_squeeze %dma_wait3A_28 : memref<1x8192xi32, #tpu.memory_space<hbm>> -> memref<8192xi32, #tpu.memory_space<hbm>>
      %dma_wait3A_30 = arith.constant 0 : i32
      %dma_wait3A_31 = tpu.memref_slice %arg2[%add3A, %dma_wait3A_30] : memref<32x8192xi32, #tpu.memory_space<hbm>> -> memref<1x8192xi32, #tpu.memory_space<hbm>>
      %dma_wait3A_32 = tpu.memref_squeeze %dma_wait3A_31 : memref<1x8192xi32, #tpu.memory_space<hbm>> -> memref<8192xi32, #tpu.memory_space<hbm>>
      tpu.wait_dma2 semaphore(%run_scoped3A : memref<!tpu.dma_semaphore, #tpu.memory_space<semaphore_mem>>) src(%dma_wait3A_32 : memref<8192xi32, #tpu.memory_space<hbm>>) dst(%arg6 : memref<8192xi32, #tpu.memory_space<vmem>>)
      tpu.yield
    }) : () -> ()
    %scan3A = arith.constant 0 : i32
    %scan3A_1 = arith.constant 0 : i32
    %scan3A_2 = arith.constant 512 : i32
    %scan3A_3 = arith.addi %scan3A_1, %scan3A_2 : i32
    %scan3A_4 = arith.constant 1 : i32
    %scan3A_5 = scf.for %scan3A_22 = %scan3A_1 to %scan3A_3 step %scan3A_4 iter_args(%scan3A_23 = %scan3A) -> (i32)  : i32 {
      %mul3A_24 = arith.constant 16 : i32
      %mul3A_25 = arith.muli %scan3A_22, %mul3A_24 : i32
      %get3A = arith.index_cast %mul3A_25 : i32 to index
      %get3A_26 = tpu.vector_load %arg6[%get3A] {strides = array<i32>} : memref<8192xi32, #tpu.memory_space<vmem>>, vector<16xi32>,
      %iota3A = tpu.iota {dimensions = array<i32: 0>} : vector<16xi32>
      %mul3A_27 = arith.constant 16 : i32
      %mul3A_28 = arith.muli %scan3A_22, %mul3A_27 : i32
      %add3A_29 = vector.broadcast %mul3A_28 : i32 to vector<16xi32>
      %add3A_30 = arith.addi %iota3A, %add3A_29 : vector<16xi32>
      %and3A = arith.constant 2047 : i32
      %and3A_31 = vector.broadcast %and3A : i32 to vector<16xi32>
      %and3A_32 = arith.andi %add3A_30, %and3A_31 : vector<16xi32>
      tpu.vector_store_idx %arg7[%get3A_26], %and3A_32 : memref<8192xi32, #tpu.memory_space<vmem>>[vector<16xi32>], vector<16xi32>,
      %scan3A_33 = arith.constant 0 : i32
      scf.yield %scan3A_33 : i32
    }
    %scan3A_6 = arith.constant 512 : i32
    "tpu.region"() ({
      %run_scoped3A = tpu.sem_alloc : memref<!tpu.dma_semaphore, #tpu.memory_space<semaphore_mem>>
      %dma_start3A_22 = arith.constant 0 : i32
      %dma_start3A_23 = tpu.memref_slice %arg4[%add3A, %dma_start3A_22] : memref<32x8192xi32, #tpu.memory_space<hbm>> -> memref<1x8192xi32, #tpu.memory_space<hbm>>
      %dma_start3A_24 = tpu.memref_squeeze %dma_start3A_23 : memref<1x8192xi32, #tpu.memory_space<hbm>> -> memref<8192xi32, #tpu.memory_space<hbm>>
      %dma_start3A_25 = arith.constant 0 : i32
      %dma_start3A_26 = tpu.memref_slice %arg4[%add3A, %dma_start3A_25] : memref<32x8192xi32, #tpu.memory_space<hbm>> -> memref<1x8192xi32, #tpu.memory_space<hbm>>
      %dma_start3A_27 = tpu.memref_squeeze %dma_start3A_26 : memref<1x8192xi32, #tpu.memory_space<hbm>> -> memref<8192xi32, #tpu.memory_space<hbm>>
      tpu.enqueue_dma source(%arg7 : memref<8192xi32, #tpu.memory_space<vmem>>) target(%dma_start3A_27 : memref<8192xi32, #tpu.memory_space<hbm>>) target_semaphore(%run_scoped3A : memref<!tpu.dma_semaphore, #tpu.memory_space<semaphore_mem>>)
      %dma_wait3A = arith.constant 0 : i32
      %dma_wait3A_28 = tpu.memref_slice %arg4[%add3A, %dma_wait3A] : memref<32x8192xi32, #tpu.memory_space<hbm>> -> memref<1x8192xi32, #tpu.memory_space<hbm>>
      %dma_wait3A_29 = tpu.memref_squeeze %dma_wait3A_28 : memref<1x8192xi32, #tpu.memory_space<hbm>> -> memref<8192xi32, #tpu.memory_space<hbm>>
      %dma_wait3A_30 = arith.constant 0 : i32
      %dma_wait3A_31 = tpu.memref_slice %arg4[%add3A, %dma_wait3A_30] : memref<32x8192xi32, #tpu.memory_space<hbm>> -> memref<1x8192xi32, #tpu.memory_space<hbm>>
      %dma_wait3A_32 = tpu.memref_squeeze %dma_wait3A_31 : memref<1x8192xi32, #tpu.memory_space<hbm>> -> memref<8192xi32, #tpu.memory_space<hbm>>
      tpu.wait_dma2 semaphore(%run_scoped3A : memref<!tpu.dma_semaphore, #tpu.memory_space<semaphore_mem>>) src(%arg7 : memref<8192xi32, #tpu.memory_space<vmem>>) dst(%dma_wait3A_32 : memref<8192xi32, #tpu.memory_space<hbm>>)
      tpu.yield
    }) : () -> ()
    %dma_start3A = arith.constant 0 : i32
    %dma_start3A_7 = tpu.memref_slice %arg7[%dma_start3A] : memref<8192xi32, #tpu.memory_space<vmem>> -> memref<128xi32, #tpu.memory_space<vmem>>
    %dma_start3A_8 = arith.constant 0 : i32
    %dma_start3A_9 = arith.constant 0 : i32
    %dma_start3A_10 = tpu.memref_slice %arg3[%add3A, %dma_start3A_8, %dma_start3A_9] : memref<32x2048x128xf32, #tpu.memory_space<hbm>> -> memref<1x2048x128xf32, #tpu.memory_space<hbm>>
    %dma_start3A_11 = tpu.memref_squeeze %dma_start3A_10 : memref<1x2048x128xf32, #tpu.memory_space<hbm>> -> memref<2048x128xf32, #tpu.memory_space<hbm>>
    %dma_start3A_12 = arith.constant 0 : i32
    %dma_start3A_13 = arith.constant 0 : i32
    %dma_start3A_14 = tpu.memref_slice %dma_start3A_11[%dma_start3A_12, %dma_start3A_13] : memref<2048x128xf32, #tpu.memory_space<hbm>> -> memref<2048x128xf32, #tpu.memory_space<hbm>>
    tpu.enqueue_indirect_dma source(%dma_start3A_14 : memref<2048x128xf32, #tpu.memory_space<hbm>>) target(%arg8 : memref<128x128xf32, #tpu.memory_space<vmem>>) offsets(%dma_start3A_7 : memref<128xi32, #tpu.memory_space<vmem>>) semaphore(%arg10 : memref<!tpu.dma_semaphore, #tpu.memory_space<semaphore_mem>>)
    %scan3A_15 = arith.constant 0 : i32
    %scan3A_16 = arith.constant 0 : i32
    %scan3A_17 = arith.constant 64 : i32
    %scan3A_18 = arith.addi %scan3A_16, %scan3A_17 : i32
    %scan3A_19 = arith.constant 1 : i32
    %scan3A_20 = scf.for %scan3A_22 = %scan3A_16 to %scan3A_18 step %scan3A_19 iter_args(%scan3A_23 = %scan3A_15) -> (i32)  : i32 {
      %jit3A = arith.constant 2 : i32
      %eq3A = arith.constant 0 : i32
      %eq3A_24 = arith.cmpi eq, %jit3A, %eq3A : i32
      %jit3A_25 = arith.constant 1 : i32
      %select_n3A = arith.select %eq3A_24, %jit3A_25, %jit3A : i32
      %rem3A = arith.remsi %scan3A_22, %select_n3A : i32
      %ne3A = arith.constant 0 : i32
      %ne3A_26 = arith.cmpi ne, %rem3A, %ne3A : i32
      %lt3A = arith.constant 0 : i32
      %lt3A_27 = arith.cmpi slt, %rem3A, %lt3A : i32
      %lt3A_28 = arith.constant 0 : i32
      %lt3A_29 = arith.cmpi slt, %select_n3A, %lt3A_28 : i32
      %ne3A_30 = arith.xori %lt3A_27, %lt3A_29 : i1
      %and3A = arith.andi %ne3A_30, %ne3A_26 : i1
      %add3A_31 = arith.addi %rem3A, %select_n3A : i32
      %select_n3A_32 = arith.select %and3A, %add3A_31, %rem3A : i32
      %eq3A_33 = arith.constant 0 : i32
      %eq3A_34 = arith.cmpi eq, %select_n3A_32, %eq3A_33 : i32
      %add3A_35 = arith.constant 1 : i32
      %add3A_36 = arith.addi %scan3A_22, %add3A_35 : i32
      %lt3A_37 = arith.constant 64 : i32
      %lt3A_38 = arith.cmpi slt, %add3A_36, %lt3A_37 : i32
      %and3A_39 = arith.andi %eq3A_34, %lt3A_38 : i1
      %convert_element_type3A = arith.extui %and3A_39 : i1 to i32
      %cond3A = arith.constant 0 : i32
      %cond3A_40 = arith.cmpi ne, %convert_element_type3A, %cond3A : i32
      scf.if %cond3A_40 {
        %add3A_59 = arith.constant 1 : i32
        %add3A_60 = arith.addi %scan3A_22, %add3A_59 : i32
        %mul3A_61 = arith.constant 128 : i32
        %mul3A_62 = arith.muli %add3A_60, %mul3A_61 : i32
        %dma_start3A_63 = tpu.memref_slice %arg7[%mul3A_62] : memref<8192xi32, #tpu.memory_space<vmem>> -> memref<128xi32, #tpu.memory_space<vmem>>
        %dma_start3A_64 = arith.constant 0 : i32
        %dma_start3A_65 = arith.constant 0 : i32
        %dma_start3A_66 = tpu.memref_slice %arg3[%add3A, %dma_start3A_64, %dma_start3A_65] : memref<32x2048x128xf32, #tpu.memory_space<hbm>> -> memref<1x2048x128xf32, #tpu.memory_space<hbm>>
        %dma_start3A_67 = tpu.memref_squeeze %dma_start3A_66 : memref<1x2048x128xf32, #tpu.memory_space<hbm>> -> memref<2048x128xf32, #tpu.memory_space<hbm>>
        %dma_start3A_68 = arith.constant 0 : i32
        %dma_start3A_69 = arith.constant 0 : i32
        %dma_start3A_70 = tpu.memref_slice %dma_start3A_67[%dma_start3A_68, %dma_start3A_69] : memref<2048x128xf32, #tpu.memory_space<hbm>> -> memref<2048x128xf32, #tpu.memory_space<hbm>>
        tpu.enqueue_indirect_dma source(%dma_start3A_70 : memref<2048x128xf32, #tpu.memory_space<hbm>>) target(%arg9 : memref<128x128xf32, #tpu.memory_space<vmem>>) offsets(%dma_start3A_63 : memref<128xi32, #tpu.memory_space<vmem>>) semaphore(%arg11 : memref<!tpu.dma_semaphore, #tpu.memory_space<semaphore_mem>>)
      } else {
      }
      %not3A = arith.constant true
      %not3A_41 = arith.xori %eq3A_34, %not3A : i1
      %add3A_42 = arith.constant 1 : i32
      %add3A_43 = arith.addi %scan3A_22, %add3A_42 : i32
      %lt3A_44 = arith.constant 64 : i32
      %lt3A_45 = arith.cmpi slt, %add3A_43, %lt3A_44 : i32
      %and3A_46 = arith.andi %not3A_41, %lt3A_45 : i1
      %convert_element_type3A_47 = arith.extui %and3A_46 : i1 to i32
      %cond3A_48 = arith.constant 0 : i32
      %cond3A_49 = arith.cmpi ne, %convert_element_type3A_47, %cond3A_48 : i32
      scf.if %cond3A_49 {
        %add3A_59 = arith.constant 1 : i32
        %add3A_60 = arith.addi %scan3A_22, %add3A_59 : i32
        %mul3A_61 = arith.constant 128 : i32
        %mul3A_62 = arith.muli %add3A_60, %mul3A_61 : i32
        %dma_start3A_63 = tpu.memref_slice %arg7[%mul3A_62] : memref<8192xi32, #tpu.memory_space<vmem>> -> memref<128xi32, #tpu.memory_space<vmem>>
        %dma_start3A_64 = arith.constant 0 : i32
        %dma_start3A_65 = arith.constant 0 : i32
        %dma_start3A_66 = tpu.memref_slice %arg3[%add3A, %dma_start3A_64, %dma_start3A_65] : memref<32x2048x128xf32, #tpu.memory_space<hbm>> -> memref<1x2048x128xf32, #tpu.memory_space<hbm>>
        %dma_start3A_67 = tpu.memref_squeeze %dma_start3A_66 : memref<1x2048x128xf32, #tpu.memory_space<hbm>> -> memref<2048x128xf32, #tpu.memory_space<hbm>>
        %dma_start3A_68 = arith.constant 0 : i32
        %dma_start3A_69 = arith.constant 0 : i32
        %dma_start3A_70 = tpu.memref_slice %dma_start3A_67[%dma_start3A_68, %dma_start3A_69] : memref<2048x128xf32, #tpu.memory_space<hbm>> -> memref<2048x128xf32, #tpu.memory_space<hbm>>
        tpu.enqueue_indirect_dma source(%dma_start3A_70 : memref<2048x128xf32, #tpu.memory_space<hbm>>) target(%arg8 : memref<128x128xf32, #tpu.memory_space<vmem>>) offsets(%dma_start3A_63 : memref<128xi32, #tpu.memory_space<vmem>>) semaphore(%arg10 : memref<!tpu.dma_semaphore, #tpu.memory_space<semaphore_mem>>)
      } else {
      }
      %convert_element_type3A_50 = arith.extui %eq3A_34 : i1 to i32
      %cond3A_51 = arith.constant 0 : i32
      %cond3A_52 = arith.cmpi ne, %convert_element_type3A_50, %cond3A_51 : i32
      scf.if %cond3A_52 {
        %dma_wait3A = arith.constant 0 : i32
        %dma_wait3A_59 = arith.constant 0 : i32
        %dma_wait3A_60 = tpu.memref_slice %arg5[%add3A, %dma_wait3A, %dma_wait3A_59] : memref<32x8192x128xf32, #tpu.memory_space<hbm>> -> memref<1x128x128xf32, #tpu.memory_space<hbm>>
        %dma_wait3A_61 = tpu.memref_squeeze %dma_wait3A_60 : memref<1x128x128xf32, #tpu.memory_space<hbm>> -> memref<128x128xf32, #tpu.memory_space<hbm>>
        %dma_wait3A_62 = arith.constant 0 : i32
        %dma_wait3A_63 = arith.constant 0 : i32
        %dma_wait3A_64 = tpu.memref_slice %arg5[%add3A, %dma_wait3A_62, %dma_wait3A_63] : memref<32x8192x128xf32, #tpu.memory_space<hbm>> -> memref<1x128x128xf32, #tpu.memory_space<hbm>>
        %dma_wait3A_65 = tpu.memref_squeeze %dma_wait3A_64 : memref<1x128x128xf32, #tpu.memory_space<hbm>> -> memref<128x128xf32, #tpu.memory_space<hbm>>
        tpu.wait_dma2 semaphore(%arg10 : memref<!tpu.dma_semaphore, #tpu.memory_space<semaphore_mem>>) src(%dma_wait3A_65 : memref<128x128xf32, #tpu.memory_space<hbm>>) dst(%arg8 : memref<128x128xf32, #tpu.memory_space<vmem>>)
        %mul3A_66 = arith.constant 128 : i32
        %mul3A_67 = arith.muli %scan3A_22, %mul3A_66 : i32
        "tpu.region"() ({
          %run_scoped3A = tpu.sem_alloc : memref<!tpu.dma_semaphore, #tpu.memory_space<semaphore_mem>>
          %dma_start3A_68 = arith.constant 0 : i32
          %dma_start3A_69 = tpu.memref_slice %arg5[%add3A, %mul3A_67, %dma_start3A_68] : memref<32x8192x128xf32, #tpu.memory_space<hbm>> -> memref<1x128x128xf32, #tpu.memory_space<hbm>>
          %dma_start3A_70 = tpu.memref_squeeze %dma_start3A_69 : memref<1x128x128xf32, #tpu.memory_space<hbm>> -> memref<128x128xf32, #tpu.memory_space<hbm>>
          %dma_start3A_71 = arith.constant 0 : i32
          %dma_start3A_72 = tpu.memref_slice %arg5[%add3A, %mul3A_67, %dma_start3A_71] : memref<32x8192x128xf32, #tpu.memory_space<hbm>> -> memref<1x128x128xf32, #tpu.memory_space<hbm>>
          %dma_start3A_73 = tpu.memref_squeeze %dma_start3A_72 : memref<1x128x128xf32, #tpu.memory_space<hbm>> -> memref<128x128xf32, #tpu.memory_space<hbm>>
          tpu.enqueue_dma source(%arg8 : memref<128x128xf32, #tpu.memory_space<vmem>>) target(%dma_start3A_73 : memref<128x128xf32, #tpu.memory_space<hbm>>) target_semaphore(%run_scoped3A : memref<!tpu.dma_semaphore, #tpu.memory_space<semaphore_mem>>)
          %dma_wait3A_74 = arith.constant 0 : i32
          %dma_wait3A_75 = tpu.memref_slice %arg5[%add3A, %mul3A_67, %dma_wait3A_74] : memref<32x8192x128xf32, #tpu.memory_space<hbm>> -> memref<1x128x128xf32, #tpu.memory_space<hbm>>
          %dma_wait3A_76 = tpu.memref_squeeze %dma_wait3A_75 : memref<1x128x128xf32, #tpu.memory_space<hbm>> -> memref<128x128xf32, #tpu.memory_space<hbm>>
          %dma_wait3A_77 = arith.constant 0 : i32
          %dma_wait3A_78 = tpu.memref_slice %arg5[%add3A, %mul3A_67, %dma_wait3A_77] : memref<32x8192x128xf32, #tpu.memory_space<hbm>> -> memref<1x128x128xf32, #tpu.memory_space<hbm>>
          %dma_wait3A_79 = tpu.memref_squeeze %dma_wait3A_78 : memref<1x128x128xf32, #tpu.memory_space<hbm>> -> memref<128x128xf32, #tpu.memory_space<hbm>>
          tpu.wait_dma2 semaphore(%run_scoped3A : memref<!tpu.dma_semaphore, #tpu.memory_space<semaphore_mem>>) src(%arg8 : memref<128x128xf32, #tpu.memory_space<vmem>>) dst(%dma_wait3A_79 : memref<128x128xf32, #tpu.memory_space<hbm>>)
          tpu.yield
        }) : () -> ()
      } else {
      }
      %not3A_53 = arith.constant true
      %not3A_54 = arith.xori %eq3A_34, %not3A_53 : i1
      %convert_element_type3A_55 = arith.extui %not3A_54 : i1 to i32
      %cond3A_56 = arith.constant 0 : i32
      %cond3A_57 = arith.cmpi ne, %convert_element_type3A_55, %cond3A_56 : i32
      scf.if %cond3A_57 {
        %dma_wait3A = arith.constant 0 : i32
        %dma_wait3A_59 = arith.constant 0 : i32
        %dma_wait3A_60 = tpu.memref_slice %arg5[%add3A, %dma_wait3A, %dma_wait3A_59] : memref<32x8192x128xf32, #tpu.memory_space<hbm>> -> memref<1x128x128xf32, #tpu.memory_space<hbm>>
        %dma_wait3A_61 = tpu.memref_squeeze %dma_wait3A_60 : memref<1x128x128xf32, #tpu.memory_space<hbm>> -> memref<128x128xf32, #tpu.memory_space<hbm>>
        %dma_wait3A_62 = arith.constant 0 : i32
        %dma_wait3A_63 = arith.constant 0 : i32
        %dma_wait3A_64 = tpu.memref_slice %arg5[%add3A, %dma_wait3A_62, %dma_wait3A_63] : memref<32x8192x128xf32, #tpu.memory_space<hbm>> -> memref<1x128x128xf32, #tpu.memory_space<hbm>>
        %dma_wait3A_65 = tpu.memref_squeeze %dma_wait3A_64 : memref<1x128x128xf32, #tpu.memory_space<hbm>> -> memref<128x128xf32, #tpu.memory_space<hbm>>
        tpu.wait_dma2 semaphore(%arg11 : memref<!tpu.dma_semaphore, #tpu.memory_space<semaphore_mem>>) src(%dma_wait3A_65 : memref<128x128xf32, #tpu.memory_space<hbm>>) dst(%arg9 : memref<128x128xf32, #tpu.memory_space<vmem>>)
        %mul3A_66 = arith.constant 128 : i32
        %mul3A_67 = arith.muli %scan3A_22, %mul3A_66 : i32
        "tpu.region"() ({
          %run_scoped3A = tpu.sem_alloc : memref<!tpu.dma_semaphore, #tpu.memory_space<semaphore_mem>>
          %dma_start3A_68 = arith.constant 0 : i32
          %dma_start3A_69 = tpu.memref_slice %arg5[%add3A, %mul3A_67, %dma_start3A_68] : memref<32x8192x128xf32, #tpu.memory_space<hbm>> -> memref<1x128x128xf32, #tpu.memory_space<hbm>>
          %dma_start3A_70 = tpu.memref_squeeze %dma_start3A_69 : memref<1x128x128xf32, #tpu.memory_space<hbm>> -> memref<128x128xf32, #tpu.memory_space<hbm>>
          %dma_start3A_71 = arith.constant 0 : i32
          %dma_start3A_72 = tpu.memref_slice %arg5[%add3A, %mul3A_67, %dma_start3A_71] : memref<32x8192x128xf32, #tpu.memory_space<hbm>> -> memref<1x128x128xf32, #tpu.memory_space<hbm>>
          %dma_start3A_73 = tpu.memref_squeeze %dma_start3A_72 : memref<1x128x128xf32, #tpu.memory_space<hbm>> -> memref<128x128xf32, #tpu.memory_space<hbm>>
          tpu.enqueue_dma source(%arg9 : memref<128x128xf32, #tpu.memory_space<vmem>>) target(%dma_start3A_73 : memref<128x128xf32, #tpu.memory_space<hbm>>) target_semaphore(%run_scoped3A : memref<!tpu.dma_semaphore, #tpu.memory_space<semaphore_mem>>)
          %dma_wait3A_74 = arith.constant 0 : i32
          %dma_wait3A_75 = tpu.memref_slice %arg5[%add3A, %mul3A_67, %dma_wait3A_74] : memref<32x8192x128xf32, #tpu.memory_space<hbm>> -> memref<1x128x128xf32, #tpu.memory_space<hbm>>
          %dma_wait3A_76 = tpu.memref_squeeze %dma_wait3A_75 : memref<1x128x128xf32, #tpu.memory_space<hbm>> -> memref<128x128xf32, #tpu.memory_space<hbm>>
          %dma_wait3A_77 = arith.constant 0 : i32
          %dma_wait3A_78 = tpu.memref_slice %arg5[%add3A, %mul3A_67, %dma_wait3A_77] : memref<32x8192x128xf32, #tpu.memory_space<hbm>> -> memref<1x128x128xf32, #tpu.memory_space<hbm>>
          %dma_wait3A_79 = tpu.memref_squeeze %dma_wait3A_78 : memref<1x128x128xf32, #tpu.memory_space<hbm>> -> memref<128x128xf32, #tpu.memory_space<hbm>>
          tpu.wait_dma2 semaphore(%run_scoped3A : memref<!tpu.dma_semaphore, #tpu.memory_space<semaphore_mem>>) src(%arg9 : memref<128x128xf32, #tpu.memory_space<vmem>>) dst(%dma_wait3A_79 : memref<128x128xf32, #tpu.memory_space<hbm>>)
          tpu.yield
        }) : () -> ()
      } else {
      }
      %scan3A_58 = arith.constant 0 : i32
      scf.yield %scan3A_58 : i32
    }
    %scan3A_21 = arith.constant 64 : i32
    return
  }
}

#map = affine_map<(d0, d1) -> (0, 0, 0)>
#map1 = affine_map<(d0, d1) -> (0, 0)>
module attributes {stable_mosaic.version = 14 : i64} {
  func.func @k(%arg0: i32, %arg1: i32, %arg2: memref<32x8192x128xf32, #tpu.memory_space<hbm>>, %arg3: memref<32x8192xi32, #tpu.memory_space<hbm>>, %arg4: memref<32x8192x128xf32, #tpu.memory_space<hbm>>, %arg5: memref<8192xi32, #tpu.memory_space<vmem>>, %arg6: memref<128x128xf32, #tpu.memory_space<vmem>>, %arg7: memref<128x128xf32, #tpu.memory_space<vmem>>, %arg8: memref<!tpu.dma_semaphore, #tpu.memory_space<semaphore_mem>>, %arg9: memref<!tpu.dma_semaphore, #tpu.memory_space<semaphore_mem>>) attributes {dimension_semantics = [#tpu.dimension_semantics<core_parallel>, #tpu.dimension_semantics<subcore_parallel>], iteration_bounds = array<i64: 2, 16>, scalar_prefetch = 0 : i64, scratch_operands = 5 : i64, tpu.core_type = #tpu.core_type<sc_vector_subcore>, window_params = [{transform_indices = #map}, {transform_indices = #map1}, {transform_indices = #map}]} {
    %mul3A = arith.constant 2 : i32
    %mul3A_0 = arith.muli %arg1, %mul3A : i32
    %add3A = arith.addi %mul3A_0, %arg0 : i32
    "tpu.region"() ({
      %run_scoped3A = tpu.sem_alloc : memref<!tpu.dma_semaphore, #tpu.memory_space<semaphore_mem>>
      %dma_start3A_15 = arith.constant 0 : i32
      %dma_start3A_16 = tpu.memref_slice %arg3[%add3A, %dma_start3A_15] : memref<32x8192xi32, #tpu.memory_space<hbm>> -> memref<1x8192xi32, #tpu.memory_space<hbm>>
      %dma_start3A_17 = tpu.memref_squeeze %dma_start3A_16 : memref<1x8192xi32, #tpu.memory_space<hbm>> -> memref<8192xi32, #tpu.memory_space<hbm>>
      %dma_start3A_18 = arith.constant 0 : i32
      %dma_start3A_19 = tpu.memref_slice %arg3[%add3A, %dma_start3A_18] : memref<32x8192xi32, #tpu.memory_space<hbm>> -> memref<1x8192xi32, #tpu.memory_space<hbm>>
      %dma_start3A_20 = tpu.memref_squeeze %dma_start3A_19 : memref<1x8192xi32, #tpu.memory_space<hbm>> -> memref<8192xi32, #tpu.memory_space<hbm>>
      tpu.enqueue_dma source(%dma_start3A_20 : memref<8192xi32, #tpu.memory_space<hbm>>) target(%arg5 : memref<8192xi32, #tpu.memory_space<vmem>>) target_semaphore(%run_scoped3A : memref<!tpu.dma_semaphore, #tpu.memory_space<semaphore_mem>>)
      %dma_wait3A = arith.constant 0 : i32
      %dma_wait3A_21 = tpu.memref_slice %arg3[%add3A, %dma_wait3A] : memref<32x8192xi32, #tpu.memory_space<hbm>> -> memref<1x8192xi32, #tpu.memory_space<hbm>>
      %dma_wait3A_22 = tpu.memref_squeeze %dma_wait3A_21 : memref<1x8192xi32, #tpu.memory_space<hbm>> -> memref<8192xi32, #tpu.memory_space<hbm>>
      %dma_wait3A_23 = arith.constant 0 : i32
      %dma_wait3A_24 = tpu.memref_slice %arg3[%add3A, %dma_wait3A_23] : memref<32x8192xi32, #tpu.memory_space<hbm>> -> memref<1x8192xi32, #tpu.memory_space<hbm>>
      %dma_wait3A_25 = tpu.memref_squeeze %dma_wait3A_24 : memref<1x8192xi32, #tpu.memory_space<hbm>> -> memref<8192xi32, #tpu.memory_space<hbm>>
      tpu.wait_dma2 semaphore(%run_scoped3A : memref<!tpu.dma_semaphore, #tpu.memory_space<semaphore_mem>>) src(%dma_wait3A_25 : memref<8192xi32, #tpu.memory_space<hbm>>) dst(%arg5 : memref<8192xi32, #tpu.memory_space<vmem>>)
      tpu.yield
    }) : () -> ()
    %dma_start3A = arith.constant 0 : i32
    %dma_start3A_1 = tpu.memref_slice %arg5[%dma_start3A] : memref<8192xi32, #tpu.memory_space<vmem>> -> memref<128xi32, #tpu.memory_space<vmem>>
    %dma_start3A_2 = arith.constant 0 : i32
    %dma_start3A_3 = arith.constant 0 : i32
    %dma_start3A_4 = tpu.memref_slice %arg2[%add3A, %dma_start3A_2, %dma_start3A_3] : memref<32x8192x128xf32, #tpu.memory_space<hbm>> -> memref<1x8192x128xf32, #tpu.memory_space<hbm>>
    %dma_start3A_5 = tpu.memref_squeeze %dma_start3A_4 : memref<1x8192x128xf32, #tpu.memory_space<hbm>> -> memref<8192x128xf32, #tpu.memory_space<hbm>>
    %dma_start3A_6 = arith.constant 0 : i32
    %dma_start3A_7 = arith.constant 0 : i32
    %dma_start3A_8 = tpu.memref_slice %dma_start3A_5[%dma_start3A_6, %dma_start3A_7] : memref<8192x128xf32, #tpu.memory_space<hbm>> -> memref<8192x128xf32, #tpu.memory_space<hbm>>
    tpu.enqueue_indirect_dma source(%dma_start3A_8 : memref<8192x128xf32, #tpu.memory_space<hbm>>) target(%arg6 : memref<128x128xf32, #tpu.memory_space<vmem>>) offsets(%dma_start3A_1 : memref<128xi32, #tpu.memory_space<vmem>>) semaphore(%arg8 : memref<!tpu.dma_semaphore, #tpu.memory_space<semaphore_mem>>)
    %scan3A = arith.constant 0 : i32
    %scan3A_9 = arith.constant 0 : i32
    %scan3A_10 = arith.constant 64 : i32
    %scan3A_11 = arith.addi %scan3A_9, %scan3A_10 : i32
    %scan3A_12 = arith.constant 1 : i32
    %scan3A_13 = scf.for %scan3A_15 = %scan3A_9 to %scan3A_11 step %scan3A_12 iter_args(%scan3A_16 = %scan3A) -> (i32)  : i32 {
      %jit3A = arith.constant 2 : i32
      %eq3A = arith.constant 0 : i32
      %eq3A_17 = arith.cmpi eq, %jit3A, %eq3A : i32
      %jit3A_18 = arith.constant 1 : i32
      %select_n3A = arith.select %eq3A_17, %jit3A_18, %jit3A : i32
      %rem3A = arith.remsi %scan3A_15, %select_n3A : i32
      %ne3A = arith.constant 0 : i32
      %ne3A_19 = arith.cmpi ne, %rem3A, %ne3A : i32
      %lt3A = arith.constant 0 : i32
      %lt3A_20 = arith.cmpi slt, %rem3A, %lt3A : i32
      %lt3A_21 = arith.constant 0 : i32
      %lt3A_22 = arith.cmpi slt, %select_n3A, %lt3A_21 : i32
      %ne3A_23 = arith.xori %lt3A_20, %lt3A_22 : i1
      %and3A = arith.andi %ne3A_23, %ne3A_19 : i1
      %add3A_24 = arith.addi %rem3A, %select_n3A : i32
      %select_n3A_25 = arith.select %and3A, %add3A_24, %rem3A : i32
      %eq3A_26 = arith.constant 0 : i32
      %eq3A_27 = arith.cmpi eq, %select_n3A_25, %eq3A_26 : i32
      %add3A_28 = arith.constant 1 : i32
      %add3A_29 = arith.addi %scan3A_15, %add3A_28 : i32
      %lt3A_30 = arith.constant 64 : i32
      %lt3A_31 = arith.cmpi slt, %add3A_29, %lt3A_30 : i32
      %and3A_32 = arith.andi %eq3A_27, %lt3A_31 : i1
      %convert_element_type3A = arith.extui %and3A_32 : i1 to i32
      %cond3A = arith.constant 0 : i32
      %cond3A_33 = arith.cmpi ne, %convert_element_type3A, %cond3A : i32
      scf.if %cond3A_33 {
        %add3A_52 = arith.constant 1 : i32
        %add3A_53 = arith.addi %scan3A_15, %add3A_52 : i32
        %mul3A_54 = arith.constant 128 : i32
        %mul3A_55 = arith.muli %add3A_53, %mul3A_54 : i32
        %dma_start3A_56 = tpu.memref_slice %arg5[%mul3A_55] : memref<8192xi32, #tpu.memory_space<vmem>> -> memref<128xi32, #tpu.memory_space<vmem>>
        %dma_start3A_57 = arith.constant 0 : i32
        %dma_start3A_58 = arith.constant 0 : i32
        %dma_start3A_59 = tpu.memref_slice %arg2[%add3A, %dma_start3A_57, %dma_start3A_58] : memref<32x8192x128xf32, #tpu.memory_space<hbm>> -> memref<1x8192x128xf32, #tpu.memory_space<hbm>>
        %dma_start3A_60 = tpu.memref_squeeze %dma_start3A_59 : memref<1x8192x128xf32, #tpu.memory_space<hbm>> -> memref<8192x128xf32, #tpu.memory_space<hbm>>
        %dma_start3A_61 = arith.constant 0 : i32
        %dma_start3A_62 = arith.constant 0 : i32
        %dma_start3A_63 = tpu.memref_slice %dma_start3A_60[%dma_start3A_61, %dma_start3A_62] : memref<8192x128xf32, #tpu.memory_space<hbm>> -> memref<8192x128xf32, #tpu.memory_space<hbm>>
        tpu.enqueue_indirect_dma source(%dma_start3A_63 : memref<8192x128xf32, #tpu.memory_space<hbm>>) target(%arg7 : memref<128x128xf32, #tpu.memory_space<vmem>>) offsets(%dma_start3A_56 : memref<128xi32, #tpu.memory_space<vmem>>) semaphore(%arg9 : memref<!tpu.dma_semaphore, #tpu.memory_space<semaphore_mem>>)
      } else {
      }
      %not3A = arith.constant true
      %not3A_34 = arith.xori %eq3A_27, %not3A : i1
      %add3A_35 = arith.constant 1 : i32
      %add3A_36 = arith.addi %scan3A_15, %add3A_35 : i32
      %lt3A_37 = arith.constant 64 : i32
      %lt3A_38 = arith.cmpi slt, %add3A_36, %lt3A_37 : i32
      %and3A_39 = arith.andi %not3A_34, %lt3A_38 : i1
      %convert_element_type3A_40 = arith.extui %and3A_39 : i1 to i32
      %cond3A_41 = arith.constant 0 : i32
      %cond3A_42 = arith.cmpi ne, %convert_element_type3A_40, %cond3A_41 : i32
      scf.if %cond3A_42 {
        %add3A_52 = arith.constant 1 : i32
        %add3A_53 = arith.addi %scan3A_15, %add3A_52 : i32
        %mul3A_54 = arith.constant 128 : i32
        %mul3A_55 = arith.muli %add3A_53, %mul3A_54 : i32
        %dma_start3A_56 = tpu.memref_slice %arg5[%mul3A_55] : memref<8192xi32, #tpu.memory_space<vmem>> -> memref<128xi32, #tpu.memory_space<vmem>>
        %dma_start3A_57 = arith.constant 0 : i32
        %dma_start3A_58 = arith.constant 0 : i32
        %dma_start3A_59 = tpu.memref_slice %arg2[%add3A, %dma_start3A_57, %dma_start3A_58] : memref<32x8192x128xf32, #tpu.memory_space<hbm>> -> memref<1x8192x128xf32, #tpu.memory_space<hbm>>
        %dma_start3A_60 = tpu.memref_squeeze %dma_start3A_59 : memref<1x8192x128xf32, #tpu.memory_space<hbm>> -> memref<8192x128xf32, #tpu.memory_space<hbm>>
        %dma_start3A_61 = arith.constant 0 : i32
        %dma_start3A_62 = arith.constant 0 : i32
        %dma_start3A_63 = tpu.memref_slice %dma_start3A_60[%dma_start3A_61, %dma_start3A_62] : memref<8192x128xf32, #tpu.memory_space<hbm>> -> memref<8192x128xf32, #tpu.memory_space<hbm>>
        tpu.enqueue_indirect_dma source(%dma_start3A_63 : memref<8192x128xf32, #tpu.memory_space<hbm>>) target(%arg6 : memref<128x128xf32, #tpu.memory_space<vmem>>) offsets(%dma_start3A_56 : memref<128xi32, #tpu.memory_space<vmem>>) semaphore(%arg8 : memref<!tpu.dma_semaphore, #tpu.memory_space<semaphore_mem>>)
      } else {
      }
      %convert_element_type3A_43 = arith.extui %eq3A_27 : i1 to i32
      %cond3A_44 = arith.constant 0 : i32
      %cond3A_45 = arith.cmpi ne, %convert_element_type3A_43, %cond3A_44 : i32
      scf.if %cond3A_45 {
        %dma_wait3A = arith.constant 0 : i32
        %dma_wait3A_52 = arith.constant 0 : i32
        %dma_wait3A_53 = tpu.memref_slice %arg4[%add3A, %dma_wait3A, %dma_wait3A_52] : memref<32x8192x128xf32, #tpu.memory_space<hbm>> -> memref<1x128x128xf32, #tpu.memory_space<hbm>>
        %dma_wait3A_54 = tpu.memref_squeeze %dma_wait3A_53 : memref<1x128x128xf32, #tpu.memory_space<hbm>> -> memref<128x128xf32, #tpu.memory_space<hbm>>
        %dma_wait3A_55 = arith.constant 0 : i32
        %dma_wait3A_56 = arith.constant 0 : i32
        %dma_wait3A_57 = tpu.memref_slice %arg4[%add3A, %dma_wait3A_55, %dma_wait3A_56] : memref<32x8192x128xf32, #tpu.memory_space<hbm>> -> memref<1x128x128xf32, #tpu.memory_space<hbm>>
        %dma_wait3A_58 = tpu.memref_squeeze %dma_wait3A_57 : memref<1x128x128xf32, #tpu.memory_space<hbm>> -> memref<128x128xf32, #tpu.memory_space<hbm>>
        tpu.wait_dma2 semaphore(%arg8 : memref<!tpu.dma_semaphore, #tpu.memory_space<semaphore_mem>>) src(%dma_wait3A_58 : memref<128x128xf32, #tpu.memory_space<hbm>>) dst(%arg6 : memref<128x128xf32, #tpu.memory_space<vmem>>)
        %mul3A_59 = arith.constant 128 : i32
        %mul3A_60 = arith.muli %scan3A_15, %mul3A_59 : i32
        "tpu.region"() ({
          %run_scoped3A = tpu.sem_alloc : memref<!tpu.dma_semaphore, #tpu.memory_space<semaphore_mem>>
          %dma_start3A_61 = arith.constant 0 : i32
          %dma_start3A_62 = tpu.memref_slice %arg4[%add3A, %mul3A_60, %dma_start3A_61] : memref<32x8192x128xf32, #tpu.memory_space<hbm>> -> memref<1x128x128xf32, #tpu.memory_space<hbm>>
          %dma_start3A_63 = tpu.memref_squeeze %dma_start3A_62 : memref<1x128x128xf32, #tpu.memory_space<hbm>> -> memref<128x128xf32, #tpu.memory_space<hbm>>
          %dma_start3A_64 = arith.constant 0 : i32
          %dma_start3A_65 = tpu.memref_slice %arg4[%add3A, %mul3A_60, %dma_start3A_64] : memref<32x8192x128xf32, #tpu.memory_space<hbm>> -> memref<1x128x128xf32, #tpu.memory_space<hbm>>
          %dma_start3A_66 = tpu.memref_squeeze %dma_start3A_65 : memref<1x128x128xf32, #tpu.memory_space<hbm>> -> memref<128x128xf32, #tpu.memory_space<hbm>>
          tpu.enqueue_dma source(%arg6 : memref<128x128xf32, #tpu.memory_space<vmem>>) target(%dma_start3A_66 : memref<128x128xf32, #tpu.memory_space<hbm>>) target_semaphore(%run_scoped3A : memref<!tpu.dma_semaphore, #tpu.memory_space<semaphore_mem>>)
          %dma_wait3A_67 = arith.constant 0 : i32
          %dma_wait3A_68 = tpu.memref_slice %arg4[%add3A, %mul3A_60, %dma_wait3A_67] : memref<32x8192x128xf32, #tpu.memory_space<hbm>> -> memref<1x128x128xf32, #tpu.memory_space<hbm>>
          %dma_wait3A_69 = tpu.memref_squeeze %dma_wait3A_68 : memref<1x128x128xf32, #tpu.memory_space<hbm>> -> memref<128x128xf32, #tpu.memory_space<hbm>>
          %dma_wait3A_70 = arith.constant 0 : i32
          %dma_wait3A_71 = tpu.memref_slice %arg4[%add3A, %mul3A_60, %dma_wait3A_70] : memref<32x8192x128xf32, #tpu.memory_space<hbm>> -> memref<1x128x128xf32, #tpu.memory_space<hbm>>
          %dma_wait3A_72 = tpu.memref_squeeze %dma_wait3A_71 : memref<1x128x128xf32, #tpu.memory_space<hbm>> -> memref<128x128xf32, #tpu.memory_space<hbm>>
          tpu.wait_dma2 semaphore(%run_scoped3A : memref<!tpu.dma_semaphore, #tpu.memory_space<semaphore_mem>>) src(%arg6 : memref<128x128xf32, #tpu.memory_space<vmem>>) dst(%dma_wait3A_72 : memref<128x128xf32, #tpu.memory_space<hbm>>)
          tpu.yield
        }) : () -> ()
      } else {
      }
      %not3A_46 = arith.constant true
      %not3A_47 = arith.xori %eq3A_27, %not3A_46 : i1
      %convert_element_type3A_48 = arith.extui %not3A_47 : i1 to i32
      %cond3A_49 = arith.constant 0 : i32
      %cond3A_50 = arith.cmpi ne, %convert_element_type3A_48, %cond3A_49 : i32
      scf.if %cond3A_50 {
        %dma_wait3A = arith.constant 0 : i32
        %dma_wait3A_52 = arith.constant 0 : i32
        %dma_wait3A_53 = tpu.memref_slice %arg4[%add3A, %dma_wait3A, %dma_wait3A_52] : memref<32x8192x128xf32, #tpu.memory_space<hbm>> -> memref<1x128x128xf32, #tpu.memory_space<hbm>>
        %dma_wait3A_54 = tpu.memref_squeeze %dma_wait3A_53 : memref<1x128x128xf32, #tpu.memory_space<hbm>> -> memref<128x128xf32, #tpu.memory_space<hbm>>
        %dma_wait3A_55 = arith.constant 0 : i32
        %dma_wait3A_56 = arith.constant 0 : i32
        %dma_wait3A_57 = tpu.memref_slice %arg4[%add3A, %dma_wait3A_55, %dma_wait3A_56] : memref<32x8192x128xf32, #tpu.memory_space<hbm>> -> memref<1x128x128xf32, #tpu.memory_space<hbm>>
        %dma_wait3A_58 = tpu.memref_squeeze %dma_wait3A_57 : memref<1x128x128xf32, #tpu.memory_space<hbm>> -> memref<128x128xf32, #tpu.memory_space<hbm>>
        tpu.wait_dma2 semaphore(%arg9 : memref<!tpu.dma_semaphore, #tpu.memory_space<semaphore_mem>>) src(%dma_wait3A_58 : memref<128x128xf32, #tpu.memory_space<hbm>>) dst(%arg7 : memref<128x128xf32, #tpu.memory_space<vmem>>)
        %mul3A_59 = arith.constant 128 : i32
        %mul3A_60 = arith.muli %scan3A_15, %mul3A_59 : i32
        "tpu.region"() ({
          %run_scoped3A = tpu.sem_alloc : memref<!tpu.dma_semaphore, #tpu.memory_space<semaphore_mem>>
          %dma_start3A_61 = arith.constant 0 : i32
          %dma_start3A_62 = tpu.memref_slice %arg4[%add3A, %mul3A_60, %dma_start3A_61] : memref<32x8192x128xf32, #tpu.memory_space<hbm>> -> memref<1x128x128xf32, #tpu.memory_space<hbm>>
          %dma_start3A_63 = tpu.memref_squeeze %dma_start3A_62 : memref<1x128x128xf32, #tpu.memory_space<hbm>> -> memref<128x128xf32, #tpu.memory_space<hbm>>
          %dma_start3A_64 = arith.constant 0 : i32
          %dma_start3A_65 = tpu.memref_slice %arg4[%add3A, %mul3A_60, %dma_start3A_64] : memref<32x8192x128xf32, #tpu.memory_space<hbm>> -> memref<1x128x128xf32, #tpu.memory_space<hbm>>
          %dma_start3A_66 = tpu.memref_squeeze %dma_start3A_65 : memref<1x128x128xf32, #tpu.memory_space<hbm>> -> memref<128x128xf32, #tpu.memory_space<hbm>>
          tpu.enqueue_dma source(%arg7 : memref<128x128xf32, #tpu.memory_space<vmem>>) target(%dma_start3A_66 : memref<128x128xf32, #tpu.memory_space<hbm>>) target_semaphore(%run_scoped3A : memref<!tpu.dma_semaphore, #tpu.memory_space<semaphore_mem>>)
          %dma_wait3A_67 = arith.constant 0 : i32
          %dma_wait3A_68 = tpu.memref_slice %arg4[%add3A, %mul3A_60, %dma_wait3A_67] : memref<32x8192x128xf32, #tpu.memory_space<hbm>> -> memref<1x128x128xf32, #tpu.memory_space<hbm>>
          %dma_wait3A_69 = tpu.memref_squeeze %dma_wait3A_68 : memref<1x128x128xf32, #tpu.memory_space<hbm>> -> memref<128x128xf32, #tpu.memory_space<hbm>>
          %dma_wait3A_70 = arith.constant 0 : i32
          %dma_wait3A_71 = tpu.memref_slice %arg4[%add3A, %mul3A_60, %dma_wait3A_70] : memref<32x8192x128xf32, #tpu.memory_space<hbm>> -> memref<1x128x128xf32, #tpu.memory_space<hbm>>
          %dma_wait3A_72 = tpu.memref_squeeze %dma_wait3A_71 : memref<1x128x128xf32, #tpu.memory_space<hbm>> -> memref<128x128xf32, #tpu.memory_space<hbm>>
          tpu.wait_dma2 semaphore(%run_scoped3A : memref<!tpu.dma_semaphore, #tpu.memory_space<semaphore_mem>>) src(%arg7 : memref<128x128xf32, #tpu.memory_space<vmem>>) dst(%dma_wait3A_72 : memref<128x128xf32, #tpu.memory_space<hbm>>)
          tpu.yield
        }) : () -> ()
      } else {
      }
      %scan3A_51 = arith.constant 0 : i32
      scf.yield %scan3A_51 : i32
    }
    %scan3A_14 = arith.constant 64 : i32
    return
  }
}

module attributes {stable_mosaic.version = 14 : i64} {
  func.func @_embed_kern(%arg0: i32, %arg1: memref<512x67xf32, #tpu.memory_space<vmem>>, %arg2: memref<67x1024xf32, #tpu.memory_space<vmem>>, %arg3: memref<512x1024xf32, #tpu.memory_space<vmem>>, %arg4: memref<512x1024xf32, #tpu.memory_space<vmem>>) attributes {dimension_semantics = [#tpu.dimension_semantics<arbitrary>], iteration_bounds = array<i64: 8>, scalar_prefetch = 0 : i64, scratch_operands = 0 : i64, tpu.core_type = #tpu.core_type<tc>, window_params = [{transform_indices = @transform_0, window_bounds = array<i64: 512, 67>}, {pipeline_mode = #tpu.pipeline_mode<synchronous>, transform_indices = @transform_1, window_bounds = array<i64: 67, 1024>}, {transform_indices = @transform_2, window_bounds = array<i64: 512, 1024>}, {transform_indices = @transform_3, window_bounds = array<i64: 512, 1024>}]} {
    %get3A = arith.constant 0 : index
    %get3A_0 = arith.constant 0 : index
    %get3A_1 = vector.load %arg1[%get3A, %get3A_0] : memref<512x67xf32, #tpu.memory_space<vmem>>, vector<512x67xf32>
    %get3A_2 = arith.constant 0 : index
    %get3A_3 = arith.constant 0 : index
    %get3A_4 = vector.load %arg2[%get3A_2, %get3A_3] : memref<67x1024xf32, #tpu.memory_space<vmem>>, vector<67x1024xf32>
    %convert_element_type3A = arith.truncf %get3A_1 : vector<512x67xf32> to vector<512x67xbf16>
    %convert_element_type3A_5 = arith.truncf %get3A_4 : vector<67x1024xf32> to vector<67x1024xbf16>
    %dot_general3A = arith.constant dense<0.000000e+00> : vector<512x1024xf32>
    %dot_general3A_6 = tpu.matmul %convert_element_type3A, %convert_element_type3A_5, %dot_general3A {dimension_numbers = #tpu.dot_dimension_numbers<[1], [0], [0], [1], [0, 0, 1, 1], [], []>, transpose_lhs_hint = false} : vector<512x67xbf16>, vector<67x1024xbf16>, vector<512x1024xf32> -> vector<512x1024xf32>
    %get3A_7 = arith.constant 0 : index
    %get3A_8 = arith.constant 0 : index
    %get3A_9 = vector.load %arg3[%get3A_7, %get3A_8] : memref<512x1024xf32, #tpu.memory_space<vmem>>, vector<512x1024xf32>
    %add3A = arith.addf %dot_general3A_6, %get3A_9 : vector<512x1024xf32>
    %swap3A = arith.constant 0 : index
    %swap3A_10 = arith.constant 0 : index
    %swap3A_11 = vector.load %arg4[%swap3A, %swap3A_10] : memref<512x1024xf32, #tpu.memory_space<vmem>>, vector<512x1024xf32>
    tpu.vector_store %arg4[%swap3A, %swap3A_10], %add3A {strides = array<i32>} : memref<512x1024xf32, #tpu.memory_space<vmem>>, vector<512x1024xf32>,
    return
  }
  func.func @transform_0(%arg0: i32) -> (i32, i32) {
    %c0_i32 = arith.constant 0 : i32
    %c0_i32_0 = arith.constant 0 : i32
    return %arg0, %c0_i32 : i32, i32
  }
  func.func @transform_1(%arg0: i32) -> (i32, i32) {
    %c0_i32 = arith.constant 0 : i32
    %c0_i32_0 = arith.constant 0 : i32
    %c0_i32_1 = arith.constant 0 : i32
    return %c0_i32, %c0_i32_0 : i32, i32
  }
  func.func @transform_2(%arg0: i32) -> (i32, i32) {
    %c0_i32 = arith.constant 0 : i32
    %c0_i32_0 = arith.constant 0 : i32
    return %arg0, %c0_i32 : i32, i32
  }
  func.func @transform_3(%arg0: i32) -> (i32, i32) {
    %c0_i32 = arith.constant 0 : i32
    %c0_i32_0 = arith.constant 0 : i32
    return %arg0, %c0_i32 : i32, i32
  }
}

module attributes {stable_mosaic.version = 14 : i64} {
  func.func @_qkv_kern(%arg0: i32, %arg1: i32, %arg2: memref<1x2048x1024xf32, #tpu.memory_space<vmem>>, %arg3: memref<1x64x1024xf32, #tpu.memory_space<vmem>>, %arg4: memref<1x64x1024xf32, #tpu.memory_space<vmem>>, %arg5: memref<64x64xf32, #tpu.memory_space<vmem>>, %arg6: memref<1x1x2048x128xf32, #tpu.memory_space<vmem>>, %arg7: memref<1x1x4x2048x1xi32, #tpu.memory_space<vmem>>) attributes {dimension_semantics = [#tpu.dimension_semantics<arbitrary>, #tpu.dimension_semantics<arbitrary>], iteration_bounds = array<i64: 2, 16>, scalar_prefetch = 0 : i64, scratch_operands = 0 : i64, tpu.core_type = #tpu.core_type<tc>, window_params = [{transform_indices = @transform_0, window_bounds = array<i64: 1, 2048, 1024>}, {transform_indices = @transform_1, window_bounds = array<i64: 1, 64, 1024>}, {transform_indices = @transform_2, window_bounds = array<i64: 1, 64, 1024>}, {pipeline_mode = #tpu.pipeline_mode<synchronous>, transform_indices = @transform_3, window_bounds = array<i64: 64, 64>}, {transform_indices = @transform_4, window_bounds = array<i64: 1, 1, 2048, 128>}, {transform_indices = @transform_5, window_bounds = array<i64: 1, 1, 4, 2048, 1>}]} {
    %get3A = arith.constant 0 : index
    %get3A_0 = arith.constant 0 : index
    %get3A_1 = arith.constant 0 : index
    %get3A_2 = vector.load %arg2[%get3A, %get3A_0, %get3A_1] : memref<1x2048x1024xf32, #tpu.memory_space<vmem>>, vector<1x2048x1024xf32>
    %get3A_3 = vector.shape_cast %get3A_2 : vector<1x2048x1024xf32> to vector<2048x1024xf32>
    %get3A_4 = arith.constant 0 : index
    %get3A_5 = arith.constant 0 : index
    %get3A_6 = arith.constant 0 : index
    %get3A_7 = vector.load %arg3[%get3A_4, %get3A_5, %get3A_6] : memref<1x64x1024xf32, #tpu.memory_space<vmem>>, vector<1x64x1024xf32>
    %get3A_8 = vector.shape_cast %get3A_7 : vector<1x64x1024xf32> to vector<64x1024xf32>
    %convert_element_type3A = arith.truncf %get3A_3 : vector<2048x1024xf32> to vector<2048x1024xbf16>
    %convert_element_type3A_9 = arith.truncf %get3A_8 : vector<64x1024xf32> to vector<64x1024xbf16>
    %dot_general3A = arith.constant dense<0.000000e+00> : vector<2048x64xf32>
    %dot_general3A_10 = tpu.matmul %convert_element_type3A, %convert_element_type3A_9, %dot_general3A {dimension_numbers = #tpu.dot_dimension_numbers<[1], [1], [0], [0], [0, 0, 1, 0], [], []>, transpose_lhs_hint = false} : vector<2048x1024xbf16>, vector<64x1024xbf16>, vector<2048x64xf32> -> vector<2048x64xf32>
    %get3A_11 = arith.constant 0 : index
    %get3A_12 = arith.constant 0 : index
    %get3A_13 = arith.constant 0 : index
    %get3A_14 = vector.load %arg4[%get3A_11, %get3A_12, %get3A_13] : memref<1x64x1024xf32, #tpu.memory_space<vmem>>, vector<1x64x1024xf32>
    %get3A_15 = vector.shape_cast %get3A_14 : vector<1x64x1024xf32> to vector<64x1024xf32>
    %convert_element_type3A_16 = arith.truncf %get3A_3 : vector<2048x1024xf32> to vector<2048x1024xbf16>
    %convert_element_type3A_17 = arith.truncf %get3A_15 : vector<64x1024xf32> to vector<64x1024xbf16>
    %dot_general3A_18 = arith.constant dense<0.000000e+00> : vector<2048x64xf32>
    %dot_general3A_19 = tpu.matmul %convert_element_type3A_16, %convert_element_type3A_17, %dot_general3A_18 {dimension_numbers = #tpu.dot_dimension_numbers<[1], [1], [0], [0], [0, 0, 1, 0], [], []>, transpose_lhs_hint = false} : vector<2048x1024xbf16>, vector<64x1024xbf16>, vector<2048x64xf32> -> vector<2048x64xf32>
    %swap3A = arith.constant 0 : index
    %swap3A_20 = arith.constant 0 : index
    %swap3A_21 = arith.constant 0 : index
    %swap3A_22 = arith.constant 0 : index
    %swap3A_23 = vector.load %arg6[%swap3A, %swap3A_20, %swap3A_21, %swap3A_22] : memref<1x1x2048x128xf32, #tpu.memory_space<vmem>>, vector<1x1x2048x64xf32>
    %swap3A_24 = vector.shape_cast %swap3A_23 : vector<1x1x2048x64xf32> to vector<2048x64xf32>
    %swap3A_25 = vector.shape_cast %dot_general3A_10 : vector<2048x64xf32> to vector<1x1x2048x64xf32>
    tpu.vector_store %arg6[%swap3A, %swap3A_20, %swap3A_21, %swap3A_22], %swap3A_25 {strides = array<i32>} : memref<1x1x2048x128xf32, #tpu.memory_space<vmem>>, vector<1x1x2048x64xf32>,
    %swap3A_26 = arith.constant 0 : index
    %swap3A_27 = arith.constant 0 : index
    %swap3A_28 = arith.constant 0 : index
    %swap3A_29 = arith.constant 64 : index
    %swap3A_30 = vector.load %arg6[%swap3A_26, %swap3A_27, %swap3A_28, %swap3A_29] : memref<1x1x2048x128xf32, #tpu.memory_space<vmem>>, vector<1x1x2048x64xf32>
    %swap3A_31 = vector.shape_cast %swap3A_30 : vector<1x1x2048x64xf32> to vector<2048x64xf32>
    %swap3A_32 = vector.shape_cast %dot_general3A_19 : vector<2048x64xf32> to vector<1x1x2048x64xf32>
    tpu.vector_store %arg6[%swap3A_26, %swap3A_27, %swap3A_28, %swap3A_29], %swap3A_32 {strides = array<i32>} : memref<1x1x2048x128xf32, #tpu.memory_space<vmem>>, vector<1x1x2048x64xf32>,
    %get3A_33 = arith.constant 0 : index
    %get3A_34 = arith.constant 0 : index
    %get3A_35 = vector.load %arg5[%get3A_33, %get3A_34] : memref<64x64xf32, #tpu.memory_space<vmem>>, vector<64x64xf32>
    %convert_element_type3A_36 = arith.truncf %dot_general3A_10 : vector<2048x64xf32> to vector<2048x64xbf16>
    %convert_element_type3A_37 = arith.truncf %get3A_35 : vector<64x64xf32> to vector<64x64xbf16>
    %dot_general3A_38 = arith.constant dense<0.000000e+00> : vector<2048x64xf32>
    %dot_general3A_39 = tpu.matmul %convert_element_type3A_36, %convert_element_type3A_37, %dot_general3A_38 {dimension_numbers = #tpu.dot_dimension_numbers<[1], [0], [0], [1], [0, 0, 1, 1], [], []>, transpose_lhs_hint = false} : vector<2048x64xbf16>, vector<64x64xbf16>, vector<2048x64xf32> -> vector<2048x64xf32>
    %slice3A = vector.extract_strided_slice %dot_general3A_39 {offsets = [0, 0], sizes = [2048, 16], strides = [1, 1]} : vector<2048x64xf32> to vector<2048x16xf32>
    %neg3A = arith.constant 0.000000e+00 : f32
    %neg3A_40 = vector.broadcast %neg3A : f32 to vector<2048x16xf32>
    %neg3A_41 = arith.subf %neg3A_40, %slice3A : vector<2048x16xf32>
    %concatenate3A = tpu.concatenate %slice3A, %neg3A_41 in 1 : vector<2048x16xf32>, vector<2048x16xf32> -> vector<2048x32xf32>
    %reduce_max3A = arith.constant dense<0xFF800000> : vector<2048xf32>
    %reduce_max3A_42 = vector.multi_reduction <maximumf>, %concatenate3A, %reduce_max3A [1] : vector<2048x32xf32> to vector<2048xf32>
    %broadcast_in_dim3A = vector.shape_cast %reduce_max3A_42 : vector<2048xf32> to vector<2048x1xf32>
    %iota3A = tpu.iota {dimensions = array<i32: 1>} : vector<2048x32xi32>
    %eq3A = vector.broadcast %broadcast_in_dim3A : vector<2048x1xf32> to vector<2048x32xf32>
    %eq3A_43 = arith.cmpf oeq, %concatenate3A, %eq3A : vector<2048x32xf32>
    %jit3A = arith.constant 128 : i32
    %broadcast_in_dim3A_44 = vector.broadcast %jit3A : i32 to vector<2048x32xi32>
    %select_n3A = arith.select %eq3A_43, %iota3A, %broadcast_in_dim3A_44 : vector<2048x32xi1>, vector<2048x32xi32>
    %reduce_min3A = arith.constant dense<2147483647> : vector<2048xi32>
    %reduce_min3A_45 = vector.multi_reduction <minsi>, %select_n3A, %reduce_min3A [1] : vector<2048x32xi32> to vector<2048xi32>
    %broadcast_in_dim3A_46 = vector.shape_cast %reduce_min3A_45 : vector<2048xi32> to vector<2048x1xi32>
    %add3A = arith.constant 0 : i32
    %add3A_47 = vector.broadcast %add3A : i32 to vector<2048x1xi32>
    %add3A_48 = arith.addi %broadcast_in_dim3A_46, %add3A_47 : vector<2048x1xi32>
    %swap3A_49 = arith.constant 0 : index
    %swap3A_50 = arith.constant 0 : index
    %swap3A_51 = arith.constant 0 : index
    %swap3A_52 = arith.constant 0 : index
    %swap3A_53 = arith.constant 0 : index
    %swap3A_54 = vector.load %arg7[%swap3A_49, %swap3A_50, %swap3A_51, %swap3A_52, %swap3A_53] : memref<1x1x4x2048x1xi32, #tpu.memory_space<vmem>>, vector<1x1x1x2048x1xi32>
    %swap3A_55 = vector.shape_cast %swap3A_54 : vector<1x1x1x2048x1xi32> to vector<2048x1xi32>
    %swap3A_56 = vector.shape_cast %add3A_48 : vector<2048x1xi32> to vector<1x1x1x2048x1xi32>
    tpu.vector_store %arg7[%swap3A_49, %swap3A_50, %swap3A_51, %swap3A_52, %swap3A_53], %swap3A_56 {strides = array<i32>} : memref<1x1x4x2048x1xi32, #tpu.memory_space<vmem>>, vector<1x1x1x2048x1xi32>,
    %slice3A_57 = vector.extract_strided_slice %dot_general3A_39 {offsets = [0, 16], sizes = [2048, 16], strides = [1, 1]} : vector<2048x64xf32> to vector<2048x16xf32>
    %neg3A_58 = arith.constant 0.000000e+00 : f32
    %neg3A_59 = vector.broadcast %neg3A_58 : f32 to vector<2048x16xf32>
    %neg3A_60 = arith.subf %neg3A_59, %slice3A_57 : vector<2048x16xf32>
    %concatenate3A_61 = tpu.concatenate %slice3A_57, %neg3A_60 in 1 : vector<2048x16xf32>, vector<2048x16xf32> -> vector<2048x32xf32>
    %reduce_max3A_62 = arith.constant dense<0xFF800000> : vector<2048xf32>
    %reduce_max3A_63 = vector.multi_reduction <maximumf>, %concatenate3A_61, %reduce_max3A_62 [1] : vector<2048x32xf32> to vector<2048xf32>
    %broadcast_in_dim3A_64 = vector.shape_cast %reduce_max3A_63 : vector<2048xf32> to vector<2048x1xf32>
    %iota3A_65 = tpu.iota {dimensions = array<i32: 1>} : vector<2048x32xi32>
    %eq3A_66 = vector.broadcast %broadcast_in_dim3A_64 : vector<2048x1xf32> to vector<2048x32xf32>
    %eq3A_67 = arith.cmpf oeq, %concatenate3A_61, %eq3A_66 : vector<2048x32xf32>
    %jit3A_68 = arith.constant 128 : i32
    %broadcast_in_dim3A_69 = vector.broadcast %jit3A_68 : i32 to vector<2048x32xi32>
    %select_n3A_70 = arith.select %eq3A_67, %iota3A_65, %broadcast_in_dim3A_69 : vector<2048x32xi1>, vector<2048x32xi32>
    %reduce_min3A_71 = arith.constant dense<2147483647> : vector<2048xi32>
    %reduce_min3A_72 = vector.multi_reduction <minsi>, %select_n3A_70, %reduce_min3A_71 [1] : vector<2048x32xi32> to vector<2048xi32>
    %broadcast_in_dim3A_73 = vector.shape_cast %reduce_min3A_72 : vector<2048xi32> to vector<2048x1xi32>
    %add3A_74 = arith.constant 32 : i32
    %add3A_75 = vector.broadcast %add3A_74 : i32 to vector<2048x1xi32>
    %add3A_76 = arith.addi %broadcast_in_dim3A_73, %add3A_75 : vector<2048x1xi32>
    %swap3A_77 = arith.constant 0 : index
    %swap3A_78 = arith.constant 0 : index
    %swap3A_79 = arith.constant 1 : index
    %swap3A_80 = arith.constant 0 : index
    %swap3A_81 = arith.constant 0 : index
    %swap3A_82 = vector.load %arg7[%swap3A_77, %swap3A_78, %swap3A_79, %swap3A_80, %swap3A_81] : memref<1x1x4x2048x1xi32, #tpu.memory_space<vmem>>, vector<1x1x1x2048x1xi32>
    %swap3A_83 = vector.shape_cast %swap3A_82 : vector<1x1x1x2048x1xi32> to vector<2048x1xi32>
    %swap3A_84 = vector.shape_cast %add3A_76 : vector<2048x1xi32> to vector<1x1x1x2048x1xi32>
    tpu.vector_store %arg7[%swap3A_77, %swap3A_78, %swap3A_79, %swap3A_80, %swap3A_81], %swap3A_84 {strides = array<i32>} : memref<1x1x4x2048x1xi32, #tpu.memory_space<vmem>>, vector<1x1x1x2048x1xi32>,
    %slice3A_85 = vector.extract_strided_slice %dot_general3A_39 {offsets = [0, 32], sizes = [2048, 16], strides = [1, 1]} : vector<2048x64xf32> to vector<2048x16xf32>
    %neg3A_86 = arith.constant 0.000000e+00 : f32
    %neg3A_87 = vector.broadcast %neg3A_86 : f32 to vector<2048x16xf32>
    %neg3A_88 = arith.subf %neg3A_87, %slice3A_85 : vector<2048x16xf32>
    %concatenate3A_89 = tpu.concatenate %slice3A_85, %neg3A_88 in 1 : vector<2048x16xf32>, vector<2048x16xf32> -> vector<2048x32xf32>
    %reduce_max3A_90 = arith.constant dense<0xFF800000> : vector<2048xf32>
    %reduce_max3A_91 = vector.multi_reduction <maximumf>, %concatenate3A_89, %reduce_max3A_90 [1] : vector<2048x32xf32> to vector<2048xf32>
    %broadcast_in_dim3A_92 = vector.shape_cast %reduce_max3A_91 : vector<2048xf32> to vector<2048x1xf32>
    %iota3A_93 = tpu.iota {dimensions = array<i32: 1>} : vector<2048x32xi32>
    %eq3A_94 = vector.broadcast %broadcast_in_dim3A_92 : vector<2048x1xf32> to vector<2048x32xf32>
    %eq3A_95 = arith.cmpf oeq, %concatenate3A_89, %eq3A_94 : vector<2048x32xf32>
    %jit3A_96 = arith.constant 128 : i32
    %broadcast_in_dim3A_97 = vector.broadcast %jit3A_96 : i32 to vector<2048x32xi32>
    %select_n3A_98 = arith.select %eq3A_95, %iota3A_93, %broadcast_in_dim3A_97 : vector<2048x32xi1>, vector<2048x32xi32>
    %reduce_min3A_99 = arith.constant dense<2147483647> : vector<2048xi32>
    %reduce_min3A_100 = vector.multi_reduction <minsi>, %select_n3A_98, %reduce_min3A_99 [1] : vector<2048x32xi32> to vector<2048xi32>
    %broadcast_in_dim3A_101 = vector.shape_cast %reduce_min3A_100 : vector<2048xi32> to vector<2048x1xi32>
    %add3A_102 = arith.constant 64 : i32
    %add3A_103 = vector.broadcast %add3A_102 : i32 to vector<2048x1xi32>
    %add3A_104 = arith.addi %broadcast_in_dim3A_101, %add3A_103 : vector<2048x1xi32>
    %swap3A_105 = arith.constant 0 : index
    %swap3A_106 = arith.constant 0 : index
    %swap3A_107 = arith.constant 2 : index
    %swap3A_108 = arith.constant 0 : index
    %swap3A_109 = arith.constant 0 : index
    %swap3A_110 = vector.load %arg7[%swap3A_105, %swap3A_106, %swap3A_107, %swap3A_108, %swap3A_109] : memref<1x1x4x2048x1xi32, #tpu.memory_space<vmem>>, vector<1x1x1x2048x1xi32>
    %swap3A_111 = vector.shape_cast %swap3A_110 : vector<1x1x1x2048x1xi32> to vector<2048x1xi32>
    %swap3A_112 = vector.shape_cast %add3A_104 : vector<2048x1xi32> to vector<1x1x1x2048x1xi32>
    tpu.vector_store %arg7[%swap3A_105, %swap3A_106, %swap3A_107, %swap3A_108, %swap3A_109], %swap3A_112 {strides = array<i32>} : memref<1x1x4x2048x1xi32, #tpu.memory_space<vmem>>, vector<1x1x1x2048x1xi32>,
    %slice3A_113 = vector.extract_strided_slice %dot_general3A_39 {offsets = [0, 48], sizes = [2048, 16], strides = [1, 1]} : vector<2048x64xf32> to vector<2048x16xf32>
    %neg3A_114 = arith.constant 0.000000e+00 : f32
    %neg3A_115 = vector.broadcast %neg3A_114 : f32 to vector<2048x16xf32>
    %neg3A_116 = arith.subf %neg3A_115, %slice3A_113 : vector<2048x16xf32>
    %concatenate3A_117 = tpu.concatenate %slice3A_113, %neg3A_116 in 1 : vector<2048x16xf32>, vector<2048x16xf32> -> vector<2048x32xf32>
    %reduce_max3A_118 = arith.constant dense<0xFF800000> : vector<2048xf32>
    %reduce_max3A_119 = vector.multi_reduction <maximumf>, %concatenate3A_117, %reduce_max3A_118 [1] : vector<2048x32xf32> to vector<2048xf32>
    %broadcast_in_dim3A_120 = vector.shape_cast %reduce_max3A_119 : vector<2048xf32> to vector<2048x1xf32>
    %iota3A_121 = tpu.iota {dimensions = array<i32: 1>} : vector<2048x32xi32>
    %eq3A_122 = vector.broadcast %broadcast_in_dim3A_120 : vector<2048x1xf32> to vector<2048x32xf32>
    %eq3A_123 = arith.cmpf oeq, %concatenate3A_117, %eq3A_122 : vector<2048x32xf32>
    %jit3A_124 = arith.constant 128 : i32
    %broadcast_in_dim3A_125 = vector.broadcast %jit3A_124 : i32 to vector<2048x32xi32>
    %select_n3A_126 = arith.select %eq3A_123, %iota3A_121, %broadcast_in_dim3A_125 : vector<2048x32xi1>, vector<2048x32xi32>
    %reduce_min3A_127 = arith.constant dense<2147483647> : vector<2048xi32>
    %reduce_min3A_128 = vector.multi_reduction <minsi>, %select_n3A_126, %reduce_min3A_127 [1] : vector<2048x32xi32> to vector<2048xi32>
    %broadcast_in_dim3A_129 = vector.shape_cast %reduce_min3A_128 : vector<2048xi32> to vector<2048x1xi32>
    %add3A_130 = arith.constant 96 : i32
    %add3A_131 = vector.broadcast %add3A_130 : i32 to vector<2048x1xi32>
    %add3A_132 = arith.addi %broadcast_in_dim3A_129, %add3A_131 : vector<2048x1xi32>
    %swap3A_133 = arith.constant 0 : index
    %swap3A_134 = arith.constant 0 : index
    %swap3A_135 = arith.constant 3 : index
    %swap3A_136 = arith.constant 0 : index
    %swap3A_137 = arith.constant 0 : index
    %swap3A_138 = vector.load %arg7[%swap3A_133, %swap3A_134, %swap3A_135, %swap3A_136, %swap3A_137] : memref<1x1x4x2048x1xi32, #tpu.memory_space<vmem>>, vector<1x1x1x2048x1xi32>
    %swap3A_139 = vector.shape_cast %swap3A_138 : vector<1x1x1x2048x1xi32> to vector<2048x1xi32>
    %swap3A_140 = vector.shape_cast %add3A_132 : vector<2048x1xi32> to vector<1x1x1x2048x1xi32>
    tpu.vector_store %arg7[%swap3A_133, %swap3A_134, %swap3A_135, %swap3A_136, %swap3A_137], %swap3A_140 {strides = array<i32>} : memref<1x1x4x2048x1xi32, #tpu.memory_space<vmem>>, vector<1x1x1x2048x1xi32>,
    return
  }
  func.func @transform_0(%arg0: i32, %arg1: i32) -> (i32, i32, i32) {
    %c0_i32 = arith.constant 0 : i32
    %c0_i32_0 = arith.constant 0 : i32
    %c0_i32_1 = arith.constant 0 : i32
    return %arg0, %c0_i32, %c0_i32_0 : i32, i32, i32
  }
  func.func @transform_1(%arg0: i32, %arg1: i32) -> (i32, i32, i32) {
    %c0_i32 = arith.constant 0 : i32
    %c0_i32_0 = arith.constant 0 : i32
    %c0_i32_1 = arith.constant 0 : i32
    return %arg1, %c0_i32, %c0_i32_0 : i32, i32, i32
  }
  func.func @transform_2(%arg0: i32, %arg1: i32) -> (i32, i32, i32) {
    %c0_i32 = arith.constant 0 : i32
    %c0_i32_0 = arith.constant 0 : i32
    %c0_i32_1 = arith.constant 0 : i32
    return %arg1, %c0_i32, %c0_i32_0 : i32, i32, i32
  }
  func.func @transform_3(%arg0: i32, %arg1: i32) -> (i32, i32) {
    %c0_i32 = arith.constant 0 : i32
    %c0_i32_0 = arith.constant 0 : i32
    %c0_i32_1 = arith.constant 0 : i32
    return %c0_i32, %c0_i32_0 : i32, i32
  }
  func.func @transform_4(%arg0: i32, %arg1: i32) -> (i32, i32, i32, i32) {
    %c0_i32 = arith.constant 0 : i32
    %c0_i32_0 = arith.constant 0 : i32
    %c0_i32_1 = arith.constant 0 : i32
    return %arg0, %arg1, %c0_i32, %c0_i32_0 : i32, i32, i32, i32
  }
  func.func @transform_5(%arg0: i32, %arg1: i32) -> (i32, i32, i32, i32, i32) {
    %c0_i32 = arith.constant 0 : i32
    %c0_i32_0 = arith.constant 0 : i32
    %c0_i32_1 = arith.constant 0 : i32
    %c0_i32_2 = arith.constant 0 : i32
    return %arg0, %arg1, %c0_i32, %c0_i32_0, %c0_i32_1 : i32, i32, i32, i32, i32
  }
}

module attributes {stable_mosaic.version = 14 : i64} {
  func.func @_undo_kern(%arg0: i32, %arg1: memref<1x8192x1xi32, #tpu.memory_space<vmem>>, %arg2: memref<1024x1024xbf16, #tpu.memory_space<vmem>>, %arg3: memref<1x8192x1xi32, #tpu.memory_space<vmem>>) attributes {dimension_semantics = [#tpu.dimension_semantics<arbitrary>], iteration_bounds = array<i64: 32>, scalar_prefetch = 0 : i64, scratch_operands = 0 : i64, tpu.core_type = #tpu.core_type<tc>, window_params = [{transform_indices = @transform_0, window_bounds = array<i64: 1, 8192, 1>}, {pipeline_mode = #tpu.pipeline_mode<synchronous>, transform_indices = @transform_1, window_bounds = array<i64: 1024, 1024>}, {transform_indices = @transform_2, window_bounds = array<i64: 1, 8192, 1>}]} {
    %iota3A = tpu.iota {dimensions = array<i32: 1>} : vector<1024x128xi32>
    %broadcast_in_dim3A = arith.constant 0.000000e+00 : f32
    %broadcast_in_dim3A_0 = vector.broadcast %broadcast_in_dim3A : f32 to vector<1x128xf32>
    %scan3A = arith.constant 0 : i32
    %scan3A_1 = arith.constant 8 : i32
    %scan3A_2 = arith.addi %scan3A, %scan3A_1 : i32
    %scan3A_3 = arith.constant 1 : i32
    %scan3A_4 = scf.for %scan3A_46 = %scan3A to %scan3A_2 step %scan3A_3 iter_args(%scan3A_47 = %broadcast_in_dim3A_0) -> (vector<1x128xf32>)  : i32 {
      %mul3A = arith.constant 1024 : i32
      %mul3A_48 = arith.muli %scan3A_46, %mul3A : i32
      %get3A = arith.constant 0 : index
      %get3A_49 = arith.index_cast %mul3A_48 : i32 to index
      %get3A_50 = arith.constant 0 : index
      %get3A_51 = vector.load %arg1[%get3A, %get3A_49, %get3A_50] : memref<1x8192x1xi32, #tpu.memory_space<vmem>>, vector<1x1024x1xi32>
      %get3A_52 = vector.shape_cast %get3A_51 : vector<1x1024x1xi32> to vector<1024x1xi32>
      %eq3A = vector.broadcast %get3A_52 : vector<1024x1xi32> to vector<1024x128xi32>
      %eq3A_53 = arith.cmpi eq, %eq3A, %iota3A : vector<1024x128xi32>
      %convert_element_type3A = arith.extui %eq3A_53 : vector<1024x128xi1> to vector<1024x128xi32>
      %convert_element_type3A_54 = arith.sitofp %convert_element_type3A : vector<1024x128xi32> to vector<1024x128xf32>
      %reduce_sum3A = arith.constant dense<0.000000e+00> : vector<128xf32>
      %reduce_sum3A_55 = vector.multi_reduction <add>, %convert_element_type3A_54, %reduce_sum3A [0] : vector<1024x128xf32> to vector<128xf32>
      %broadcast_in_dim3A_56 = vector.shape_cast %reduce_sum3A_55 : vector<128xf32> to vector<1x128xf32>
      %add3A_57 = arith.addf %scan3A_47, %broadcast_in_dim3A_56 : vector<1x128xf32>
      scf.yield %add3A_57 : vector<1x128xf32>
    }
    %scan3A_5 = arith.constant 8 : i32
    %broadcast_in_dim3A_6 = arith.constant 0.000000e+00 : f32
    %broadcast_in_dim3A_7 = vector.broadcast %broadcast_in_dim3A_6 : f32 to vector<1x1xf32>
    %slice3A = vector.extract_strided_slice %scan3A_4 {offsets = [0, 0], sizes = [1, 127], strides = [1, 1]} : vector<1x128xf32> to vector<1x127xf32>
    %concatenate3A = tpu.concatenate %broadcast_in_dim3A_7, %slice3A in 1 : vector<1x1xf32>, vector<1x127xf32> -> vector<1x128xf32>
    %add3A = arith.addf %scan3A_4, %concatenate3A : vector<1x128xf32>
    %broadcast_in_dim3A_8 = arith.constant 0.000000e+00 : f32
    %broadcast_in_dim3A_9 = vector.broadcast %broadcast_in_dim3A_8 : f32 to vector<1x2xf32>
    %slice3A_10 = vector.extract_strided_slice %add3A {offsets = [0, 0], sizes = [1, 126], strides = [1, 1]} : vector<1x128xf32> to vector<1x126xf32>
    %concatenate3A_11 = tpu.concatenate %broadcast_in_dim3A_9, %slice3A_10 in 1 : vector<1x2xf32>, vector<1x126xf32> -> vector<1x128xf32>
    %add3A_12 = arith.addf %add3A, %concatenate3A_11 : vector<1x128xf32>
    %broadcast_in_dim3A_13 = arith.constant 0.000000e+00 : f32
    %broadcast_in_dim3A_14 = vector.broadcast %broadcast_in_dim3A_13 : f32 to vector<1x4xf32>
    %slice3A_15 = vector.extract_strided_slice %add3A_12 {offsets = [0, 0], sizes = [1, 124], strides = [1, 1]} : vector<1x128xf32> to vector<1x124xf32>
    %concatenate3A_16 = tpu.concatenate %broadcast_in_dim3A_14, %slice3A_15 in 1 : vector<1x4xf32>, vector<1x124xf32> -> vector<1x128xf32>
    %add3A_17 = arith.addf %add3A_12, %concatenate3A_16 : vector<1x128xf32>
    %broadcast_in_dim3A_18 = arith.constant 0.000000e+00 : f32
    %broadcast_in_dim3A_19 = vector.broadcast %broadcast_in_dim3A_18 : f32 to vector<1x8xf32>
    %slice3A_20 = vector.extract_strided_slice %add3A_17 {offsets = [0, 0], sizes = [1, 120], strides = [1, 1]} : vector<1x128xf32> to vector<1x120xf32>
    %concatenate3A_21 = tpu.concatenate %broadcast_in_dim3A_19, %slice3A_20 in 1 : vector<1x8xf32>, vector<1x120xf32> -> vector<1x128xf32>
    %add3A_22 = arith.addf %add3A_17, %concatenate3A_21 : vector<1x128xf32>
    %broadcast_in_dim3A_23 = arith.constant 0.000000e+00 : f32
    %broadcast_in_dim3A_24 = vector.broadcast %broadcast_in_dim3A_23 : f32 to vector<1x16xf32>
    %slice3A_25 = vector.extract_strided_slice %add3A_22 {offsets = [0, 0], sizes = [1, 112], strides = [1, 1]} : vector<1x128xf32> to vector<1x112xf32>
    %concatenate3A_26 = tpu.concatenate %broadcast_in_dim3A_24, %slice3A_25 in 1 : vector<1x16xf32>, vector<1x112xf32> -> vector<1x128xf32>
    %add3A_27 = arith.addf %add3A_22, %concatenate3A_26 : vector<1x128xf32>
    %broadcast_in_dim3A_28 = arith.constant 0.000000e+00 : f32
    %broadcast_in_dim3A_29 = vector.broadcast %broadcast_in_dim3A_28 : f32 to vector<1x32xf32>
    %slice3A_30 = vector.extract_strided_slice %add3A_27 {offsets = [0, 0], sizes = [1, 96], strides = [1, 1]} : vector<1x128xf32> to vector<1x96xf32>
    %concatenate3A_31 = tpu.concatenate %broadcast_in_dim3A_29, %slice3A_30 in 1 : vector<1x32xf32>, vector<1x96xf32> -> vector<1x128xf32>
    %add3A_32 = arith.addf %add3A_27, %concatenate3A_31 : vector<1x128xf32>
    %broadcast_in_dim3A_33 = arith.constant 0.000000e+00 : f32
    %broadcast_in_dim3A_34 = vector.broadcast %broadcast_in_dim3A_33 : f32 to vector<1x64xf32>
    %slice3A_35 = vector.extract_strided_slice %add3A_32 {offsets = [0, 0], sizes = [1, 64], strides = [1, 1]} : vector<1x128xf32> to vector<1x64xf32>
    %concatenate3A_36 = tpu.concatenate %broadcast_in_dim3A_34, %slice3A_35 in 1 : vector<1x64xf32>, vector<1x64xf32> -> vector<1x128xf32>
    %add3A_37 = arith.addf %add3A_32, %concatenate3A_36 : vector<1x128xf32>
    %sub3A = arith.subf %add3A_37, %scan3A_4 : vector<1x128xf32>
    %broadcast_in_dim3A_38 = arith.constant 0.000000e+00 : f32
    %broadcast_in_dim3A_39 = vector.broadcast %broadcast_in_dim3A_38 : f32 to vector<1x128xf32>
    %scan3A_40 = arith.constant 0 : i32
    %scan3A_41 = arith.constant 8 : i32
    %scan3A_42 = arith.addi %scan3A_40, %scan3A_41 : i32
    %scan3A_43 = arith.constant 1 : i32
    %scan3A_44 = scf.for %scan3A_46 = %scan3A_40 to %scan3A_42 step %scan3A_43 iter_args(%scan3A_47 = %broadcast_in_dim3A_39) -> (vector<1x128xf32>)  : i32 {
      %mul3A = arith.constant 1024 : i32
      %mul3A_48 = arith.muli %scan3A_46, %mul3A : i32
      %get3A = arith.constant 0 : index
      %get3A_49 = arith.index_cast %mul3A_48 : i32 to index
      %get3A_50 = arith.constant 0 : index
      %get3A_51 = vector.load %arg1[%get3A, %get3A_49, %get3A_50] : memref<1x8192x1xi32, #tpu.memory_space<vmem>>, vector<1x1024x1xi32>
      %get3A_52 = vector.shape_cast %get3A_51 : vector<1x1024x1xi32> to vector<1024x1xi32>
      %eq3A = vector.broadcast %get3A_52 : vector<1024x1xi32> to vector<1024x128xi32>
      %eq3A_53 = arith.cmpi eq, %eq3A, %iota3A : vector<1024x128xi32>
      %convert_element_type3A = arith.extui %eq3A_53 : vector<1024x128xi1> to vector<1024x128xi32>
      %convert_element_type3A_54 = arith.sitofp %convert_element_type3A : vector<1024x128xi32> to vector<1024x128xf32>
      %get3A_55 = arith.constant 0 : index
      %get3A_56 = arith.constant 0 : index
      %get3A_57 = vector.load %arg2[%get3A_55, %get3A_56] : memref<1024x1024xbf16, #tpu.memory_space<vmem>>, vector<1024x1024xbf16>
      %convert_element_type3A_58 = arith.truncf %convert_element_type3A_54 : vector<1024x128xf32> to vector<1024x128xbf16>
      %dot_general3A = arith.constant dense<0.000000e+00> : vector<1024x128xf32>
      %dot_general3A_59 = tpu.matmul %get3A_57, %convert_element_type3A_58, %dot_general3A {dimension_numbers = #tpu.dot_dimension_numbers<[1], [0], [0], [1], [0, 0, 1, 1], [], []>, transpose_lhs_hint = false} : vector<1024x1024xbf16>, vector<1024x128xbf16>, vector<1024x128xf32> -> vector<1024x128xf32>
      %add3A_60 = arith.addf %sub3A, %scan3A_47 : vector<1x128xf32>
      %add3A_61 = vector.broadcast %add3A_60 : vector<1x128xf32> to vector<1024x128xf32>
      %add3A_62 = arith.addf %dot_general3A_59, %add3A_61 : vector<1024x128xf32>
      %jit3A = arith.constant 0.000000e+00 : f32
      %broadcast_in_dim3A_63 = vector.broadcast %jit3A : f32 to vector<1024x128xf32>
      %select_n3A = arith.select %eq3A_53, %add3A_62, %broadcast_in_dim3A_63 : vector<1024x128xi1>, vector<1024x128xf32>
      %reduce_sum3A = arith.constant dense<0.000000e+00> : vector<1024xf32>
      %reduce_sum3A_64 = vector.multi_reduction <add>, %select_n3A, %reduce_sum3A [1] : vector<1024x128xf32> to vector<1024xf32>
      %broadcast_in_dim3A_65 = vector.shape_cast %reduce_sum3A_64 : vector<1024xf32> to vector<1024x1xf32>
      %convert_element_type3A_66 = arith.fptosi %broadcast_in_dim3A_65 : vector<1024x1xf32> to vector<1024x1xi32>
      %mul3A_67 = arith.constant 1024 : i32
      %mul3A_68 = arith.muli %scan3A_46, %mul3A_67 : i32
      %swap3A = arith.constant 0 : index
      %swap3A_69 = arith.index_cast %mul3A_68 : i32 to index
      %swap3A_70 = arith.constant 0 : index
      %swap3A_71 = vector.load %arg3[%swap3A, %swap3A_69, %swap3A_70] : memref<1x8192x1xi32, #tpu.memory_space<vmem>>, vector<1x1024x1xi32>
      %swap3A_72 = vector.shape_cast %swap3A_71 : vector<1x1024x1xi32> to vector<1024x1xi32>
      %swap3A_73 = vector.shape_cast %convert_element_type3A_66 : vector<1024x1xi32> to vector<1x1024x1xi32>
      tpu.vector_store %arg3[%swap3A, %swap3A_69, %swap3A_70], %swap3A_73 {strides = array<i32>} : memref<1x8192x1xi32, #tpu.memory_space<vmem>>, vector<1x1024x1xi32>,
      %reduce_sum3A_74 = arith.constant dense<0.000000e+00> : vector<128xf32>
      %reduce_sum3A_75 = vector.multi_reduction <add>, %convert_element_type3A_54, %reduce_sum3A_74 [0] : vector<1024x128xf32> to vector<128xf32>
      %broadcast_in_dim3A_76 = vector.shape_cast %reduce_sum3A_75 : vector<128xf32> to vector<1x128xf32>
      %add3A_77 = arith.addf %scan3A_47, %broadcast_in_dim3A_76 : vector<1x128xf32>
      scf.yield %add3A_77 : vector<1x128xf32>
    }
    %scan3A_45 = arith.constant 8 : i32
    return
  }
  func.func @transform_0(%arg0: i32) -> (i32, i32, i32) {
    %c0_i32 = arith.constant 0 : i32
    %c0_i32_0 = arith.constant 0 : i32
    %c0_i32_1 = arith.constant 0 : i32
    return %arg0, %c0_i32, %c0_i32_0 : i32, i32, i32
  }
  func.func @transform_1(%arg0: i32) -> (i32, i32) {
    %c0_i32 = arith.constant 0 : i32
    %c0_i32_0 = arith.constant 0 : i32
    %c0_i32_1 = arith.constant 0 : i32
    return %c0_i32, %c0_i32_0 : i32, i32
  }
  func.func @transform_2(%arg0: i32) -> (i32, i32, i32) {
    %c0_i32 = arith.constant 0 : i32
    %c0_i32_0 = arith.constant 0 : i32
    %c0_i32_1 = arith.constant 0 : i32
    return %arg0, %c0_i32, %c0_i32_0 : i32, i32, i32
  }
}

module attributes {stable_mosaic.version = 14 : i64} {
  func.func @_attn_kern(%arg0: i32, %arg1: memref<1x8192x128xf32, #tpu.memory_space<vmem>>, %arg2: memref<1x8192x1xi32, #tpu.memory_space<vmem>>, %arg3: memref<1x128x64xi32, #tpu.memory_space<vmem>>, %arg4: memref<1x8192x128xf32, #tpu.memory_space<vmem>>) attributes {dimension_semantics = [#tpu.dimension_semantics<arbitrary>], iteration_bounds = array<i64: 32>, scalar_prefetch = 0 : i64, scratch_operands = 0 : i64, tpu.core_type = #tpu.core_type<tc>, window_params = [{transform_indices = @transform_0, window_bounds = array<i64: 1, 8192, 128>}, {transform_indices = @transform_1, window_bounds = array<i64: 1, 8192, 1>}, {transform_indices = @transform_2, window_bounds = array<i64: 1, 128, 64>}, {transform_indices = @transform_3, window_bounds = array<i64: 1, 8192, 128>}]} {
    %iota3A = tpu.iota {dimensions = array<i32: 0>} : vector<256x320xi32>
    %jit3A = arith.constant 64 : i32
    %div3A = vector.broadcast %jit3A : i32 to vector<256x320xi32>
    %div3A_0 = arith.divsi %iota3A, %div3A : vector<256x320xi32>
    %sign3A = arith.constant 0 : i32
    %sign3A_1 = vector.broadcast %sign3A : i32 to vector<256x320xi32>
    %sign3A_2 = arith.cmpi sgt, %iota3A, %sign3A_1 : vector<256x320xi32>
    %sign3A_3 = arith.extui %sign3A_2 : vector<256x320xi1> to vector<256x320xi32>
    %sign3A_4 = arith.constant 0 : i32
    %sign3A_5 = vector.broadcast %sign3A_4 : i32 to vector<256x320xi32>
    %sign3A_6 = arith.cmpi slt, %iota3A, %sign3A_5 : vector<256x320xi32>
    %sign3A_7 = arith.extui %sign3A_6 : vector<256x320xi1> to vector<256x320xi32>
    %sign3A_8 = arith.subi %sign3A_3, %sign3A_7 : vector<256x320xi32>
    %sign3A_9 = arith.constant 0 : i32
    %sign3A_10 = arith.cmpi sgt, %jit3A, %sign3A_9 : i32
    %sign3A_11 = arith.extui %sign3A_10 : i1 to i32
    %sign3A_12 = arith.constant 0 : i32
    %sign3A_13 = arith.cmpi slt, %jit3A, %sign3A_12 : i32
    %sign3A_14 = arith.extui %sign3A_13 : i1 to i32
    %sign3A_15 = arith.subi %sign3A_11, %sign3A_14 : i32
    %ne3A = vector.broadcast %sign3A_15 : i32 to vector<256x320xi32>
    %ne3A_16 = arith.cmpi ne, %sign3A_8, %ne3A : vector<256x320xi32>
    %rem3A = vector.broadcast %jit3A : i32 to vector<256x320xi32>
    %rem3A_17 = arith.remsi %iota3A, %rem3A : vector<256x320xi32>
    %ne3A_18 = arith.constant 0 : i32
    %ne3A_19 = vector.broadcast %ne3A_18 : i32 to vector<256x320xi32>
    %ne3A_20 = arith.cmpi ne, %rem3A_17, %ne3A_19 : vector<256x320xi32>
    %and3A = arith.andi %ne3A_16, %ne3A_20 : vector<256x320xi1>
    %sub3A = arith.constant 1 : i32
    %sub3A_21 = vector.broadcast %sub3A : i32 to vector<256x320xi32>
    %sub3A_22 = arith.subi %div3A_0, %sub3A_21 : vector<256x320xi32>
    %select_n3A = arith.select %and3A, %sub3A_22, %div3A_0 : vector<256x320xi1>, vector<256x320xi32>
    %iota3A_23 = tpu.iota {dimensions = array<i32: 1>} : vector<256x320xi32>
    %jit3A_24 = arith.constant 64 : i32
    %div3A_25 = vector.broadcast %jit3A_24 : i32 to vector<256x320xi32>
    %div3A_26 = arith.divsi %iota3A_23, %div3A_25 : vector<256x320xi32>
    %sign3A_27 = arith.constant 0 : i32
    %sign3A_28 = vector.broadcast %sign3A_27 : i32 to vector<256x320xi32>
    %sign3A_29 = arith.cmpi sgt, %iota3A_23, %sign3A_28 : vector<256x320xi32>
    %sign3A_30 = arith.extui %sign3A_29 : vector<256x320xi1> to vector<256x320xi32>
    %sign3A_31 = arith.constant 0 : i32
    %sign3A_32 = vector.broadcast %sign3A_31 : i32 to vector<256x320xi32>
    %sign3A_33 = arith.cmpi slt, %iota3A_23, %sign3A_32 : vector<256x320xi32>
    %sign3A_34 = arith.extui %sign3A_33 : vector<256x320xi1> to vector<256x320xi32>
    %sign3A_35 = arith.subi %sign3A_30, %sign3A_34 : vector<256x320xi32>
    %sign3A_36 = arith.constant 0 : i32
    %sign3A_37 = arith.cmpi sgt, %jit3A_24, %sign3A_36 : i32
    %sign3A_38 = arith.extui %sign3A_37 : i1 to i32
    %sign3A_39 = arith.constant 0 : i32
    %sign3A_40 = arith.cmpi slt, %jit3A_24, %sign3A_39 : i32
    %sign3A_41 = arith.extui %sign3A_40 : i1 to i32
    %sign3A_42 = arith.subi %sign3A_38, %sign3A_41 : i32
    %ne3A_43 = vector.broadcast %sign3A_42 : i32 to vector<256x320xi32>
    %ne3A_44 = arith.cmpi ne, %sign3A_35, %ne3A_43 : vector<256x320xi32>
    %rem3A_45 = vector.broadcast %jit3A_24 : i32 to vector<256x320xi32>
    %rem3A_46 = arith.remsi %iota3A_23, %rem3A_45 : vector<256x320xi32>
    %ne3A_47 = arith.constant 0 : i32
    %ne3A_48 = vector.broadcast %ne3A_47 : i32 to vector<256x320xi32>
    %ne3A_49 = arith.cmpi ne, %rem3A_46, %ne3A_48 : vector<256x320xi32>
    %and3A_50 = arith.andi %ne3A_44, %ne3A_49 : vector<256x320xi1>
    %sub3A_51 = arith.constant 1 : i32
    %sub3A_52 = vector.broadcast %sub3A_51 : i32 to vector<256x320xi32>
    %sub3A_53 = arith.subi %div3A_26, %sub3A_52 : vector<256x320xi32>
    %select_n3A_54 = arith.select %and3A_50, %sub3A_53, %div3A_26 : vector<256x320xi1>, vector<256x320xi32>
    %add3A = arith.constant 1 : i32
    %add3A_55 = vector.broadcast %add3A : i32 to vector<256x320xi32>
    %add3A_56 = arith.addi %select_n3A, %add3A_55 : vector<256x320xi32>
    %sub3A_57 = arith.subi %add3A_56, %select_n3A_54 : vector<256x320xi32>
    %lt3A = arith.constant 0 : i32
    %lt3A_58 = vector.broadcast %lt3A : i32 to vector<256x320xi32>
    %lt3A_59 = arith.cmpi slt, %sub3A_57, %lt3A_58 : vector<256x320xi32>
    %gt3A = arith.constant 1 : i32
    %gt3A_60 = vector.broadcast %gt3A : i32 to vector<256x320xi32>
    %gt3A_61 = arith.cmpi sgt, %sub3A_57, %gt3A_60 : vector<256x320xi32>
    %or3A = arith.ori %lt3A_59, %gt3A_61 : vector<256x320xi1>
    %get3A = arith.constant 0 : index
    %get3A_62 = arith.constant 8128 : index
    %get3A_63 = arith.constant 0 : index
    %get3A_64 = vector.load %arg1[%get3A, %get3A_62, %get3A_63] : memref<1x8192x128xf32, #tpu.memory_space<vmem>>, vector<1x64x128xf32>
    %get3A_65 = vector.shape_cast %get3A_64 : vector<1x64x128xf32> to vector<64x128xf32>
    %get3A_66 = arith.constant 0 : index
    %get3A_67 = arith.constant 0 : index
    %get3A_68 = arith.constant 0 : index
    %get3A_69 = vector.load %arg1[%get3A_66, %get3A_67, %get3A_68] : memref<1x8192x128xf32, #tpu.memory_space<vmem>>, vector<1x256x128xf32>
    %get3A_70 = vector.shape_cast %get3A_69 : vector<1x256x128xf32> to vector<256x128xf32>
    %concatenate3A = tpu.concatenate %get3A_65, %get3A_70 in 0 : vector<64x128xf32>, vector<256x128xf32> -> vector<320x128xf32>
    %get3A_71 = arith.constant 0 : index
    %get3A_72 = arith.constant 127 : index
    %get3A_73 = arith.constant 0 : index
    %get3A_74 = vector.load %arg3[%get3A_71, %get3A_72, %get3A_73] : memref<1x128x64xi32, #tpu.memory_space<vmem>>, vector<1x1x64xi32>
    %get3A_75 = vector.shape_cast %get3A_74 : vector<1x1x64xi32> to vector<1x64xi32>
    %get3A_76 = arith.constant 0 : index
    %get3A_77 = arith.constant 0 : index
    %get3A_78 = arith.constant 0 : index
    %get3A_79 = vector.load %arg3[%get3A_76, %get3A_77, %get3A_78] : memref<1x128x64xi32, #tpu.memory_space<vmem>>, vector<1x1x64xi32>
    %get3A_80 = vector.shape_cast %get3A_79 : vector<1x1x64xi32> to vector<1x64xi32>
    %get3A_81 = arith.constant 0 : index
    %get3A_82 = arith.constant 1 : index
    %get3A_83 = arith.constant 0 : index
    %get3A_84 = vector.load %arg3[%get3A_81, %get3A_82, %get3A_83] : memref<1x128x64xi32, #tpu.memory_space<vmem>>, vector<1x1x64xi32>
    %get3A_85 = vector.shape_cast %get3A_84 : vector<1x1x64xi32> to vector<1x64xi32>
    %get3A_86 = arith.constant 0 : index
    %get3A_87 = arith.constant 2 : index
    %get3A_88 = arith.constant 0 : index
    %get3A_89 = vector.load %arg3[%get3A_86, %get3A_87, %get3A_88] : memref<1x128x64xi32, #tpu.memory_space<vmem>>, vector<1x1x64xi32>
    %get3A_90 = vector.shape_cast %get3A_89 : vector<1x1x64xi32> to vector<1x64xi32>
    %get3A_91 = arith.constant 0 : index
    %get3A_92 = arith.constant 3 : index
    %get3A_93 = arith.constant 0 : index
    %get3A_94 = vector.load %arg3[%get3A_91, %get3A_92, %get3A_93] : memref<1x128x64xi32, #tpu.memory_space<vmem>>, vector<1x1x64xi32>
    %get3A_95 = vector.shape_cast %get3A_94 : vector<1x1x64xi32> to vector<1x64xi32>
    %concatenate3A_96 = tpu.concatenate %get3A_75, %get3A_80, %get3A_85, %get3A_90, %get3A_95 in 1 : vector<1x64xi32>, vector<1x64xi32>, vector<1x64xi32>, vector<1x64xi32>, vector<1x64xi32> -> vector<1x320xi32>
    %get3A_97 = arith.constant 0 : index
    %get3A_98 = arith.constant 0 : index
    %get3A_99 = arith.constant 0 : index
    %get3A_100 = vector.load %arg1[%get3A_97, %get3A_98, %get3A_99] : memref<1x8192x128xf32, #tpu.memory_space<vmem>>, vector<1x256x64xf32>
    %get3A_101 = vector.shape_cast %get3A_100 : vector<1x256x64xf32> to vector<256x64xf32>
    %slice3A = vector.extract_strided_slice %concatenate3A {offsets = [0, 0], sizes = [320, 64], strides = [1, 1]} : vector<320x128xf32> to vector<320x64xf32>
    %slice3A_102 = vector.extract_strided_slice %concatenate3A {offsets = [0, 64], sizes = [320, 64], strides = [1, 1]} : vector<320x128xf32> to vector<320x64xf32>
    %mul3A = arith.mulf %slice3A, %slice3A : vector<320x64xf32>
    %reduce_sum3A = arith.constant dense<0.000000e+00> : vector<320xf32>
    %reduce_sum3A_103 = vector.multi_reduction <add>, %mul3A, %reduce_sum3A [1] : vector<320x64xf32> to vector<320xf32>
    %broadcast_in_dim3A = vector.shape_cast %reduce_sum3A_103 : vector<320xf32> to vector<320x1xf32>
    %sqrt3A = math.sqrt %broadcast_in_dim3A : vector<320x1xf32>
    %max3A = arith.constant 9.99999996E-13 : f32
    %max3A_104 = vector.broadcast %max3A : f32 to vector<320x1xf32>
    %max3A_105 = arith.maximumf %sqrt3A, %max3A_104 : vector<320x1xf32>
    %div3A_106 = vector.broadcast %max3A_105 : vector<320x1xf32> to vector<320x64xf32>
    %div3A_107 = arith.divf %slice3A, %div3A_106 : vector<320x64xf32>
    %convert_element_type3A = arith.truncf %get3A_101 : vector<256x64xf32> to vector<256x64xbf16>
    %convert_element_type3A_108 = arith.truncf %div3A_107 : vector<320x64xf32> to vector<320x64xbf16>
    %dot_general3A = arith.constant dense<0.000000e+00> : vector<256x320xf32>
    %dot_general3A_109 = tpu.matmul %convert_element_type3A, %convert_element_type3A_108, %dot_general3A {dimension_numbers = #tpu.dot_dimension_numbers<[1], [1], [0], [0], [0, 0, 1, 0], [], []>, transpose_lhs_hint = false} : vector<256x64xbf16>, vector<320x64xbf16>, vector<256x320xf32> -> vector<256x320xf32>
    %mul3A_110 = arith.constant 1.250000e-01 : f32
    %mul3A_111 = vector.broadcast %mul3A_110 : f32 to vector<256x320xf32>
    %mul3A_112 = arith.mulf %dot_general3A_109, %mul3A_111 : vector<256x320xf32>
    %get3A_113 = arith.constant 0 : index
    %get3A_114 = arith.constant 0 : index
    %get3A_115 = arith.constant 0 : index
    %get3A_116 = vector.load %arg2[%get3A_113, %get3A_114, %get3A_115] : memref<1x8192x1xi32, #tpu.memory_space<vmem>>, vector<1x256x1xi32>
    %get3A_117 = vector.shape_cast %get3A_116 : vector<1x256x1xi32> to vector<256x1xi32>
    %eq3A = vector.broadcast %get3A_117 : vector<256x1xi32> to vector<256x320xi32>
    %eq3A_118 = vector.broadcast %concatenate3A_96 : vector<1x320xi32> to vector<256x320xi32>
    %eq3A_119 = arith.cmpi eq, %eq3A, %eq3A_118 : vector<256x320xi32>
    %jit3A_120 = arith.constant -5.000000e+04 : f32
    %broadcast_in_dim3A_121 = vector.broadcast %jit3A_120 : f32 to vector<256x320xf32>
    %select_n3A_122 = arith.select %eq3A_119, %broadcast_in_dim3A_121, %mul3A_112 : vector<256x320xi1>, vector<256x320xf32>
    %jit3A_123 = arith.constant -1.000000e+09 : f32
    %broadcast_in_dim3A_124 = vector.broadcast %jit3A_123 : f32 to vector<256x320xf32>
    %select_n3A_125 = arith.select %or3A, %broadcast_in_dim3A_124, %select_n3A_122 : vector<256x320xi1>, vector<256x320xf32>
    %reduce_max3A = arith.constant dense<0xFF800000> : vector<256xf32>
    %reduce_max3A_126 = vector.multi_reduction <maximumf>, %select_n3A_125, %reduce_max3A [1] : vector<256x320xf32> to vector<256xf32>
    %broadcast_in_dim3A_127 = vector.shape_cast %reduce_max3A_126 : vector<256xf32> to vector<256x1xf32>
    %sub3A_128 = vector.broadcast %broadcast_in_dim3A_127 : vector<256x1xf32> to vector<256x320xf32>
    %sub3A_129 = arith.subf %select_n3A_125, %sub3A_128 : vector<256x320xf32>
    %exp3A = math.exp %sub3A_129 : vector<256x320xf32>
    %reduce_sum3A_130 = arith.constant dense<0.000000e+00> : vector<256xf32>
    %reduce_sum3A_131 = vector.multi_reduction <add>, %exp3A, %reduce_sum3A_130 [1] : vector<256x320xf32> to vector<256xf32>
    %broadcast_in_dim3A_132 = vector.shape_cast %reduce_sum3A_131 : vector<256xf32> to vector<256x1xf32>
    %log3A = math.log %broadcast_in_dim3A_132 : vector<256x1xf32>
    %add3A_133 = arith.addf %broadcast_in_dim3A_127, %log3A : vector<256x1xf32>
    %sub3A_134 = vector.broadcast %add3A_133 : vector<256x1xf32> to vector<256x320xf32>
    %sub3A_135 = arith.subf %select_n3A_125, %sub3A_134 : vector<256x320xf32>
    %exp3A_136 = math.exp %sub3A_135 : vector<256x320xf32>
    %convert_element_type3A_137 = arith.truncf %exp3A_136 : vector<256x320xf32> to vector<256x320xbf16>
    %convert_element_type3A_138 = arith.truncf %slice3A_102 : vector<320x64xf32> to vector<320x64xbf16>
    %dot_general3A_139 = arith.constant dense<0.000000e+00> : vector<256x64xf32>
    %dot_general3A_140 = tpu.matmul %convert_element_type3A_137, %convert_element_type3A_138, %dot_general3A_139 {dimension_numbers = #tpu.dot_dimension_numbers<[1], [0], [0], [1], [0, 0, 1, 1], [], []>, transpose_lhs_hint = false} : vector<256x320xbf16>, vector<320x64xbf16>, vector<256x64xf32> -> vector<256x64xf32>
    %swap3A = arith.constant 0 : index
    %swap3A_141 = arith.constant 0 : index
    %swap3A_142 = arith.constant 0 : index
    %swap3A_143 = vector.load %arg4[%swap3A, %swap3A_141, %swap3A_142] : memref<1x8192x128xf32, #tpu.memory_space<vmem>>, vector<1x256x64xf32>
    %swap3A_144 = vector.shape_cast %swap3A_143 : vector<1x256x64xf32> to vector<256x64xf32>
    %swap3A_145 = vector.shape_cast %dot_general3A_140 : vector<256x64xf32> to vector<1x256x64xf32>
    tpu.vector_store %arg4[%swap3A, %swap3A_141, %swap3A_142], %swap3A_145 {strides = array<i32>} : memref<1x8192x128xf32, #tpu.memory_space<vmem>>, vector<1x256x64xf32>,
    %broadcast_in_dim3A_146 = vector.shape_cast %add3A_133 : vector<256x1xf32> to vector<256x1xf32>
    %broadcast_in_dim3A_147 = vector.broadcast %broadcast_in_dim3A_146 : vector<256x1xf32> to vector<256x16xf32>
    %swap3A_148 = arith.constant 0 : index
    %swap3A_149 = arith.constant 0 : index
    %swap3A_150 = arith.constant 64 : index
    %swap3A_151 = vector.load %arg4[%swap3A_148, %swap3A_149, %swap3A_150] : memref<1x8192x128xf32, #tpu.memory_space<vmem>>, vector<1x256x16xf32>
    %swap3A_152 = vector.shape_cast %swap3A_151 : vector<1x256x16xf32> to vector<256x16xf32>
    %swap3A_153 = vector.shape_cast %broadcast_in_dim3A_147 : vector<256x16xf32> to vector<1x256x16xf32>
    tpu.vector_store %arg4[%swap3A_148, %swap3A_149, %swap3A_150], %swap3A_153 {strides = array<i32>} : memref<1x8192x128xf32, #tpu.memory_space<vmem>>, vector<1x256x16xf32>,
    %scan3A = arith.constant 1 : i32
    %scan3A_154 = arith.constant 31 : i32
    %scan3A_155 = arith.addi %scan3A, %scan3A_154 : i32
    %scan3A_156 = arith.constant 1 : i32
    scf.for %scan3A_158 = %scan3A to %scan3A_155 step %scan3A_156  : i32 {
      %mul3A_159 = arith.constant 256 : i32
      %mul3A_160 = arith.muli %scan3A_158, %mul3A_159 : i32
      %sub3A_161 = arith.constant 64 : i32
      %sub3A_162 = arith.subi %mul3A_160, %sub3A_161 : i32
      %get3A_163 = arith.constant 0 : index
      %get3A_164 = arith.index_cast %sub3A_162 : i32 to index
      %get3A_165 = arith.constant 0 : index
      %get3A_166 = vector.load %arg1[%get3A_163, %get3A_164, %get3A_165] : memref<1x8192x128xf32, #tpu.memory_space<vmem>>, vector<1x320x128xf32>
      %get3A_167 = vector.shape_cast %get3A_166 : vector<1x320x128xf32> to vector<320x128xf32>
      %mul3A_168 = arith.constant 4 : i32
      %mul3A_169 = arith.muli %scan3A_158, %mul3A_168 : i32
      %sub3A_170 = arith.constant 1 : i32
      %sub3A_171 = arith.subi %mul3A_169, %sub3A_170 : i32
      %add3A_172 = arith.constant 0 : i32
      %add3A_173 = arith.addi %sub3A_171, %add3A_172 : i32
      %get3A_174 = arith.constant 0 : index
      %get3A_175 = arith.index_cast %add3A_173 : i32 to index
      %get3A_176 = arith.constant 0 : index
      %get3A_177 = vector.load %arg3[%get3A_174, %get3A_175, %get3A_176] : memref<1x128x64xi32, #tpu.memory_space<vmem>>, vector<1x1x64xi32>
      %get3A_178 = vector.shape_cast %get3A_177 : vector<1x1x64xi32> to vector<1x64xi32>
      %mul3A_179 = arith.constant 4 : i32
      %mul3A_180 = arith.muli %scan3A_158, %mul3A_179 : i32
      %sub3A_181 = arith.constant 1 : i32
      %sub3A_182 = arith.subi %mul3A_180, %sub3A_181 : i32
      %add3A_183 = arith.constant 1 : i32
      %add3A_184 = arith.addi %sub3A_182, %add3A_183 : i32
      %get3A_185 = arith.constant 0 : index
      %get3A_186 = arith.index_cast %add3A_184 : i32 to index
      %get3A_187 = arith.constant 0 : index
      %get3A_188 = vector.load %arg3[%get3A_185, %get3A_186, %get3A_187] : memref<1x128x64xi32, #tpu.memory_space<vmem>>, vector<1x1x64xi32>
      %get3A_189 = vector.shape_cast %get3A_188 : vector<1x1x64xi32> to vector<1x64xi32>
      %mul3A_190 = arith.constant 4 : i32
      %mul3A_191 = arith.muli %scan3A_158, %mul3A_190 : i32
      %sub3A_192 = arith.constant 1 : i32
      %sub3A_193 = arith.subi %mul3A_191, %sub3A_192 : i32
      %add3A_194 = arith.constant 2 : i32
      %add3A_195 = arith.addi %sub3A_193, %add3A_194 : i32
      %get3A_196 = arith.constant 0 : index
      %get3A_197 = arith.index_cast %add3A_195 : i32 to index
      %get3A_198 = arith.constant 0 : index
      %get3A_199 = vector.load %arg3[%get3A_196, %get3A_197, %get3A_198] : memref<1x128x64xi32, #tpu.memory_space<vmem>>, vector<1x1x64xi32>
      %get3A_200 = vector.shape_cast %get3A_199 : vector<1x1x64xi32> to vector<1x64xi32>
      %mul3A_201 = arith.constant 4 : i32
      %mul3A_202 = arith.muli %scan3A_158, %mul3A_201 : i32
      %sub3A_203 = arith.constant 1 : i32
      %sub3A_204 = arith.subi %mul3A_202, %sub3A_203 : i32
      %add3A_205 = arith.constant 3 : i32
      %add3A_206 = arith.addi %sub3A_204, %add3A_205 : i32
      %get3A_207 = arith.constant 0 : index
      %get3A_208 = arith.index_cast %add3A_206 : i32 to index
      %get3A_209 = arith.constant 0 : index
      %get3A_210 = vector.load %arg3[%get3A_207, %get3A_208, %get3A_209] : memref<1x128x64xi32, #tpu.memory_space<vmem>>, vector<1x1x64xi32>
      %get3A_211 = vector.shape_cast %get3A_210 : vector<1x1x64xi32> to vector<1x64xi32>
      %mul3A_212 = arith.constant 4 : i32
      %mul3A_213 = arith.muli %scan3A_158, %mul3A_212 : i32
      %sub3A_214 = arith.constant 1 : i32
      %sub3A_215 = arith.subi %mul3A_213, %sub3A_214 : i32
      %add3A_216 = arith.constant 4 : i32
      %add3A_217 = arith.addi %sub3A_215, %add3A_216 : i32
      %get3A_218 = arith.constant 0 : index
      %get3A_219 = arith.index_cast %add3A_217 : i32 to index
      %get3A_220 = arith.constant 0 : index
      %get3A_221 = vector.load %arg3[%get3A_218, %get3A_219, %get3A_220] : memref<1x128x64xi32, #tpu.memory_space<vmem>>, vector<1x1x64xi32>
      %get3A_222 = vector.shape_cast %get3A_221 : vector<1x1x64xi32> to vector<1x64xi32>
      %concatenate3A_223 = tpu.concatenate %get3A_178, %get3A_189, %get3A_200, %get3A_211, %get3A_222 in 1 : vector<1x64xi32>, vector<1x64xi32>, vector<1x64xi32>, vector<1x64xi32>, vector<1x64xi32> -> vector<1x320xi32>
      %mul3A_224 = arith.constant 256 : i32
      %mul3A_225 = arith.muli %scan3A_158, %mul3A_224 : i32
      %get3A_226 = arith.constant 0 : index
      %get3A_227 = arith.index_cast %mul3A_225 : i32 to index
      %get3A_228 = arith.constant 0 : index
      %get3A_229 = vector.load %arg1[%get3A_226, %get3A_227, %get3A_228] : memref<1x8192x128xf32, #tpu.memory_space<vmem>>, vector<1x256x64xf32>
      %get3A_230 = vector.shape_cast %get3A_229 : vector<1x256x64xf32> to vector<256x64xf32>
      %slice3A_231 = vector.extract_strided_slice %get3A_167 {offsets = [0, 0], sizes = [320, 64], strides = [1, 1]} : vector<320x128xf32> to vector<320x64xf32>
      %slice3A_232 = vector.extract_strided_slice %get3A_167 {offsets = [0, 64], sizes = [320, 64], strides = [1, 1]} : vector<320x128xf32> to vector<320x64xf32>
      %mul3A_233 = arith.mulf %slice3A_231, %slice3A_231 : vector<320x64xf32>
      %reduce_sum3A_234 = arith.constant dense<0.000000e+00> : vector<320xf32>
      %reduce_sum3A_235 = vector.multi_reduction <add>, %mul3A_233, %reduce_sum3A_234 [1] : vector<320x64xf32> to vector<320xf32>
      %broadcast_in_dim3A_236 = vector.shape_cast %reduce_sum3A_235 : vector<320xf32> to vector<320x1xf32>
      %sqrt3A_237 = math.sqrt %broadcast_in_dim3A_236 : vector<320x1xf32>
      %max3A_238 = arith.constant 9.99999996E-13 : f32
      %max3A_239 = vector.broadcast %max3A_238 : f32 to vector<320x1xf32>
      %max3A_240 = arith.maximumf %sqrt3A_237, %max3A_239 : vector<320x1xf32>
      %div3A_241 = vector.broadcast %max3A_240 : vector<320x1xf32> to vector<320x64xf32>
      %div3A_242 = arith.divf %slice3A_231, %div3A_241 : vector<320x64xf32>
      %convert_element_type3A_243 = arith.truncf %get3A_230 : vector<256x64xf32> to vector<256x64xbf16>
      %convert_element_type3A_244 = arith.truncf %div3A_242 : vector<320x64xf32> to vector<320x64xbf16>
      %dot_general3A_245 = arith.constant dense<0.000000e+00> : vector<256x320xf32>
      %dot_general3A_246 = tpu.matmul %convert_element_type3A_243, %convert_element_type3A_244, %dot_general3A_245 {dimension_numbers = #tpu.dot_dimension_numbers<[1], [1], [0], [0], [0, 0, 1, 0], [], []>, transpose_lhs_hint = false} : vector<256x64xbf16>, vector<320x64xbf16>, vector<256x320xf32> -> vector<256x320xf32>
      %mul3A_247 = arith.constant 1.250000e-01 : f32
      %mul3A_248 = vector.broadcast %mul3A_247 : f32 to vector<256x320xf32>
      %mul3A_249 = arith.mulf %dot_general3A_246, %mul3A_248 : vector<256x320xf32>
      %mul3A_250 = arith.constant 256 : i32
      %mul3A_251 = arith.muli %scan3A_158, %mul3A_250 : i32
      %get3A_252 = arith.constant 0 : index
      %get3A_253 = arith.index_cast %mul3A_251 : i32 to index
      %get3A_254 = arith.constant 0 : index
      %get3A_255 = vector.load %arg2[%get3A_252, %get3A_253, %get3A_254] : memref<1x8192x1xi32, #tpu.memory_space<vmem>>, vector<1x256x1xi32>
      %get3A_256 = vector.shape_cast %get3A_255 : vector<1x256x1xi32> to vector<256x1xi32>
      %eq3A_257 = vector.broadcast %get3A_256 : vector<256x1xi32> to vector<256x320xi32>
      %eq3A_258 = vector.broadcast %concatenate3A_223 : vector<1x320xi32> to vector<256x320xi32>
      %eq3A_259 = arith.cmpi eq, %eq3A_257, %eq3A_258 : vector<256x320xi32>
      %jit3A_260 = arith.constant -5.000000e+04 : f32
      %broadcast_in_dim3A_261 = vector.broadcast %jit3A_260 : f32 to vector<256x320xf32>
      %select_n3A_262 = arith.select %eq3A_259, %broadcast_in_dim3A_261, %mul3A_249 : vector<256x320xi1>, vector<256x320xf32>
      %jit3A_263 = arith.constant -1.000000e+09 : f32
      %broadcast_in_dim3A_264 = vector.broadcast %jit3A_263 : f32 to vector<256x320xf32>
      %select_n3A_265 = arith.select %or3A, %broadcast_in_dim3A_264, %select_n3A_262 : vector<256x320xi1>, vector<256x320xf32>
      %reduce_max3A_266 = arith.constant dense<0xFF800000> : vector<256xf32>
      %reduce_max3A_267 = vector.multi_reduction <maximumf>, %select_n3A_265, %reduce_max3A_266 [1] : vector<256x320xf32> to vector<256xf32>
      %broadcast_in_dim3A_268 = vector.shape_cast %reduce_max3A_267 : vector<256xf32> to vector<256x1xf32>
      %sub3A_269 = vector.broadcast %broadcast_in_dim3A_268 : vector<256x1xf32> to vector<256x320xf32>
      %sub3A_270 = arith.subf %select_n3A_265, %sub3A_269 : vector<256x320xf32>
      %exp3A_271 = math.exp %sub3A_270 : vector<256x320xf32>
      %reduce_sum3A_272 = arith.constant dense<0.000000e+00> : vector<256xf32>
      %reduce_sum3A_273 = vector.multi_reduction <add>, %exp3A_271, %reduce_sum3A_272 [1] : vector<256x320xf32> to vector<256xf32>
      %broadcast_in_dim3A_274 = vector.shape_cast %reduce_sum3A_273 : vector<256xf32> to vector<256x1xf32>
      %log3A_275 = math.log %broadcast_in_dim3A_274 : vector<256x1xf32>
      %add3A_276 = arith.addf %broadcast_in_dim3A_268, %log3A_275 : vector<256x1xf32>
      %sub3A_277 = vector.broadcast %add3A_276 : vector<256x1xf32> to vector<256x320xf32>
      %sub3A_278 = arith.subf %select_n3A_265, %sub3A_277 : vector<256x320xf32>
      %exp3A_279 = math.exp %sub3A_278 : vector<256x320xf32>
      %convert_element_type3A_280 = arith.truncf %exp3A_279 : vector<256x320xf32> to vector<256x320xbf16>
      %convert_element_type3A_281 = arith.truncf %slice3A_232 : vector<320x64xf32> to vector<320x64xbf16>
      %dot_general3A_282 = arith.constant dense<0.000000e+00> : vector<256x64xf32>
      %dot_general3A_283 = tpu.matmul %convert_element_type3A_280, %convert_element_type3A_281, %dot_general3A_282 {dimension_numbers = #tpu.dot_dimension_numbers<[1], [0], [0], [1], [0, 0, 1, 1], [], []>, transpose_lhs_hint = false} : vector<256x320xbf16>, vector<320x64xbf16>, vector<256x64xf32> -> vector<256x64xf32>
      %mul3A_284 = arith.constant 256 : i32
      %mul3A_285 = arith.muli %scan3A_158, %mul3A_284 : i32
      %swap3A_286 = arith.constant 0 : index
      %swap3A_287 = arith.index_cast %mul3A_285 : i32 to index
      %swap3A_288 = arith.constant 0 : index
      %swap3A_289 = vector.load %arg4[%swap3A_286, %swap3A_287, %swap3A_288] : memref<1x8192x128xf32, #tpu.memory_space<vmem>>, vector<1x256x64xf32>
      %swap3A_290 = vector.shape_cast %swap3A_289 : vector<1x256x64xf32> to vector<256x64xf32>
      %swap3A_291 = vector.shape_cast %dot_general3A_283 : vector<256x64xf32> to vector<1x256x64xf32>
      tpu.vector_store %arg4[%swap3A_286, %swap3A_287, %swap3A_288], %swap3A_291 {strides = array<i32>} : memref<1x8192x128xf32, #tpu.memory_space<vmem>>, vector<1x256x64xf32>,
      %broadcast_in_dim3A_292 = vector.shape_cast %add3A_276 : vector<256x1xf32> to vector<256x1xf32>
      %broadcast_in_dim3A_293 = vector.broadcast %broadcast_in_dim3A_292 : vector<256x1xf32> to vector<256x16xf32>
      %mul3A_294 = arith.constant 256 : i32
      %mul3A_295 = arith.muli %scan3A_158, %mul3A_294 : i32
      %swap3A_296 = arith.constant 0 : index
      %swap3A_297 = arith.index_cast %mul3A_295 : i32 to index
      %swap3A_298 = arith.constant 64 : index
      %swap3A_299 = vector.load %arg4[%swap3A_296, %swap3A_297, %swap3A_298] : memref<1x8192x128xf32, #tpu.memory_space<vmem>>, vector<1x256x16xf32>
      %swap3A_300 = vector.shape_cast %swap3A_299 : vector<1x256x16xf32> to vector<256x16xf32>
      %swap3A_301 = vector.shape_cast %broadcast_in_dim3A_293 : vector<256x16xf32> to vector<1x256x16xf32>
      tpu.vector_store %arg4[%swap3A_296, %swap3A_297, %swap3A_298], %swap3A_301 {strides = array<i32>} : memref<1x8192x128xf32, #tpu.memory_space<vmem>>, vector<1x256x16xf32>,
    }
    %scan3A_157 = arith.constant 31 : i32
    return
  }
  func.func @transform_0(%arg0: i32) -> (i32, i32, i32) {
    %c0_i32 = arith.constant 0 : i32
    %c0_i32_0 = arith.constant 0 : i32
    %c0_i32_1 = arith.constant 0 : i32
    return %arg0, %c0_i32, %c0_i32_0 : i32, i32, i32
  }
  func.func @transform_1(%arg0: i32) -> (i32, i32, i32) {
    %c0_i32 = arith.constant 0 : i32
    %c0_i32_0 = arith.constant 0 : i32
    %c0_i32_1 = arith.constant 0 : i32
    return %arg0, %c0_i32, %c0_i32_0 : i32, i32, i32
  }
  func.func @transform_2(%arg0: i32) -> (i32, i32, i32) {
    %c0_i32 = arith.constant 0 : i32
    %c0_i32_0 = arith.constant 0 : i32
    %c0_i32_1 = arith.constant 0 : i32
    return %arg0, %c0_i32, %c0_i32_0 : i32, i32, i32
  }
  func.func @transform_3(%arg0: i32) -> (i32, i32, i32) {
    %c0_i32 = arith.constant 0 : i32
    %c0_i32_0 = arith.constant 0 : i32
    %c0_i32_1 = arith.constant 0 : i32
    return %arg0, %c0_i32, %c0_i32_0 : i32, i32, i32
  }
}

module attributes {stable_mosaic.version = 14 : i64} {
  func.func @_combine_kern(%arg0: i32, %arg1: i32, %arg2: memref<1x2x4x2048x128xf32, #tpu.memory_space<vmem>>, %arg3: memref<1x2048x128xf32, #tpu.memory_space<vmem>>) attributes {dimension_semantics = [#tpu.dimension_semantics<arbitrary>, #tpu.dimension_semantics<arbitrary>], iteration_bounds = array<i64: 2, 8>, scalar_prefetch = 0 : i64, scratch_operands = 0 : i64, tpu.core_type = #tpu.core_type<tc>, window_params = [{transform_indices = @transform_0, window_bounds = array<i64: 1, 2, 4, 2048, 128>}, {transform_indices = @transform_1, window_bounds = array<i64: 1, 2048, 128>}]} {
    %get3A = arith.constant 0 : index
    %get3A_0 = arith.constant 0 : index
    %get3A_1 = arith.constant 0 : index
    %get3A_2 = arith.constant 0 : index
    %get3A_3 = arith.constant 64 : index
    %get3A_4 = vector.load %arg2[%get3A, %get3A_0, %get3A_1, %get3A_2, %get3A_3] : memref<1x2x4x2048x128xf32, #tpu.memory_space<vmem>>, vector<1x1x1x2048x1xf32>
    %get3A_5 = vector.shape_cast %get3A_4 : vector<1x1x1x2048x1xf32> to vector<2048x1xf32>
    %get3A_6 = arith.constant 0 : index
    %get3A_7 = arith.constant 0 : index
    %get3A_8 = arith.constant 1 : index
    %get3A_9 = arith.constant 0 : index
    %get3A_10 = arith.constant 64 : index
    %get3A_11 = vector.load %arg2[%get3A_6, %get3A_7, %get3A_8, %get3A_9, %get3A_10] : memref<1x2x4x2048x128xf32, #tpu.memory_space<vmem>>, vector<1x1x1x2048x1xf32>
    %get3A_12 = vector.shape_cast %get3A_11 : vector<1x1x1x2048x1xf32> to vector<2048x1xf32>
    %get3A_13 = arith.constant 0 : index
    %get3A_14 = arith.constant 0 : index
    %get3A_15 = arith.constant 2 : index
    %get3A_16 = arith.constant 0 : index
    %get3A_17 = arith.constant 64 : index
    %get3A_18 = vector.load %arg2[%get3A_13, %get3A_14, %get3A_15, %get3A_16, %get3A_17] : memref<1x2x4x2048x128xf32, #tpu.memory_space<vmem>>, vector<1x1x1x2048x1xf32>
    %get3A_19 = vector.shape_cast %get3A_18 : vector<1x1x1x2048x1xf32> to vector<2048x1xf32>
    %get3A_20 = arith.constant 0 : index
    %get3A_21 = arith.constant 0 : index
    %get3A_22 = arith.constant 3 : index
    %get3A_23 = arith.constant 0 : index
    %get3A_24 = arith.constant 64 : index
    %get3A_25 = vector.load %arg2[%get3A_20, %get3A_21, %get3A_22, %get3A_23, %get3A_24] : memref<1x2x4x2048x128xf32, #tpu.memory_space<vmem>>, vector<1x1x1x2048x1xf32>
    %get3A_26 = vector.shape_cast %get3A_25 : vector<1x1x1x2048x1xf32> to vector<2048x1xf32>
    %max3A = arith.maximumf %get3A_5, %get3A_12 : vector<2048x1xf32>
    %max3A_27 = arith.maximumf %max3A, %get3A_19 : vector<2048x1xf32>
    %max3A_28 = arith.maximumf %max3A_27, %get3A_26 : vector<2048x1xf32>
    %sub3A = arith.subf %get3A_5, %max3A_28 : vector<2048x1xf32>
    %exp3A = math.exp %sub3A : vector<2048x1xf32>
    %add3A = arith.constant 0.000000e+00 : f32
    %add3A_29 = vector.broadcast %add3A : f32 to vector<2048x1xf32>
    %add3A_30 = arith.addf %add3A_29, %exp3A : vector<2048x1xf32>
    %sub3A_31 = arith.subf %get3A_12, %max3A_28 : vector<2048x1xf32>
    %exp3A_32 = math.exp %sub3A_31 : vector<2048x1xf32>
    %add3A_33 = arith.addf %add3A_30, %exp3A_32 : vector<2048x1xf32>
    %sub3A_34 = arith.subf %get3A_19, %max3A_28 : vector<2048x1xf32>
    %exp3A_35 = math.exp %sub3A_34 : vector<2048x1xf32>
    %add3A_36 = arith.addf %add3A_33, %exp3A_35 : vector<2048x1xf32>
    %sub3A_37 = arith.subf %get3A_26, %max3A_28 : vector<2048x1xf32>
    %exp3A_38 = math.exp %sub3A_37 : vector<2048x1xf32>
    %add3A_39 = arith.addf %add3A_36, %exp3A_38 : vector<2048x1xf32>
    %log3A = math.log %add3A_39 : vector<2048x1xf32>
    %add3A_40 = arith.addf %max3A_28, %log3A : vector<2048x1xf32>
    %broadcast_in_dim3A = arith.constant 0.000000e+00 : f32
    %broadcast_in_dim3A_41 = vector.broadcast %broadcast_in_dim3A : f32 to vector<2048x64xf32>
    %sub3A_42 = arith.subf %get3A_5, %add3A_40 : vector<2048x1xf32>
    %exp3A_43 = math.exp %sub3A_42 : vector<2048x1xf32>
    %get3A_44 = arith.constant 0 : index
    %get3A_45 = arith.constant 0 : index
    %get3A_46 = arith.constant 0 : index
    %get3A_47 = arith.constant 0 : index
    %get3A_48 = arith.constant 0 : index
    %get3A_49 = vector.load %arg2[%get3A_44, %get3A_45, %get3A_46, %get3A_47, %get3A_48] : memref<1x2x4x2048x128xf32, #tpu.memory_space<vmem>>, vector<1x1x1x2048x64xf32>
    %get3A_50 = vector.shape_cast %get3A_49 : vector<1x1x1x2048x64xf32> to vector<2048x64xf32>
    %mul3A = vector.broadcast %exp3A_43 : vector<2048x1xf32> to vector<2048x64xf32>
    %mul3A_51 = arith.mulf %mul3A, %get3A_50 : vector<2048x64xf32>
    %add3A_52 = arith.addf %broadcast_in_dim3A_41, %mul3A_51 : vector<2048x64xf32>
    %sub3A_53 = arith.subf %get3A_12, %add3A_40 : vector<2048x1xf32>
    %exp3A_54 = math.exp %sub3A_53 : vector<2048x1xf32>
    %get3A_55 = arith.constant 0 : index
    %get3A_56 = arith.constant 0 : index
    %get3A_57 = arith.constant 1 : index
    %get3A_58 = arith.constant 0 : index
    %get3A_59 = arith.constant 0 : index
    %get3A_60 = vector.load %arg2[%get3A_55, %get3A_56, %get3A_57, %get3A_58, %get3A_59] : memref<1x2x4x2048x128xf32, #tpu.memory_space<vmem>>, vector<1x1x1x2048x64xf32>
    %get3A_61 = vector.shape_cast %get3A_60 : vector<1x1x1x2048x64xf32> to vector<2048x64xf32>
    %mul3A_62 = vector.broadcast %exp3A_54 : vector<2048x1xf32> to vector<2048x64xf32>
    %mul3A_63 = arith.mulf %mul3A_62, %get3A_61 : vector<2048x64xf32>
    %add3A_64 = arith.addf %add3A_52, %mul3A_63 : vector<2048x64xf32>
    %sub3A_65 = arith.subf %get3A_19, %add3A_40 : vector<2048x1xf32>
    %exp3A_66 = math.exp %sub3A_65 : vector<2048x1xf32>
    %get3A_67 = arith.constant 0 : index
    %get3A_68 = arith.constant 0 : index
    %get3A_69 = arith.constant 2 : index
    %get3A_70 = arith.constant 0 : index
    %get3A_71 = arith.constant 0 : index
    %get3A_72 = vector.load %arg2[%get3A_67, %get3A_68, %get3A_69, %get3A_70, %get3A_71] : memref<1x2x4x2048x128xf32, #tpu.memory_space<vmem>>, vector<1x1x1x2048x64xf32>
    %get3A_73 = vector.shape_cast %get3A_72 : vector<1x1x1x2048x64xf32> to vector<2048x64xf32>
    %mul3A_74 = vector.broadcast %exp3A_66 : vector<2048x1xf32> to vector<2048x64xf32>
    %mul3A_75 = arith.mulf %mul3A_74, %get3A_73 : vector<2048x64xf32>
    %add3A_76 = arith.addf %add3A_64, %mul3A_75 : vector<2048x64xf32>
    %sub3A_77 = arith.subf %get3A_26, %add3A_40 : vector<2048x1xf32>
    %exp3A_78 = math.exp %sub3A_77 : vector<2048x1xf32>
    %get3A_79 = arith.constant 0 : index
    %get3A_80 = arith.constant 0 : index
    %get3A_81 = arith.constant 3 : index
    %get3A_82 = arith.constant 0 : index
    %get3A_83 = arith.constant 0 : index
    %get3A_84 = vector.load %arg2[%get3A_79, %get3A_80, %get3A_81, %get3A_82, %get3A_83] : memref<1x2x4x2048x128xf32, #tpu.memory_space<vmem>>, vector<1x1x1x2048x64xf32>
    %get3A_85 = vector.shape_cast %get3A_84 : vector<1x1x1x2048x64xf32> to vector<2048x64xf32>
    %mul3A_86 = vector.broadcast %exp3A_78 : vector<2048x1xf32> to vector<2048x64xf32>
    %mul3A_87 = arith.mulf %mul3A_86, %get3A_85 : vector<2048x64xf32>
    %add3A_88 = arith.addf %add3A_76, %mul3A_87 : vector<2048x64xf32>
    %swap3A = arith.constant 0 : index
    %swap3A_89 = arith.constant 0 : index
    %swap3A_90 = arith.constant 0 : index
    %swap3A_91 = vector.load %arg3[%swap3A, %swap3A_89, %swap3A_90] : memref<1x2048x128xf32, #tpu.memory_space<vmem>>, vector<1x2048x64xf32>
    %swap3A_92 = vector.shape_cast %swap3A_91 : vector<1x2048x64xf32> to vector<2048x64xf32>
    %swap3A_93 = vector.shape_cast %add3A_88 : vector<2048x64xf32> to vector<1x2048x64xf32>
    tpu.vector_store %arg3[%swap3A, %swap3A_89, %swap3A_90], %swap3A_93 {strides = array<i32>} : memref<1x2048x128xf32, #tpu.memory_space<vmem>>, vector<1x2048x64xf32>,
    %get3A_94 = arith.constant 0 : index
    %get3A_95 = arith.constant 1 : index
    %get3A_96 = arith.constant 0 : index
    %get3A_97 = arith.constant 0 : index
    %get3A_98 = arith.constant 64 : index
    %get3A_99 = vector.load %arg2[%get3A_94, %get3A_95, %get3A_96, %get3A_97, %get3A_98] : memref<1x2x4x2048x128xf32, #tpu.memory_space<vmem>>, vector<1x1x1x2048x1xf32>
    %get3A_100 = vector.shape_cast %get3A_99 : vector<1x1x1x2048x1xf32> to vector<2048x1xf32>
    %get3A_101 = arith.constant 0 : index
    %get3A_102 = arith.constant 1 : index
    %get3A_103 = arith.constant 1 : index
    %get3A_104 = arith.constant 0 : index
    %get3A_105 = arith.constant 64 : index
    %get3A_106 = vector.load %arg2[%get3A_101, %get3A_102, %get3A_103, %get3A_104, %get3A_105] : memref<1x2x4x2048x128xf32, #tpu.memory_space<vmem>>, vector<1x1x1x2048x1xf32>
    %get3A_107 = vector.shape_cast %get3A_106 : vector<1x1x1x2048x1xf32> to vector<2048x1xf32>
    %get3A_108 = arith.constant 0 : index
    %get3A_109 = arith.constant 1 : index
    %get3A_110 = arith.constant 2 : index
    %get3A_111 = arith.constant 0 : index
    %get3A_112 = arith.constant 64 : index
    %get3A_113 = vector.load %arg2[%get3A_108, %get3A_109, %get3A_110, %get3A_111, %get3A_112] : memref<1x2x4x2048x128xf32, #tpu.memory_space<vmem>>, vector<1x1x1x2048x1xf32>
    %get3A_114 = vector.shape_cast %get3A_113 : vector<1x1x1x2048x1xf32> to vector<2048x1xf32>
    %get3A_115 = arith.constant 0 : index
    %get3A_116 = arith.constant 1 : index
    %get3A_117 = arith.constant 3 : index
    %get3A_118 = arith.constant 0 : index
    %get3A_119 = arith.constant 64 : index
    %get3A_120 = vector.load %arg2[%get3A_115, %get3A_116, %get3A_117, %get3A_118, %get3A_119] : memref<1x2x4x2048x128xf32, #tpu.memory_space<vmem>>, vector<1x1x1x2048x1xf32>
    %get3A_121 = vector.shape_cast %get3A_120 : vector<1x1x1x2048x1xf32> to vector<2048x1xf32>
    %max3A_122 = arith.maximumf %get3A_100, %get3A_107 : vector<2048x1xf32>
    %max3A_123 = arith.maximumf %max3A_122, %get3A_114 : vector<2048x1xf32>
    %max3A_124 = arith.maximumf %max3A_123, %get3A_121 : vector<2048x1xf32>
    %sub3A_125 = arith.subf %get3A_100, %max3A_124 : vector<2048x1xf32>
    %exp3A_126 = math.exp %sub3A_125 : vector<2048x1xf32>
    %add3A_127 = arith.constant 0.000000e+00 : f32
    %add3A_128 = vector.broadcast %add3A_127 : f32 to vector<2048x1xf32>
    %add3A_129 = arith.addf %add3A_128, %exp3A_126 : vector<2048x1xf32>
    %sub3A_130 = arith.subf %get3A_107, %max3A_124 : vector<2048x1xf32>
    %exp3A_131 = math.exp %sub3A_130 : vector<2048x1xf32>
    %add3A_132 = arith.addf %add3A_129, %exp3A_131 : vector<2048x1xf32>
    %sub3A_133 = arith.subf %get3A_114, %max3A_124 : vector<2048x1xf32>
    %exp3A_134 = math.exp %sub3A_133 : vector<2048x1xf32>
    %add3A_135 = arith.addf %add3A_132, %exp3A_134 : vector<2048x1xf32>
    %sub3A_136 = arith.subf %get3A_121, %max3A_124 : vector<2048x1xf32>
    %exp3A_137 = math.exp %sub3A_136 : vector<2048x1xf32>
    %add3A_138 = arith.addf %add3A_135, %exp3A_137 : vector<2048x1xf32>
    %log3A_139 = math.log %add3A_138 : vector<2048x1xf32>
    %add3A_140 = arith.addf %max3A_124, %log3A_139 : vector<2048x1xf32>
    %broadcast_in_dim3A_141 = arith.constant 0.000000e+00 : f32
    %broadcast_in_dim3A_142 = vector.broadcast %broadcast_in_dim3A_141 : f32 to vector<2048x64xf32>
    %sub3A_143 = arith.subf %get3A_100, %add3A_140 : vector<2048x1xf32>
    %exp3A_144 = math.exp %sub3A_143 : vector<2048x1xf32>
    %get3A_145 = arith.constant 0 : index
    %get3A_146 = arith.constant 1 : index
    %get3A_147 = arith.constant 0 : index
    %get3A_148 = arith.constant 0 : index
    %get3A_149 = arith.constant 0 : index
    %get3A_150 = vector.load %arg2[%get3A_145, %get3A_146, %get3A_147, %get3A_148, %get3A_149] : memref<1x2x4x2048x128xf32, #tpu.memory_space<vmem>>, vector<1x1x1x2048x64xf32>
    %get3A_151 = vector.shape_cast %get3A_150 : vector<1x1x1x2048x64xf32> to vector<2048x64xf32>
    %mul3A_152 = vector.broadcast %exp3A_144 : vector<2048x1xf32> to vector<2048x64xf32>
    %mul3A_153 = arith.mulf %mul3A_152, %get3A_151 : vector<2048x64xf32>
    %add3A_154 = arith.addf %broadcast_in_dim3A_142, %mul3A_153 : vector<2048x64xf32>
    %sub3A_155 = arith.subf %get3A_107, %add3A_140 : vector<2048x1xf32>
    %exp3A_156 = math.exp %sub3A_155 : vector<2048x1xf32>
    %get3A_157 = arith.constant 0 : index
    %get3A_158 = arith.constant 1 : index
    %get3A_159 = arith.constant 1 : index
    %get3A_160 = arith.constant 0 : index
    %get3A_161 = arith.constant 0 : index
    %get3A_162 = vector.load %arg2[%get3A_157, %get3A_158, %get3A_159, %get3A_160, %get3A_161] : memref<1x2x4x2048x128xf32, #tpu.memory_space<vmem>>, vector<1x1x1x2048x64xf32>
    %get3A_163 = vector.shape_cast %get3A_162 : vector<1x1x1x2048x64xf32> to vector<2048x64xf32>
    %mul3A_164 = vector.broadcast %exp3A_156 : vector<2048x1xf32> to vector<2048x64xf32>
    %mul3A_165 = arith.mulf %mul3A_164, %get3A_163 : vector<2048x64xf32>
    %add3A_166 = arith.addf %add3A_154, %mul3A_165 : vector<2048x64xf32>
    %sub3A_167 = arith.subf %get3A_114, %add3A_140 : vector<2048x1xf32>
    %exp3A_168 = math.exp %sub3A_167 : vector<2048x1xf32>
    %get3A_169 = arith.constant 0 : index
    %get3A_170 = arith.constant 1 : index
    %get3A_171 = arith.constant 2 : index
    %get3A_172 = arith.constant 0 : index
    %get3A_173 = arith.constant 0 : index
    %get3A_174 = vector.load %arg2[%get3A_169, %get3A_170, %get3A_171, %get3A_172, %get3A_173] : memref<1x2x4x2048x128xf32, #tpu.memory_space<vmem>>, vector<1x1x1x2048x64xf32>
    %get3A_175 = vector.shape_cast %get3A_174 : vector<1x1x1x2048x64xf32> to vector<2048x64xf32>
    %mul3A_176 = vector.broadcast %exp3A_168 : vector<2048x1xf32> to vector<2048x64xf32>
    %mul3A_177 = arith.mulf %mul3A_176, %get3A_175 : vector<2048x64xf32>
    %add3A_178 = arith.addf %add3A_166, %mul3A_177 : vector<2048x64xf32>
    %sub3A_179 = arith.subf %get3A_121, %add3A_140 : vector<2048x1xf32>
    %exp3A_180 = math.exp %sub3A_179 : vector<2048x1xf32>
    %get3A_181 = arith.constant 0 : index
    %get3A_182 = arith.constant 1 : index
    %get3A_183 = arith.constant 3 : index
    %get3A_184 = arith.constant 0 : index
    %get3A_185 = arith.constant 0 : index
    %get3A_186 = vector.load %arg2[%get3A_181, %get3A_182, %get3A_183, %get3A_184, %get3A_185] : memref<1x2x4x2048x128xf32, #tpu.memory_space<vmem>>, vector<1x1x1x2048x64xf32>
    %get3A_187 = vector.shape_cast %get3A_186 : vector<1x1x1x2048x64xf32> to vector<2048x64xf32>
    %mul3A_188 = vector.broadcast %exp3A_180 : vector<2048x1xf32> to vector<2048x64xf32>
    %mul3A_189 = arith.mulf %mul3A_188, %get3A_187 : vector<2048x64xf32>
    %add3A_190 = arith.addf %add3A_178, %mul3A_189 : vector<2048x64xf32>
    %swap3A_191 = arith.constant 0 : index
    %swap3A_192 = arith.constant 0 : index
    %swap3A_193 = arith.constant 64 : index
    %swap3A_194 = vector.load %arg3[%swap3A_191, %swap3A_192, %swap3A_193] : memref<1x2048x128xf32, #tpu.memory_space<vmem>>, vector<1x2048x64xf32>
    %swap3A_195 = vector.shape_cast %swap3A_194 : vector<1x2048x64xf32> to vector<2048x64xf32>
    %swap3A_196 = vector.shape_cast %add3A_190 : vector<2048x64xf32> to vector<1x2048x64xf32>
    tpu.vector_store %arg3[%swap3A_191, %swap3A_192, %swap3A_193], %swap3A_196 {strides = array<i32>} : memref<1x2048x128xf32, #tpu.memory_space<vmem>>, vector<1x2048x64xf32>,
    return
  }
  func.func @transform_0(%arg0: i32, %arg1: i32) -> (i32, i32, i32, i32, i32) {
    %c0_i32 = arith.constant 0 : i32
    %c0_i32_0 = arith.constant 0 : i32
    %c0_i32_1 = arith.constant 0 : i32
    %c0_i32_2 = arith.constant 0 : i32
    return %arg0, %arg1, %c0_i32, %c0_i32_0, %c0_i32_1 : i32, i32, i32, i32, i32
  }
  func.func @transform_1(%arg0: i32, %arg1: i32) -> (i32, i32, i32) {
    %c0_i32 = arith.constant 0 : i32
    %c0_i32_0 = arith.constant 0 : i32
    return %arg0, %c0_i32, %arg1 : i32, i32, i32
  }
}

module attributes {stable_mosaic.version = 14 : i64} {
  func.func @_post_kern(%arg0: i32, %arg1: i32, %arg2: memref<1x512x1024xf32, #tpu.memory_space<vmem>>, %arg3: memref<1x512x1024xf32, #tpu.memory_space<vmem>>, %arg4: memref<1024x1024xf32, #tpu.memory_space<vmem>>, %arg5: memref<1x1024xf32, #tpu.memory_space<vmem>>, %arg6: memref<1x1024xf32, #tpu.memory_space<vmem>>, %arg7: memref<1x1024xf32, #tpu.memory_space<vmem>>, %arg8: memref<1x512x1024xf32, #tpu.memory_space<vmem>>) attributes {dimension_semantics = [#tpu.dimension_semantics<arbitrary>, #tpu.dimension_semantics<arbitrary>], iteration_bounds = array<i64: 2, 4>, scalar_prefetch = 0 : i64, scratch_operands = 0 : i64, tpu.core_type = #tpu.core_type<tc>, window_params = [{transform_indices = @transform_0, window_bounds = array<i64: 1, 512, 1024>}, {transform_indices = @transform_1, window_bounds = array<i64: 1, 512, 1024>}, {pipeline_mode = #tpu.pipeline_mode<synchronous>, transform_indices = @transform_2, window_bounds = array<i64: 1024, 1024>}, {pipeline_mode = #tpu.pipeline_mode<synchronous>, transform_indices = @transform_3, window_bounds = array<i64: 1, 1024>}, {pipeline_mode = #tpu.pipeline_mode<synchronous>, transform_indices = @transform_4, window_bounds = array<i64: 1, 1024>}, {pipeline_mode = #tpu.pipeline_mode<synchronous>, transform_indices = @transform_5, window_bounds = array<i64: 1, 1024>}, {transform_indices = @transform_6, window_bounds = array<i64: 1, 512, 1024>}]} {
    %get3A = arith.constant 0 : index
    %get3A_0 = arith.constant 0 : index
    %get3A_1 = arith.constant 0 : index
    %get3A_2 = vector.load %arg2[%get3A, %get3A_0, %get3A_1] : memref<1x512x1024xf32, #tpu.memory_space<vmem>>, vector<1x512x1024xf32>
    %get3A_3 = vector.shape_cast %get3A_2 : vector<1x512x1024xf32> to vector<512x1024xf32>
    %get3A_4 = arith.constant 0 : index
    %get3A_5 = arith.constant 0 : index
    %get3A_6 = vector.load %arg4[%get3A_4, %get3A_5] : memref<1024x1024xf32, #tpu.memory_space<vmem>>, vector<1024x1024xf32>
    %convert_element_type3A = arith.truncf %get3A_3 : vector<512x1024xf32> to vector<512x1024xbf16>
    %convert_element_type3A_7 = arith.truncf %get3A_6 : vector<1024x1024xf32> to vector<1024x1024xbf16>
    %dot_general3A = arith.constant dense<0.000000e+00> : vector<512x1024xf32>
    %dot_general3A_8 = tpu.matmul %convert_element_type3A, %convert_element_type3A_7, %dot_general3A {dimension_numbers = #tpu.dot_dimension_numbers<[1], [1], [0], [0], [0, 0, 1, 0], [], []>, transpose_lhs_hint = false} : vector<512x1024xbf16>, vector<1024x1024xbf16>, vector<512x1024xf32> -> vector<512x1024xf32>
    %get3A_9 = arith.constant 0 : index
    %get3A_10 = arith.constant 0 : index
    %get3A_11 = vector.load %arg5[%get3A_9, %get3A_10] : memref<1x1024xf32, #tpu.memory_space<vmem>>, vector<1x1024xf32>
    %add3A = vector.broadcast %get3A_11 : vector<1x1024xf32> to vector<512x1024xf32>
    %add3A_12 = arith.addf %dot_general3A_8, %add3A : vector<512x1024xf32>
    %get3A_13 = arith.constant 0 : index
    %get3A_14 = arith.constant 0 : index
    %get3A_15 = arith.constant 0 : index
    %get3A_16 = vector.load %arg3[%get3A_13, %get3A_14, %get3A_15] : memref<1x512x1024xf32, #tpu.memory_space<vmem>>, vector<1x512x1024xf32>
    %get3A_17 = vector.shape_cast %get3A_16 : vector<1x512x1024xf32> to vector<512x1024xf32>
    %add3A_18 = arith.addf %add3A_12, %get3A_17 : vector<512x1024xf32>
    %get3A_19 = arith.constant 0 : index
    %get3A_20 = arith.constant 0 : index
    %get3A_21 = vector.load %arg6[%get3A_19, %get3A_20] : memref<1x1024xf32, #tpu.memory_space<vmem>>, vector<1x1024xf32>
    %get3A_22 = arith.constant 0 : index
    %get3A_23 = arith.constant 0 : index
    %get3A_24 = vector.load %arg7[%get3A_22, %get3A_23] : memref<1x1024xf32, #tpu.memory_space<vmem>>, vector<1x1024xf32>
    %reduce_sum3A = arith.constant dense<0.000000e+00> : vector<512xf32>
    %reduce_sum3A_25 = vector.multi_reduction <add>, %add3A_18, %reduce_sum3A [1] : vector<512x1024xf32> to vector<512xf32>
    %broadcast_in_dim3A = vector.shape_cast %reduce_sum3A_25 : vector<512xf32> to vector<512x1xf32>
    %div3A = arith.constant 1.024000e+03 : f32
    %div3A_26 = vector.broadcast %div3A : f32 to vector<512x1xf32>
    %div3A_27 = arith.divf %broadcast_in_dim3A, %div3A_26 : vector<512x1xf32>
    %sub3A = vector.broadcast %div3A_27 : vector<512x1xf32> to vector<512x1024xf32>
    %sub3A_28 = arith.subf %add3A_18, %sub3A : vector<512x1024xf32>
    %integer_pow3A = arith.mulf %sub3A_28, %sub3A_28 : vector<512x1024xf32>
    %reduce_sum3A_29 = arith.constant dense<0.000000e+00> : vector<512xf32>
    %reduce_sum3A_30 = vector.multi_reduction <add>, %integer_pow3A, %reduce_sum3A_29 [1] : vector<512x1024xf32> to vector<512xf32>
    %broadcast_in_dim3A_31 = vector.shape_cast %reduce_sum3A_30 : vector<512xf32> to vector<512x1xf32>
    %div3A_32 = arith.constant 1.024000e+03 : f32
    %div3A_33 = vector.broadcast %div3A_32 : f32 to vector<512x1xf32>
    %div3A_34 = arith.divf %broadcast_in_dim3A_31, %div3A_33 : vector<512x1xf32>
    %sub3A_35 = vector.broadcast %div3A_27 : vector<512x1xf32> to vector<512x1024xf32>
    %sub3A_36 = arith.subf %add3A_18, %sub3A_35 : vector<512x1024xf32>
    %add3A_37 = arith.constant 9.99999974E-6 : f32
    %add3A_38 = vector.broadcast %add3A_37 : f32 to vector<512x1xf32>
    %add3A_39 = arith.addf %div3A_34, %add3A_38 : vector<512x1xf32>
    %sqrt3A = math.sqrt %add3A_39 : vector<512x1xf32>
    %div3A_40 = vector.broadcast %sqrt3A : vector<512x1xf32> to vector<512x1024xf32>
    %div3A_41 = arith.divf %sub3A_36, %div3A_40 : vector<512x1024xf32>
    %mul3A = vector.broadcast %get3A_21 : vector<1x1024xf32> to vector<512x1024xf32>
    %mul3A_42 = arith.mulf %div3A_41, %mul3A : vector<512x1024xf32>
    %add3A_43 = vector.broadcast %get3A_24 : vector<1x1024xf32> to vector<512x1024xf32>
    %add3A_44 = arith.addf %mul3A_42, %add3A_43 : vector<512x1024xf32>
    %swap3A = arith.constant 0 : index
    %swap3A_45 = arith.constant 0 : index
    %swap3A_46 = arith.constant 0 : index
    %swap3A_47 = vector.load %arg8[%swap3A, %swap3A_45, %swap3A_46] : memref<1x512x1024xf32, #tpu.memory_space<vmem>>, vector<1x512x1024xf32>
    %swap3A_48 = vector.shape_cast %swap3A_47 : vector<1x512x1024xf32> to vector<512x1024xf32>
    %swap3A_49 = vector.shape_cast %add3A_44 : vector<512x1024xf32> to vector<1x512x1024xf32>
    tpu.vector_store %arg8[%swap3A, %swap3A_45, %swap3A_46], %swap3A_49 {strides = array<i32>} : memref<1x512x1024xf32, #tpu.memory_space<vmem>>, vector<1x512x1024xf32>,
    return
  }
  func.func @transform_0(%arg0: i32, %arg1: i32) -> (i32, i32, i32) {
    %c0_i32 = arith.constant 0 : i32
    %c0_i32_0 = arith.constant 0 : i32
    return %arg0, %arg1, %c0_i32 : i32, i32, i32
  }
  func.func @transform_1(%arg0: i32, %arg1: i32) -> (i32, i32, i32) {
    %c0_i32 = arith.constant 0 : i32
    %c0_i32_0 = arith.constant 0 : i32
    return %arg0, %arg1, %c0_i32 : i32, i32, i32
  }
  func.func @transform_2(%arg0: i32, %arg1: i32) -> (i32, i32) {
    %c0_i32 = arith.constant 0 : i32
    %c0_i32_0 = arith.constant 0 : i32
    %c0_i32_1 = arith.constant 0 : i32
    return %c0_i32, %c0_i32_0 : i32, i32
  }
  func.func @transform_3(%arg0: i32, %arg1: i32) -> (i32, i32) {
    %c0_i32 = arith.constant 0 : i32
    %c0_i32_0 = arith.constant 0 : i32
    %c0_i32_1 = arith.constant 0 : i32
    return %c0_i32, %c0_i32_0 : i32, i32
  }
  func.func @transform_4(%arg0: i32, %arg1: i32) -> (i32, i32) {
    %c0_i32 = arith.constant 0 : i32
    %c0_i32_0 = arith.constant 0 : i32
    %c0_i32_1 = arith.constant 0 : i32
    return %c0_i32, %c0_i32_0 : i32, i32
  }
  func.func @transform_5(%arg0: i32, %arg1: i32) -> (i32, i32) {
    %c0_i32 = arith.constant 0 : i32
    %c0_i32_0 = arith.constant 0 : i32
    %c0_i32_1 = arith.constant 0 : i32
    return %c0_i32, %c0_i32_0 : i32, i32
  }
  func.func @transform_6(%arg0: i32, %arg1: i32) -> (i32, i32, i32) {
    %c0_i32 = arith.constant 0 : i32
    %c0_i32_0 = arith.constant 0 : i32
    return %arg0, %arg1, %c0_i32 : i32, i32, i32
  }
}

module attributes {stable_mosaic.version = 14 : i64} {
  func.func @_ffn_kern(%arg0: i32, %arg1: i32, %arg2: i32, %arg3: memref<1x512x1024xf32, #tpu.memory_space<vmem>>, %arg4: memref<1024x1024xf32, #tpu.memory_space<vmem>>, %arg5: memref<1x1024xf32, #tpu.memory_space<vmem>>, %arg6: memref<1024x1024xf32, #tpu.memory_space<vmem>>, %arg7: memref<1x1024xf32, #tpu.memory_space<vmem>>, %arg8: memref<1x1024xf32, #tpu.memory_space<vmem>>, %arg9: memref<1x1024xf32, #tpu.memory_space<vmem>>, %arg10: memref<1x512x1024xf32, #tpu.memory_space<vmem>>) attributes {dimension_semantics = [#tpu.dimension_semantics<arbitrary>, #tpu.dimension_semantics<arbitrary>, #tpu.dimension_semantics<arbitrary>], iteration_bounds = array<i64: 2, 4, 4>, scalar_prefetch = 0 : i64, scratch_operands = 0 : i64, tpu.core_type = #tpu.core_type<tc>, window_params = [{transform_indices = @transform_0, window_bounds = array<i64: 1, 512, 1024>}, {transform_indices = @transform_1, window_bounds = array<i64: 1024, 1024>}, {transform_indices = @transform_2, window_bounds = array<i64: 1, 1024>}, {transform_indices = @transform_3, window_bounds = array<i64: 1024, 1024>}, {pipeline_mode = #tpu.pipeline_mode<synchronous>, transform_indices = @transform_4, window_bounds = array<i64: 1, 1024>}, {pipeline_mode = #tpu.pipeline_mode<synchronous>, transform_indices = @transform_5, window_bounds = array<i64: 1, 1024>}, {pipeline_mode = #tpu.pipeline_mode<synchronous>, transform_indices = @transform_6, window_bounds = array<i64: 1, 1024>}, {transform_indices = @transform_7, window_bounds = array<i64: 1, 512, 1024>}]} {
    %get3A = arith.constant 0 : index
    %get3A_0 = arith.constant 0 : index
    %get3A_1 = arith.constant 0 : index
    %get3A_2 = vector.load %arg3[%get3A, %get3A_0, %get3A_1] : memref<1x512x1024xf32, #tpu.memory_space<vmem>>, vector<1x512x1024xf32>
    %get3A_3 = vector.shape_cast %get3A_2 : vector<1x512x1024xf32> to vector<512x1024xf32>
    %get3A_4 = arith.constant 0 : index
    %get3A_5 = arith.constant 0 : index
    %get3A_6 = vector.load %arg4[%get3A_4, %get3A_5] : memref<1024x1024xf32, #tpu.memory_space<vmem>>, vector<1024x1024xf32>
    %convert_element_type3A = arith.truncf %get3A_3 : vector<512x1024xf32> to vector<512x1024xbf16>
    %convert_element_type3A_7 = arith.truncf %get3A_6 : vector<1024x1024xf32> to vector<1024x1024xbf16>
    %dot_general3A = arith.constant dense<0.000000e+00> : vector<512x1024xf32>
    %dot_general3A_8 = tpu.matmul %convert_element_type3A, %convert_element_type3A_7, %dot_general3A {dimension_numbers = #tpu.dot_dimension_numbers<[1], [1], [0], [0], [0, 0, 1, 0], [], []>, transpose_lhs_hint = false} : vector<512x1024xbf16>, vector<1024x1024xbf16>, vector<512x1024xf32> -> vector<512x1024xf32>
    %get3A_9 = arith.constant 0 : index
    %get3A_10 = arith.constant 0 : index
    %get3A_11 = vector.load %arg5[%get3A_9, %get3A_10] : memref<1x1024xf32, #tpu.memory_space<vmem>>, vector<1x1024xf32>
    %add3A = vector.broadcast %get3A_11 : vector<1x1024xf32> to vector<512x1024xf32>
    %add3A_12 = arith.addf %dot_general3A_8, %add3A : vector<512x1024xf32>
    %mul3A = arith.constant 5.000000e-01 : f32
    %mul3A_13 = vector.broadcast %mul3A : f32 to vector<512x1024xf32>
    %mul3A_14 = arith.mulf %mul3A_13, %add3A_12 : vector<512x1024xf32>
    %mul3A_15 = arith.constant 0.707106769 : f32
    %mul3A_16 = vector.broadcast %mul3A_15 : f32 to vector<512x1024xf32>
    %mul3A_17 = arith.mulf %add3A_12, %mul3A_16 : vector<512x1024xf32>
    %erf3A = math.erf %mul3A_17 : vector<512x1024xf32>
    %add3A_18 = arith.constant 1.000000e+00 : f32
    %add3A_19 = vector.broadcast %add3A_18 : f32 to vector<512x1024xf32>
    %add3A_20 = arith.addf %erf3A, %add3A_19 : vector<512x1024xf32>
    %mul3A_21 = arith.mulf %mul3A_14, %add3A_20 : vector<512x1024xf32>
    %get3A_22 = arith.constant 0 : index
    %get3A_23 = arith.constant 0 : index
    %get3A_24 = vector.load %arg6[%get3A_22, %get3A_23] : memref<1024x1024xf32, #tpu.memory_space<vmem>>, vector<1024x1024xf32>
    %convert_element_type3A_25 = arith.truncf %mul3A_21 : vector<512x1024xf32> to vector<512x1024xbf16>
    %convert_element_type3A_26 = arith.truncf %get3A_24 : vector<1024x1024xf32> to vector<1024x1024xbf16>
    %dot_general3A_27 = arith.constant dense<0.000000e+00> : vector<512x1024xf32>
    %dot_general3A_28 = tpu.matmul %convert_element_type3A_25, %convert_element_type3A_26, %dot_general3A_27 {dimension_numbers = #tpu.dot_dimension_numbers<[1], [1], [0], [0], [0, 0, 1, 0], [], []>, transpose_lhs_hint = false} : vector<512x1024xbf16>, vector<1024x1024xbf16>, vector<512x1024xf32> -> vector<512x1024xf32>
    %eq3A = arith.constant 0 : i32
    %eq3A_29 = arith.cmpi eq, %arg2, %eq3A : i32
    %convert_element_type3A_30 = arith.extui %eq3A_29 : i1 to i32
    %cond3A = arith.constant 0 : i32
    %cond3A_31 = arith.cmpi ne, %convert_element_type3A_30, %cond3A : i32
    scf.if %cond3A_31 {
      %swap3A = arith.constant 0 : index
      %swap3A_41 = arith.constant 0 : index
      %swap3A_42 = arith.constant 0 : index
      %swap3A_43 = vector.load %arg10[%swap3A, %swap3A_41, %swap3A_42] : memref<1x512x1024xf32, #tpu.memory_space<vmem>>, vector<1x512x1024xf32>
      %swap3A_44 = vector.shape_cast %swap3A_43 : vector<1x512x1024xf32> to vector<512x1024xf32>
      %swap3A_45 = vector.shape_cast %dot_general3A_28 : vector<512x1024xf32> to vector<1x512x1024xf32>
      tpu.vector_store %arg10[%swap3A, %swap3A_41, %swap3A_42], %swap3A_45 {strides = array<i32>} : memref<1x512x1024xf32, #tpu.memory_space<vmem>>, vector<1x512x1024xf32>,
    } else {
    }
    %gt3A = arith.constant 0 : i32
    %gt3A_32 = arith.cmpi sgt, %arg2, %gt3A : i32
    %convert_element_type3A_33 = arith.extui %gt3A_32 : i1 to i32
    %cond3A_34 = arith.constant 0 : i32
    %cond3A_35 = arith.cmpi ne, %convert_element_type3A_33, %cond3A_34 : i32
    scf.if %cond3A_35 {
      %get3A_41 = arith.constant 0 : index
      %get3A_42 = arith.constant 0 : index
      %get3A_43 = arith.constant 0 : index
      %get3A_44 = vector.load %arg10[%get3A_41, %get3A_42, %get3A_43] : memref<1x512x1024xf32, #tpu.memory_space<vmem>>, vector<1x512x1024xf32>
      %get3A_45 = vector.shape_cast %get3A_44 : vector<1x512x1024xf32> to vector<512x1024xf32>
      %add3A_46 = arith.addf %get3A_45, %dot_general3A_28 : vector<512x1024xf32>
      %swap3A = arith.constant 0 : index
      %swap3A_47 = arith.constant 0 : index
      %swap3A_48 = arith.constant 0 : index
      %swap3A_49 = vector.load %arg10[%swap3A, %swap3A_47, %swap3A_48] : memref<1x512x1024xf32, #tpu.memory_space<vmem>>, vector<1x512x1024xf32>
      %swap3A_50 = vector.shape_cast %swap3A_49 : vector<1x512x1024xf32> to vector<512x1024xf32>
      %swap3A_51 = vector.shape_cast %add3A_46 : vector<512x1024xf32> to vector<1x512x1024xf32>
      tpu.vector_store %arg10[%swap3A, %swap3A_47, %swap3A_48], %swap3A_51 {strides = array<i32>} : memref<1x512x1024xf32, #tpu.memory_space<vmem>>, vector<1x512x1024xf32>,
    } else {
    }
    %eq3A_36 = arith.constant 3 : i32
    %eq3A_37 = arith.cmpi eq, %arg2, %eq3A_36 : i32
    %convert_element_type3A_38 = arith.extui %eq3A_37 : i1 to i32
    %cond3A_39 = arith.constant 0 : i32
    %cond3A_40 = arith.cmpi ne, %convert_element_type3A_38, %cond3A_39 : i32
    scf.if %cond3A_40 {
      %get3A_41 = arith.constant 0 : index
      %get3A_42 = arith.constant 0 : index
      %get3A_43 = arith.constant 0 : index
      %get3A_44 = vector.load %arg10[%get3A_41, %get3A_42, %get3A_43] : memref<1x512x1024xf32, #tpu.memory_space<vmem>>, vector<1x512x1024xf32>
      %get3A_45 = vector.shape_cast %get3A_44 : vector<1x512x1024xf32> to vector<512x1024xf32>
      %get3A_46 = arith.constant 0 : index
      %get3A_47 = arith.constant 0 : index
      %get3A_48 = vector.load %arg7[%get3A_46, %get3A_47] : memref<1x1024xf32, #tpu.memory_space<vmem>>, vector<1x1024xf32>
      %add3A_49 = vector.broadcast %get3A_48 : vector<1x1024xf32> to vector<512x1024xf32>
      %add3A_50 = arith.addf %get3A_45, %add3A_49 : vector<512x1024xf32>
      %get3A_51 = arith.constant 0 : index
      %get3A_52 = arith.constant 0 : index
      %get3A_53 = arith.constant 0 : index
      %get3A_54 = vector.load %arg3[%get3A_51, %get3A_52, %get3A_53] : memref<1x512x1024xf32, #tpu.memory_space<vmem>>, vector<1x512x1024xf32>
      %get3A_55 = vector.shape_cast %get3A_54 : vector<1x512x1024xf32> to vector<512x1024xf32>
      %add3A_56 = arith.addf %add3A_50, %get3A_55 : vector<512x1024xf32>
      %get3A_57 = arith.constant 0 : index
      %get3A_58 = arith.constant 0 : index
      %get3A_59 = vector.load %arg8[%get3A_57, %get3A_58] : memref<1x1024xf32, #tpu.memory_space<vmem>>, vector<1x1024xf32>
      %get3A_60 = arith.constant 0 : index
      %get3A_61 = arith.constant 0 : index
      %get3A_62 = vector.load %arg9[%get3A_60, %get3A_61] : memref<1x1024xf32, #tpu.memory_space<vmem>>, vector<1x1024xf32>
      %reduce_sum3A = arith.constant dense<0.000000e+00> : vector<512xf32>
      %reduce_sum3A_63 = vector.multi_reduction <add>, %add3A_56, %reduce_sum3A [1] : vector<512x1024xf32> to vector<512xf32>
      %broadcast_in_dim3A = vector.shape_cast %reduce_sum3A_63 : vector<512xf32> to vector<512x1xf32>
      %div3A = arith.constant 1.024000e+03 : f32
      %div3A_64 = vector.broadcast %div3A : f32 to vector<512x1xf32>
      %div3A_65 = arith.divf %broadcast_in_dim3A, %div3A_64 : vector<512x1xf32>
      %sub3A = vector.broadcast %div3A_65 : vector<512x1xf32> to vector<512x1024xf32>
      %sub3A_66 = arith.subf %add3A_56, %sub3A : vector<512x1024xf32>
      %integer_pow3A = arith.mulf %sub3A_66, %sub3A_66 : vector<512x1024xf32>
      %reduce_sum3A_67 = arith.constant dense<0.000000e+00> : vector<512xf32>
      %reduce_sum3A_68 = vector.multi_reduction <add>, %integer_pow3A, %reduce_sum3A_67 [1] : vector<512x1024xf32> to vector<512xf32>
      %broadcast_in_dim3A_69 = vector.shape_cast %reduce_sum3A_68 : vector<512xf32> to vector<512x1xf32>
      %div3A_70 = arith.constant 1.024000e+03 : f32
      %div3A_71 = vector.broadcast %div3A_70 : f32 to vector<512x1xf32>
      %div3A_72 = arith.divf %broadcast_in_dim3A_69, %div3A_71 : vector<512x1xf32>
      %sub3A_73 = vector.broadcast %div3A_65 : vector<512x1xf32> to vector<512x1024xf32>
      %sub3A_74 = arith.subf %add3A_56, %sub3A_73 : vector<512x1024xf32>
      %add3A_75 = arith.constant 9.99999974E-6 : f32
      %add3A_76 = vector.broadcast %add3A_75 : f32 to vector<512x1xf32>
      %add3A_77 = arith.addf %div3A_72, %add3A_76 : vector<512x1xf32>
      %sqrt3A = math.sqrt %add3A_77 : vector<512x1xf32>
      %div3A_78 = vector.broadcast %sqrt3A : vector<512x1xf32> to vector<512x1024xf32>
      %div3A_79 = arith.divf %sub3A_74, %div3A_78 : vector<512x1024xf32>
      %mul3A_80 = vector.broadcast %get3A_59 : vector<1x1024xf32> to vector<512x1024xf32>
      %mul3A_81 = arith.mulf %div3A_79, %mul3A_80 : vector<512x1024xf32>
      %add3A_82 = vector.broadcast %get3A_62 : vector<1x1024xf32> to vector<512x1024xf32>
      %add3A_83 = arith.addf %mul3A_81, %add3A_82 : vector<512x1024xf32>
      %swap3A = arith.constant 0 : index
      %swap3A_84 = arith.constant 0 : index
      %swap3A_85 = arith.constant 0 : index
      %swap3A_86 = vector.load %arg10[%swap3A, %swap3A_84, %swap3A_85] : memref<1x512x1024xf32, #tpu.memory_space<vmem>>, vector<1x512x1024xf32>
      %swap3A_87 = vector.shape_cast %swap3A_86 : vector<1x512x1024xf32> to vector<512x1024xf32>
      %swap3A_88 = vector.shape_cast %add3A_83 : vector<512x1024xf32> to vector<1x512x1024xf32>
      tpu.vector_store %arg10[%swap3A, %swap3A_84, %swap3A_85], %swap3A_88 {strides = array<i32>} : memref<1x512x1024xf32, #tpu.memory_space<vmem>>, vector<1x512x1024xf32>,
    } else {
    }
    return
  }
  func.func @transform_0(%arg0: i32, %arg1: i32, %arg2: i32) -> (i32, i32, i32) {
    %c0_i32 = arith.constant 0 : i32
    %c0_i32_0 = arith.constant 0 : i32
    return %arg0, %arg1, %c0_i32 : i32, i32, i32
  }
  func.func @transform_1(%arg0: i32, %arg1: i32, %arg2: i32) -> (i32, i32) {
    %c0_i32 = arith.constant 0 : i32
    %c0_i32_0 = arith.constant 0 : i32
    return %arg2, %c0_i32 : i32, i32
  }
  func.func @transform_2(%arg0: i32, %arg1: i32, %arg2: i32) -> (i32, i32) {
    %c0_i32 = arith.constant 0 : i32
    %c0_i32_0 = arith.constant 0 : i32
    return %c0_i32, %arg2 : i32, i32
  }
  func.func @transform_3(%arg0: i32, %arg1: i32, %arg2: i32) -> (i32, i32) {
    %c0_i32 = arith.constant 0 : i32
    %c0_i32_0 = arith.constant 0 : i32
    return %c0_i32, %arg2 : i32, i32
  }
  func.func @transform_4(%arg0: i32, %arg1: i32, %arg2: i32) -> (i32, i32) {
    %c0_i32 = arith.constant 0 : i32
    %c0_i32_0 = arith.constant 0 : i32
    %c0_i32_1 = arith.constant 0 : i32
    return %c0_i32, %c0_i32_0 : i32, i32
  }
  func.func @transform_5(%arg0: i32, %arg1: i32, %arg2: i32) -> (i32, i32) {
    %c0_i32 = arith.constant 0 : i32
    %c0_i32_0 = arith.constant 0 : i32
    %c0_i32_1 = arith.constant 0 : i32
    return %c0_i32, %c0_i32_0 : i32, i32
  }
  func.func @transform_6(%arg0: i32, %arg1: i32, %arg2: i32) -> (i32, i32) {
    %c0_i32 = arith.constant 0 : i32
    %c0_i32_0 = arith.constant 0 : i32
    %c0_i32_1 = arith.constant 0 : i32
    return %c0_i32, %c0_i32_0 : i32, i32
  }
  func.func @transform_7(%arg0: i32, %arg1: i32, %arg2: i32) -> (i32, i32, i32) {
    %c0_i32 = arith.constant 0 : i32
    %c0_i32_0 = arith.constant 0 : i32
    return %arg0, %arg1, %c0_i32 : i32, i32, i32
  }
}

module attributes {stable_mosaic.version = 14 : i64} {
  func.func @_final_kern(%arg0: i32, %arg1: i32, %arg2: memref<1x512x1024xf32, #tpu.memory_space<vmem>>, %arg3: memref<1x1024xf32, #tpu.memory_space<vmem>>, %arg4: memref<1x1024xf32, #tpu.memory_space<vmem>>, %arg5: memref<21x1024xf32, #tpu.memory_space<vmem>>, %arg6: memref<1x21xf32, #tpu.memory_space<vmem>>, %arg7: memref<1x512x21xf32, #tpu.memory_space<vmem>>) attributes {dimension_semantics = [#tpu.dimension_semantics<arbitrary>, #tpu.dimension_semantics<arbitrary>], iteration_bounds = array<i64: 2, 4>, scalar_prefetch = 0 : i64, scratch_operands = 0 : i64, tpu.core_type = #tpu.core_type<tc>, window_params = [{transform_indices = @transform_0, window_bounds = array<i64: 1, 512, 1024>}, {pipeline_mode = #tpu.pipeline_mode<synchronous>, transform_indices = @transform_1, window_bounds = array<i64: 1, 1024>}, {pipeline_mode = #tpu.pipeline_mode<synchronous>, transform_indices = @transform_2, window_bounds = array<i64: 1, 1024>}, {pipeline_mode = #tpu.pipeline_mode<synchronous>, transform_indices = @transform_3, window_bounds = array<i64: 21, 1024>}, {pipeline_mode = #tpu.pipeline_mode<synchronous>, transform_indices = @transform_4, window_bounds = array<i64: 1, 21>}, {transform_indices = @transform_5, window_bounds = array<i64: 1, 512, 21>}]} {
    %get3A = arith.constant 0 : index
    %get3A_0 = arith.constant 0 : index
    %get3A_1 = arith.constant 0 : index
    %get3A_2 = vector.load %arg2[%get3A, %get3A_0, %get3A_1] : memref<1x512x1024xf32, #tpu.memory_space<vmem>>, vector<1x512x1024xf32>
    %get3A_3 = vector.shape_cast %get3A_2 : vector<1x512x1024xf32> to vector<512x1024xf32>
    %get3A_4 = arith.constant 0 : index
    %get3A_5 = arith.constant 0 : index
    %get3A_6 = vector.load %arg3[%get3A_4, %get3A_5] : memref<1x1024xf32, #tpu.memory_space<vmem>>, vector<1x1024xf32>
    %get3A_7 = arith.constant 0 : index
    %get3A_8 = arith.constant 0 : index
    %get3A_9 = vector.load %arg4[%get3A_7, %get3A_8] : memref<1x1024xf32, #tpu.memory_space<vmem>>, vector<1x1024xf32>
    %reduce_sum3A = arith.constant dense<0.000000e+00> : vector<512xf32>
    %reduce_sum3A_10 = vector.multi_reduction <add>, %get3A_3, %reduce_sum3A [1] : vector<512x1024xf32> to vector<512xf32>
    %broadcast_in_dim3A = vector.shape_cast %reduce_sum3A_10 : vector<512xf32> to vector<512x1xf32>
    %div3A = arith.constant 1.024000e+03 : f32
    %div3A_11 = vector.broadcast %div3A : f32 to vector<512x1xf32>
    %div3A_12 = arith.divf %broadcast_in_dim3A, %div3A_11 : vector<512x1xf32>
    %sub3A = vector.broadcast %div3A_12 : vector<512x1xf32> to vector<512x1024xf32>
    %sub3A_13 = arith.subf %get3A_3, %sub3A : vector<512x1024xf32>
    %integer_pow3A = arith.mulf %sub3A_13, %sub3A_13 : vector<512x1024xf32>
    %reduce_sum3A_14 = arith.constant dense<0.000000e+00> : vector<512xf32>
    %reduce_sum3A_15 = vector.multi_reduction <add>, %integer_pow3A, %reduce_sum3A_14 [1] : vector<512x1024xf32> to vector<512xf32>
    %broadcast_in_dim3A_16 = vector.shape_cast %reduce_sum3A_15 : vector<512xf32> to vector<512x1xf32>
    %div3A_17 = arith.constant 1.024000e+03 : f32
    %div3A_18 = vector.broadcast %div3A_17 : f32 to vector<512x1xf32>
    %div3A_19 = arith.divf %broadcast_in_dim3A_16, %div3A_18 : vector<512x1xf32>
    %sub3A_20 = vector.broadcast %div3A_12 : vector<512x1xf32> to vector<512x1024xf32>
    %sub3A_21 = arith.subf %get3A_3, %sub3A_20 : vector<512x1024xf32>
    %add3A = arith.constant 9.99999974E-6 : f32
    %add3A_22 = vector.broadcast %add3A : f32 to vector<512x1xf32>
    %add3A_23 = arith.addf %div3A_19, %add3A_22 : vector<512x1xf32>
    %sqrt3A = math.sqrt %add3A_23 : vector<512x1xf32>
    %div3A_24 = vector.broadcast %sqrt3A : vector<512x1xf32> to vector<512x1024xf32>
    %div3A_25 = arith.divf %sub3A_21, %div3A_24 : vector<512x1024xf32>
    %mul3A = vector.broadcast %get3A_6 : vector<1x1024xf32> to vector<512x1024xf32>
    %mul3A_26 = arith.mulf %div3A_25, %mul3A : vector<512x1024xf32>
    %add3A_27 = vector.broadcast %get3A_9 : vector<1x1024xf32> to vector<512x1024xf32>
    %add3A_28 = arith.addf %mul3A_26, %add3A_27 : vector<512x1024xf32>
    %get3A_29 = arith.constant 0 : index
    %get3A_30 = arith.constant 0 : index
    %get3A_31 = vector.load %arg5[%get3A_29, %get3A_30] : memref<21x1024xf32, #tpu.memory_space<vmem>>, vector<21x1024xf32>
    %convert_element_type3A = arith.truncf %add3A_28 : vector<512x1024xf32> to vector<512x1024xbf16>
    %convert_element_type3A_32 = arith.truncf %get3A_31 : vector<21x1024xf32> to vector<21x1024xbf16>
    %dot_general3A = arith.constant dense<0.000000e+00> : vector<512x21xf32>
    %dot_general3A_33 = tpu.matmul %convert_element_type3A, %convert_element_type3A_32, %dot_general3A {dimension_numbers = #tpu.dot_dimension_numbers<[1], [1], [0], [0], [0, 0, 1, 0], [], []>, transpose_lhs_hint = false} : vector<512x1024xbf16>, vector<21x1024xbf16>, vector<512x21xf32> -> vector<512x21xf32>
    %get3A_34 = arith.constant 0 : index
    %get3A_35 = arith.constant 0 : index
    %get3A_36 = vector.load %arg6[%get3A_34, %get3A_35] : memref<1x21xf32, #tpu.memory_space<vmem>>, vector<1x21xf32>
    %add3A_37 = vector.broadcast %get3A_36 : vector<1x21xf32> to vector<512x21xf32>
    %add3A_38 = arith.addf %dot_general3A_33, %add3A_37 : vector<512x21xf32>
    %swap3A = arith.constant 0 : index
    %swap3A_39 = arith.constant 0 : index
    %swap3A_40 = arith.constant 0 : index
    %swap3A_41 = vector.load %arg7[%swap3A, %swap3A_39, %swap3A_40] : memref<1x512x21xf32, #tpu.memory_space<vmem>>, vector<1x512x21xf32>
    %swap3A_42 = vector.shape_cast %swap3A_41 : vector<1x512x21xf32> to vector<512x21xf32>
    %swap3A_43 = vector.shape_cast %add3A_38 : vector<512x21xf32> to vector<1x512x21xf32>
    tpu.vector_store %arg7[%swap3A, %swap3A_39, %swap3A_40], %swap3A_43 {strides = array<i32>} : memref<1x512x21xf32, #tpu.memory_space<vmem>>, vector<1x512x21xf32>,
    return
  }
  func.func @transform_0(%arg0: i32, %arg1: i32) -> (i32, i32, i32) {
    %c0_i32 = arith.constant 0 : i32
    %c0_i32_0 = arith.constant 0 : i32
    return %arg0, %arg1, %c0_i32 : i32, i32, i32
  }
  func.func @transform_1(%arg0: i32, %arg1: i32) -> (i32, i32) {
    %c0_i32 = arith.constant 0 : i32
    %c0_i32_0 = arith.constant 0 : i32
    %c0_i32_1 = arith.constant 0 : i32
    return %c0_i32, %c0_i32_0 : i32, i32
  }
  func.func @transform_2(%arg0: i32, %arg1: i32) -> (i32, i32) {
    %c0_i32 = arith.constant 0 : i32
    %c0_i32_0 = arith.constant 0 : i32
    %c0_i32_1 = arith.constant 0 : i32
    return %c0_i32, %c0_i32_0 : i32, i32
  }
  func.func @transform_3(%arg0: i32, %arg1: i32) -> (i32, i32) {
    %c0_i32 = arith.constant 0 : i32
    %c0_i32_0 = arith.constant 0 : i32
    %c0_i32_1 = arith.constant 0 : i32
    return %c0_i32, %c0_i32_0 : i32, i32
  }
  func.func @transform_4(%arg0: i32, %arg1: i32) -> (i32, i32) {
    %c0_i32 = arith.constant 0 : i32
    %c0_i32_0 = arith.constant 0 : i32
    %c0_i32_1 = arith.constant 0 : i32
    return %c0_i32, %c0_i32_0 : i32, i32
  }
  func.func @transform_5(%arg0: i32, %arg1: i32) -> (i32, i32, i32) {
    %c0_i32 = arith.constant 0 : i32
    %c0_i32_0 = arith.constant 0 : i32
    return %arg0, %arg1, %c0_i32 : i32, i32, i32
  }
}

</mosaic_0001>

<sc_bundles>
// kernel: kernel.22.cloned.1.call-start
scs
__scs_entry_jumppad:
0x0: {  	(pc) =	sbr.rel $0x88, $3  }
0x1: {  	(tag) =	ssettag $0x0;
	lr =	simm.s32 $0x1  }
0x2: {  	[smem:$0x3F7F] =	sst lr;
	_ =	strace $0xD0000000  }
0x3: {  	_ = 	snop  }
0x4: {  	_ = 	snop  }
0x5: {  	_ = 	snop  }
0x6: {  	_ = 	snop  }
0x7: {  	_ = 	snop  }
__scs_overlays_trampoline_lowered:
0x8: {  	[smem:$0x3F8E] =	sst s0  }
0x9: {  	[smem:$0x3F8F] =	sst s1  }
0xa: {  	[smem:$0x3F90] =	sst s2  }
0xb: {  	[smem:$0x3F91] =	sst s3  }
0xc: {  	[smem:$0x3F92] =	sst s4  }
0xd: {  	[smem:$0x3F93] =	sst s5  }
0xe: {  	[smem:$0x3F94] =	sst s6  }
0xf: {  	[smem:$0x3F95] =	sst s7  }
0x10: {  	[smem:$0x3F96] =	sst s8  }
0x11: {  	[smem:$0x3F97] =	sst s9;
	s0 =	simm.s32 @!p0 $0x0  }
0x12: {  	s1 =	sld [smem:$0x3F7D];
	s0 =	simm.s32 @p0 $0x1  }
0x13: {  	[smem:$0x3F98] =	sst s0;
	s0 =	simm.s32 @!p1 $0x0  }
0x14: {  	s2 =	sld [smem:$0x3F7C];
	s0 =	simm.s32 @p1 $0x1  }
0x15: {  	[smem:$0x3F99] =	sst s0;
	s0 =	simm.s32 @!p2 $0x0  }
0x16: {  	s3 =	sld [smem:$0x3FDB];
	s0 =	simm.s32 @p2 $0x1  }
0x17: {  	s4 =	simm.s32 $0x1BF5;
	[smem:$0x3F9B] =	sst s0  }
0x18: {  	s0 =	sld [smem:$0x3F7E];
	_ =	swait.ge [sflag:s4], $0x0  }
0x19: {  	s7 =	sld [smem:$0x3F7F]  }
0x1a: {  	s8 =	sadd.s32 $0xFFFFE003, lr  }
0x1b: {  	s9 =	sadd.s32 $0xFFFFFEF7, lr;
	s5 =	simm.s32 $0xFFFFFFFF;
	p2 =	slt.u32 s8, $0xFFFFF086  }
0x1c: {  	p1 =	slt.u32 s9, $0xF7A;
	s5 =	simm.s32 @!p2 $0x0  }
0x1d: {  	s5 =	simm.s32 @p1 $0x1;
	p0 =	seq.s32 s7, s2  }
0x1e: {  	s7 =	smul.u32 @!p0 $0xF7A, s2;
	p2 =	seq.s32 @!p0 s5, $0x0  }
0x1f: {  	s9 =	smul.u32 $0xF7A, s1;
	s8 =	simm.s32 @!p0 $0x1BF5;
	p2 =	por !p2, p0  }
0x20: {  	[sflag:s8] =	ssyncset.s32 @!p0 $0xFFFFF086;
	s6 =	sadd.s32 @!p0 s3, s7;
	s7 =	simm.s32 @!p0 $0x108  }
0x21: {  	s3 =	sadd.s32 s3, s9;
	s6 =	sadd.s32 @!p0 $0x88, s6;
	s7 =	simm.s32 @p2 $0x1082  }
0x22: {  	[simem:s7], [sflag:s8] =	dma.local @!p0 [hbm:s6], $0xF7A  }
0x23: {  	s9 =	sor.u32 $0xD0000000, s2;
	s6 =	simm.s32 $0x108;
	_ =	swait.ge @!p0 [sflag:s8], $0x0  }
0x24: {  	s3 =	sadd.s32 $0x88, s3;
	s6 =	simm.s32 @!p1 $0x1082;
	[sflag:s4] =	ssyncset.s32 $0xFFFFF086  }
0x25: {  	[simem:s6], [sflag:s4] =	dma.local [hbm:s3], $0xF7A  }
0x26: {  	[smem:$0x3F7F] =	sst s1;
	(tag) =	ssettag s2;
	_ =	strace s9  }
0x27: {  	s1 =	sld [smem:$0x3F8F]  }
0x28: {  	s2 =	sld [smem:$0x3F90]  }
0x29: {  	s4 =	sld [smem:$0x3F92]  }
0x2a: {  	p0 =	seq.s32 s5, $0x0;
	s5 =	sld [smem:$0x3F93]  }
0x2b: {  	s6 =	sld [smem:$0x3F94]  }
0x2c: {  	s7 =	sld [smem:$0x3F95]  }
0x2d: {  	s3 =	simm.s32 $0x108;
	s8 =	sld [smem:$0x3F96]  }
0x2e: {  	s3 =	simm.s32 @!p0 $0x1082;
	s9 =	sld [smem:$0x3F97]  }
0x2f: {  	lr =	sadd.s32 s0, s3;
	s0 =	sld [smem:$0x3F8E]  }
0x30: {  	s3 =	sld [smem:$0x3F91]  }
0x31: {  	[smem:$0x3F9A] =	sst s10  }
0x32: {  	s10 =	sld [smem:$0x3F98];
	_ =	sdelay $0x3  }
0x33: {  	p0 =	seq.s32 s10, $0x1;
	s10 =	sld [smem:$0x3F9A];
	_ =	sdelay $0x3  }
0x34: {  	[smem:$0x3F9A] =	sst s10  }
0x35: {  	s10 =	sld [smem:$0x3F99];
	_ =	sdelay $0x3  }
0x36: {  	p1 =	seq.s32 s10, $0x1;
	s10 =	sld [smem:$0x3F9A];
	_ =	sdelay $0x3  }
0x37: {  	[smem:$0x3F9A] =	sst s10  }
0x38: {  	s10 =	sld [smem:$0x3F9B]  }
0x39: {  	_ = 	snop;
	(pc) =	sbr.ind lr, $3  }
0x3a: {  	_ = 	snop  }
0x3b: {  	_ = 	snop  }
0x3c: {  	p2 =	seq.s32 s10, $0x1;
	s10 =	sld [smem:$0x3F9A]  }
0x3d: {  	_ =	shalt  }
0x3e: {  	_ =	shalt  }
0x3f: {  	_ =	shalt  }
0x40: {  	_ =	shalt  }
0x41: {  	_ =	shalt  }
0x42: {  	_ =	shalt  }
0x43: {  	_ =	shalt  }
0x44: {  	_ =	shalt  }
0x45: {  	_ =	shalt  }
0x46: {  	_ =	shalt  }
0x47: {  	_ =	shalt  }
0x48: {  	_ =	shalt  }
0x49: {  	_ =	shalt  }
0x4a: {  	_ =	shalt  }
0x4b: {  	_ =	shalt  }
0x4c: {  	_ =	shalt  }
0x4d: {  	_ =	shalt  }
0x4e: {  	_ =	shalt  }
0x4f: {  	_ =	shalt  }
0x50: {  	_ =	shalt  }
0x51: {  	_ =	shalt  }
0x52: {  	_ =	shalt  }
0x53: {  	_ =	shalt  }
0x54: {  	_ =	shalt  }
0x55: {  	_ =	shalt  }
0x56: {  	_ =	shalt  }
0x57: {  	_ =	shalt  }
0x58: {  	_ =	shalt  }
0x59: {  	_ =	shalt  }
0x5a: {  	_ =	shalt  }
0x5b: {  	_ =	shalt  }
0x5c: {  	_ =	shalt  }
0x5d: {  	_ =	shalt  }
0x5e: {  	_ =	shalt  }
0x5f: {  	_ =	shalt  }
0x60: {  	_ =	shalt  }
0x61: {  	_ =	shalt  }
0x62: {  	_ =	shalt  }
0x63: {  	_ =	shalt  }
0x64: {  	_ =	shalt  }
0x65: {  	_ =	shalt  }
0x66: {  	_ =	shalt  }
0x67: {  	_ =	shalt  }
0x68: {  	_ =	shalt  }
0x69: {  	_ =	shalt  }
0x6a: {  	_ =	shalt  }
0x6b: {  	_ =	shalt  }
0x6c: {  	_ =	shalt  }
0x6d: {  	_ =	shalt  }
0x6e: {  	_ =	shalt  }
0x6f: {  	_ =	shalt  }
0x70: {  	_ =	shalt  }
0x71: {  	_ =	shalt  }
0x72: {  	_ =	shalt  }
0x73: {  	_ =	shalt  }
0x74: {  	_ =	shalt  }
0x75: {  	_ =	shalt  }
0x76: {  	_ =	shalt  }
0x77: {  	_ =	shalt  }
0x78: {  	_ =	shalt  }
0x79: {  	_ =	shalt  }
0x7a: {  	_ =	shalt  }
0x7b: {  	_ =	shalt  }
0x7c: {  	_ =	shalt  }
0x7d: {  	_ =	shalt  }
0x7e: {  	_ =	shalt  }
0x7f: {  	_ =	shalt  }
0x80: {  	_ =	shalt  }
0x81: {  	_ =	shalt  }
0x82: {  	_ =	shalt  }
0x83: {  	_ =	shalt  }
0x84: {  	_ =	shalt  }
0x85: {  	_ =	shalt  }
0x86: {  	_ =	shalt  }
0x87: {  	_ =	shalt  }
.Lfunc_end0:
.L_simem_size_0:
called_computation_lowered:
.L_overlay_start_0:
0x88: {  	s2 =	sld [smem:$0x3FD9]  }
0x89: {  	s3 =	sld [smem:$0x3FFE];
	_ =	sdelay $0x1  }
0x8a: {  	s1 =	srdreg.scid  }
0x8b: {  	s0 =	sand.u32 $0x1, s1  }
0x8c: {  	s16 =	sshll.u32 s0, $0xA;
	s2 =	sadd.s32 s3, s2  }
0x8d: {  	s2 =	sadd.s32 s2, s16  }
0x8e: {  	[smem:$0x3FA6] =	sst s2  }
0x8f: {  	_ = 	snop  }
0x90: {  	(tm) =	ssettm $0x1  }
0x91: {  	s17 =	sld [smem:$0x3FFB];
	_ =	sdelay $0x3  }
0x92: {  	_ =	strace s17  }
0x93: {  	s2 =	sld [smem:$0x3FFC];
	_ =	sdelay $0x3  }
0x94: {  	_ =	strace s2  }
0x95: {  	s2 =	sld [smem:$0x3FFD];
	_ =	sdelay $0x3  }
0x96: {  	_ =	strace s2  }
0x97: {  	_ =	strace $0x8FFFFFFF  }
0x98: {  	s18 =	sld [smem:$0x3FDB];
	_ =	sdelay $0x1  }
0x99: {  	s19 =	simm.s32 $_scs_section_size  }
0x9a: {  	s4 =	simm.s32 $_size__tile_overlayer_lowered;
	s5 =	simm.s32 $_tile_overlayer_lowered  }
0x9b: {  	s22 =	simm.s32 $0x1BFF;
	s21 =	sshll.u32 s5, $0x1;
	s2 =	sadd.s32 s19, s18  }
0x9c: {  	s6 =	simm.s32 $0x0;
	s20 =	sshll.u32 s4, $0x1;
	s4 =	sadd.s32 s21, s2  }
0x9d: {  	[timem:s6], [sflag:s22] =	dma.local [hbm:s4], s20  }
0x9e: {  	_ =	swait.ge [sflag:s22], s20  }
0x9f: {  	s3 =	ssub.s32 $0x0, s20;
	[sflag:s22] =	ssyncset.done $0x0  }
0xa0: {  	[sflag:s22] =	ssyncadd.s32 s3;
	_ =	sdelay $0x1  }
0xa1: {  	s23 =	simm.s32 $0x1B8B  }
0xa2: {  	_ =	swait.ge [sflag:s23], $0x1  }
0xa3: {  	[sflag:s23] =	ssyncset.done $0x0  }
0xa4: {  	s25 =	simm.s32 $0x1B8E;
	s24 =	sld [smem:$0x3FFE];
	[sflag:s23] =	ssyncadd.s32 $0xFFFFFFFF  }
0xa5: {  	s26 =	simm.s32 $execute0_lowered;
	[smem:$0x3FD2] =	sst s25  }
0xa6: {  	s4 =	sshll.u32 s26, $0x1;
	_ =	strace $0x80000046;
	[dreg:$0x1] =	wrdreg $0xFFFFFFFF  }
0xa7: {  	s28 =	simm.s32 $_size_execute0_lowered;
	s2 =	sadd.s32 s2, s4;
	[dreg:$0x0] =	wrdreg $0x0  }
0xa8: {  	s4 =	sshll.u32 s28, $0x1;
	[dreg:$0x2] =	wrdreg s2  }
0xa9: {  	[dreg:$0x3] =	wrdreg s4  }
0xaa: {  	[dreg:$0x4] =	wrdreg $0xC0  }
0xab: {  	_ =	task [dreg:s6], $0x5FFFF  }
0xac: {  	[dreg:$0x1] =	wrdreg $0xFFFFFFFF  }
0xad: {  	[dreg:$0x0] =	wrdreg $0x60  }
0xae: {  	[dreg:$0x2] =	wrdreg s24  }
0xaf: {  	[dreg:$0x3] =	wrdreg $0x9  }
0xb0: {  	_ =	task.clear_ibuf [dreg:s6], $0x4FFFF;
	_ =	strace $0x90000046  }
0xb1: {  	s29 =	simm.s32 $0x9;
	_ =	strace $0x80000048  }
0xb2: {  	_ =	swait.ge [sflag:s29], $0x1  }
0xb3: {  	[sflag:s29] =	ssyncadd.s32 $0xFFFFFFFF  }
0xb4: {  	_ =	strace $0x90000048  }
0xb5: {  	_ =	sfence  }
0xb6: {  	s30 =	sld [smem:$0x0];
	_ =	sdelay $0x2  }
0xb7: {  	s31 =	sshll.u32 s1, $0xD;
	s1 =	sshrl.u32 s1, $0x2  }
0xb8: {  	s3 =	sand.u32 $0x4000, s31;
	s1 =	sadd.s32 s1, s30  }
0xb9: {  	s0 =	sor.u32 s3, s0;
	s1 =	sshll.u32 s1, $0x11  }
0xba: {  	s0 =	sor.u32 s1, s0  }
0xbb: {  	s0 =	sadd.s32 $0x8F2B, s0  }
0xbc: {  	[sflag:s0] =	ssyncadd.remote.s32 $0x1  }
0xbd: {  	_ =	sfence.sel $0xFFFF  }
0xbe: {  	[dreg:$0x0] =	wrdreg $0xFFFFFFFF;
	(pc) =	sbr.abs _section_cstart, $3  }
0xbf: {  	[dreg:$0x1] =	wrdreg $0xFFFFFFFF  }
0xc0: {  	_ =	task.clear_ibuf [dreg:s6], $0x2FFFF;
	_ =	strace $0x9FFFFFFF  }
0xc1: {  	(tm) =	ssettm $0x7FFFFFFF  }
tec
execute0_lowered:
.L_overlay_start_1:
0x0: {  	(tag) =	ssettag $0x1  }
0x1: {  	s1 =	srdreg.scid  }
0x2: {  	s0 =	stileid.u32;
	s3 =	rddreg [dreg:$0x0];
	s2 =	simm.s32 $0x0  }
0x3: {  	s12 =	simm.s32 $0x2000;
	s13 =	simm.s32 $0x4000;
	s14 =	simm.s32 $0x2  }
0x4: {  	s15 =	simm.s32 $0x8000;
	s8 =	sand.u32 $0x1, s1;
	s1 =	rddreg [dreg:$0x1]  }
0x5: {  	s16 =	simm.s32 $0x0;
	s4 =	sshll.u32 s0, $0x1;
	[smem:$0x7FF] =	sst s2  }
0x6: {  	s28 =	sshll.u32 s0, $0xB;
	s10 =	sadd.s32 $0x596200, s3;
	s11 =	sshll.u32 s0, $0x12  }
0x7: {  	s6 =	sor.u32 s8, s4;
	_ =	strace $0x80000047;
	s7 =	ssub.s32 $0x2, s8  }
0x8: {  	s31 =	sadd.s32 s11, s10;
	s8 =	sshll.u32 s8, $0x11;
	s11 =	simm.s32 $0x3  }
0x9: {  	s5 =	sshll.u32 s6, $0x4;
	s29 =	sshll.u32 s6, $0xF;
	s9 =	sshrl.u32 s7, $0x1  }
0xa: {  	s6 =	sshll.u32 s6, $0x11;
	s8 =	sadd.s32 s8, s31;
	s4 =	sor.u32 s28, s5  }
0xb: {  	s5 =	sadd.s32 s29, s3;
	s7 =	ssub.s32 s7, s9;
	s30 =	sadd.s32 s10, s6  }
0xc: {  	s9 =	simm.s32 $0x80;
	s10 =	simm.s32 $0x400;
	s4 =	sand.u32 $0x6070, s4  }
0xd: {  	s5 =	sadd.s32 $0x496200, s5;
	s6 =	smax.u32 s7, $0x1;
	s4 =	sadd.s32 s4, s3  }
0xe: {  	v0 =	vlaneseq.u32;
	s7 =	sadd.s32 $0x1F800, s30;
	s3 =	sadd.s32 $0x96200, s4;
	s4 =	sadd.s32 $0x9E200, s4  }
.LBB2_1:
0xf: {  	[tilespmem:s2], [sflag:$0x3] =	stream.strided.gather [hbm4b:s3+s9], $0x2000, s10, s9, $0x38;
	[tilespmem:$0xC000] =	vst v63  }
0x10: {  	_ =	swait.ge [sflag:s11], $0x2000  }
0x11: {  	[sflag:s11] =	ssyncset.done $0x0  }
0x12: {  	[sflag:s11] =	ssyncadd.s32 $0xFFFFE000  }
0x13: {  	s17 =	simm.s32 $0x10;
	s18 =	simm.s32 $0x0;
	s19 =	simm.s32 $0x0;
	v1 =	vld [tilespmem:s2+$0x0]  }
.LBB2_2:
0x14: {  	p0 =	sne.s32 s17, $0x1FF0;
	_ =	sdelay $0x3  }
.Ltmp0:
0x15: {  	(pc) =	sbr.rel @p0 .LBB2_2-.Ltmp0, $4  }
0x16: {  	v2 =	vor.u32 s18, v0;
	s18 =	smov.u32 s17  }
0x17: {  	v2 =	vand.u32 $0x7FF, v2  }
0x18: {  	s19 =	sadd.s32 $0x10, s19;
	[tilespmem:v1+s12+$0x0] =	vst.idx.msk $0xffff, v2  }
0x19: {  	s17 =	sadd.s32 $0x10, s17;
	v1 =	vld [tilespmem:s19+$0x0]  }
0x1a: {  	_ =	sdelay $0x5  }
0x1b: {  	v2 =	vor.u32 s18, v0  }
0x1c: {  	v2 =	vand.u32 $0x7FF, v2  }
0x1d: {  	[tilespmem:v1+s12+$0x0] =	vst.idx.msk $0xffff, v2  }
0x1e: {  	[hbm4b:s4+s9] =	stream.strided.scatter [tilespmem:s12], [sflag:$0x3], $0x2000, s10, s9, $0x38;
	[tilespmem:$0xC000] =	vst v63  }
0x1f: {  	s17 =	simm.s32 $0x0;
	_ =	swait.ge [sflag:s11], $0x2000  }
0x20: {  	s18 =	simm.s32 $0x2080;
	s17 =	sand.u32 $0x1, s17;
	[sflag:s11] =	ssyncset.done $0x0  }
0x21: {  	p0 =	seq.s32 s17, $0x1;
	p1 =	seq.s32 s17, $0x0;
	[sflag:s11] =	ssyncadd.s32 $0xFFFFE000  }
0x22: {  	[tilespmem:s13], [sflag:$0x1] =	stream.indirect.gather [hbm4b:s5+s9], $0x80, s12, s9, $0xb8;
	[tilespmem:$0xC000] =	vst v63  }
0x23: {  	p2 =	sne.s32 s17, $0x0;
	s19 =	simm.s32 @!p0 $0x80;
	s20 =	simm.s32 @!p0 $0x8000  }
0x24: {  	[tilespmem:s20], [sflag:$0x2] =	stream.indirect.gather @!p0 [hbm4b:s5+s19], $0x80, s18, s19, $0xb8;
	[tilespmem:$0xC000] =	vst v63  }
0x25: {  	s17 =	simm.s32 @!p2 $0x1;
	s19 =	simm.s32 @!p1 $0x80;
	s20 =	simm.s32 @!p1 $0x4000  }
0x26: {  	[tilespmem:s20], [sflag:$0x1] =	stream.indirect.gather @!p1 [hbm4b:s5+s19], $0x80, s18, s19, $0xb8;
	[tilespmem:$0xC000] =	vst v63  }
0x27: {  	_ =	swait.ge @!p2 [sflag:s17], $0x4000  }
0x28: {  	s18 =	simm.s32 @!p2 $0x0;
	[sflag:s17] =	ssyncset.done @!p2 $0x0  }
0x29: {  	s19 =	simm.s32 @!p2 $0x4000;
	[sflag:s17] =	ssyncadd.s32 @!p2 $0xFFFFC000;
	s17 =	simm.s32 @!p2 $0x4  }
0x2a: {  	[hbm4b:s8+s18] =	stream.linear.scatter @!p2 [tilespmem:s19], [sflag:$0x4], $0x4000, $0x38;
	[tilespmem:$0xC000] =	vst v63  }
0x2b: {  	_ =	swait.ge @!p2 [sflag:s17], $0x4000  }
0x2c: {  	p0 =	por p0, p0;
	[sflag:s17] =	ssyncset.done @!p2 $0x0  }
0x2d: {  	s18 =	simm.s32 @p0 $0x2;
	[sflag:s17] =	ssyncadd.s32 @!p2 $0xFFFFC000  }
0x2e: {  	s31 =	simm.s32 $0x1;
	s21 =	simm.s32 @p0 $0x3;
	_ =	swait.ge @p0 [sflag:s18], $0x4000  }
0x2f: {  	s20 =	simm.s32 @p0 $0x8000;
	s19 =	simm.s32 @p0 $0x0;
	[sflag:s18] =	ssyncset.done @p0 $0x0  }
0x30: {  	s17 =	sadd.s32 $0x800, s8;
	[sflag:s18] =	ssyncadd.s32 @p0 $0xFFFFC000;
	s18 =	simm.s32 $0x2100  }
0x31: {  	[hbm4b:s8+s19] =	stream.linear.scatter @p0 [tilespmem:s20], [sflag:$0x3], $0x4000, $0x38;
	[tilespmem:$0xC000] =	vst v63  }
0x32: {  	s19 =	simm.s32 $0x2;
	s20 =	sand.u32 $0x1, s31;
	_ =	swait.ge @p0 [sflag:s21], $0x4000  }
.LBB2_4:
0x33: {  	p3 =	seq.s32 s20, $0x1;
	p1 =	seq.s32 s20, $0x0;
	[sflag:s21] =	ssyncset.done @p0 $0x0  }
0x34: {  	s22 =	simm.s32 @!p3 $0x80;
	s23 =	simm.s32 @!p3 $0x8000;
	[sflag:s21] =	ssyncadd.s32 @p0 $0xFFFFC000  }
0x35: {  	[tilespmem:s23], [sflag:$0x2] =	stream.indirect.gather @!p3 [hbm4b:s5+s22], $0x80, s18, s22, $0xb8;
	[tilespmem:$0xC000] =	vst v63  }
0x36: {  	p2 =	sne.s32 s20, $0x0;
	s21 =	simm.s32 @!p1 $0x80;
	s22 =	simm.s32 @!p1 $0x4000  }
0x37: {  	[tilespmem:s22], [sflag:$0x1] =	stream.indirect.gather @!p1 [hbm4b:s5+s21], $0x80, s18, s21, $0xb8;
	[tilespmem:$0xC000] =	vst v63  }
0x38: {  	s20 =	simm.s32 @!p2 $0x1;
	s22 =	smov.u32 s19;
	s19 =	sadd.s32 $0x1, s19  }
0x39: {  	p0 =	por p3, p3;
	p1 =	sne.s32 s19, $0x3F;
	_ =	swait.ge @!p2 [sflag:s20], $0x4000  }
0x3a: {  	s23 =	simm.s32 @!p2 $0x4000;
	s21 =	simm.s32 @!p2 $0x0;
	[sflag:s20] =	ssyncset.done @!p2 $0x0  }
0x3b: {  	[sflag:s20] =	ssyncadd.s32 @!p2 $0xFFFFC000;
	s20 =	simm.s32 @!p2 $0x4  }
0x3c: {  	[hbm4b:s17+s21] =	stream.linear.scatter @!p2 [tilespmem:s23], [sflag:$0x4], $0x4000, $0x38;
	[tilespmem:$0xC000] =	vst v63  }
0x3d: {  	_ =	swait.ge @!p2 [sflag:s20], $0x4000  }
0x3e: {  	s21 =	simm.s32 @p0 $0x2;
	[sflag:s20] =	ssyncset.done @!p2 $0x0  }
0x3f: {  	[sflag:s20] =	ssyncadd.s32 @!p2 $0xFFFFC000  }
.Ltmp1:
0x40: {  	_ =	swait.ge @p0 [sflag:s21], $0x4000;
	(pc) =	sbr.rel @p1 .LBB2_4-.Ltmp1, $4  }
0x41: {  	s23 =	simm.s32 @p0 $0x8000;
	s20 =	simm.s32 @p0 $0x0;
	[sflag:s21] =	ssyncset.done @p0 $0x0  }
0x42: {  	s18 =	sadd.s32 $0x80, s18;
	[sflag:s21] =	ssyncadd.s32 @p0 $0xFFFFC000;
	s21 =	simm.s32 @p0 $0x3  }
0x43: {  	[hbm4b:s17+s20] =	stream.linear.scatter @p0 [tilespmem:s23], [sflag:$0x3], $0x4000, $0x38;
	[tilespmem:$0xC000] =	vst v63  }
0x44: {  	s20 =	sand.u32 $0x1, s22;
	s17 =	sadd.s32 $0x800, s17;
	_ =	swait.ge @p0 [sflag:s21], $0x4000  }
0x45: {  	p1 =	seq.s32 s20, $0x1;
	p2 =	seq.s32 s20, $0x0;
	[sflag:s21] =	ssyncset.done @p0 $0x0  }
0x46: {  	s19 =	simm.s32 @!p1 $0x80;
	s22 =	simm.s32 @!p1 $0x8000;
	[sflag:s21] =	ssyncadd.s32 @p0 $0xFFFFC000  }
0x47: {  	[tilespmem:s22], [sflag:$0x2] =	stream.indirect.gather @!p1 [hbm4b:s5+s19], $0x80, s18, s19, $0xb8;
	[tilespmem:$0xC000] =	vst v63  }
0x48: {  	s21 =	simm.s32 @!p2 $0x4000;
	p0 =	sne.s32 s20, $0x0;
	s19 =	simm.s32 @!p2 $0x80  }
0x49: {  	[tilespmem:s21], [sflag:$0x1] =	stream.indirect.gather @!p2 [hbm4b:s5+s19], $0x80, s18, s19, $0xb8;
	[tilespmem:$0xC000] =	vst v63  }
0x4a: {  	s18 =	simm.s32 @!p0 $0x1  }
0x4b: {  	_ =	swait.ge @!p0 [sflag:s18], $0x4000  }
0x4c: {  	s20 =	simm.s32 @!p0 $0x4000;
	[sflag:s18] =	ssyncset.done @!p0 $0x0  }
0x4d: {  	s19 =	simm.s32 @!p0 $0x0;
	[sflag:s18] =	ssyncadd.s32 @!p0 $0xFFFFC000;
	s18 =	simm.s32 @!p0 $0x4  }
0x4e: {  	[hbm4b:s17+s19] =	stream.linear.scatter @!p0 [tilespmem:s20], [sflag:$0x4], $0x4000, $0x38;
	[tilespmem:$0xC000] =	vst v63  }
0x4f: {  	_ =	swait.ge @!p0 [sflag:s18], $0x4000  }
0x50: {  	p1 =	por p1, p1;
	[sflag:s18] =	ssyncset.done @!p0 $0x0  }
0x51: {  	s19 =	simm.s32 @p1 $0x2;
	[sflag:s18] =	ssyncadd.s32 @!p0 $0xFFFFC000  }
0x52: {  	_ =	swait.ge @p1 [sflag:s19], $0x4000  }
0x53: {  	s20 =	simm.s32 @p1 $0x8000;
	[sflag:s19] =	ssyncset.done @p1 $0x0  }
0x54: {  	s18 =	simm.s32 @p1 $0x0;
	[sflag:s19] =	ssyncadd.s32 @p1 $0xFFFFC000;
	s19 =	simm.s32 @p1 $0x3  }
0x55: {  	[hbm4b:s17+s18] =	stream.linear.scatter @p1 [tilespmem:s20], [sflag:$0x3], $0x4000, $0x38;
	[tilespmem:$0xC000] =	vst v63  }
0x56: {  	_ =	swait.ge @p1 [sflag:s19], $0x4000  }
0x57: {  	[sflag:s19] =	ssyncset.done @p1 $0x0  }
0x58: {  	[sflag:s19] =	ssyncadd.s32 @p1 $0xFFFFC000  }
0x59: {  	s16 =	sadd.s32 $0x1, s16;
	_ =	swait.ge [sflag:s14], $0x4000  }
0x5a: {  	p0 =	sne.s32 s16, s6;
	[sflag:s14] =	ssyncset.done $0x0  }
.Ltmp2:
0x5b: {  	[sflag:s14] =	ssyncadd.s32 $0xFFFFC000;
	(pc) =	sbr.rel @p0 .LBB2_1-.Ltmp2, $4  }
0x5c: {  	[hbm4b:s7+s2] =	stream.linear.scatter [tilespmem:s15], [sflag:$0x3], $0x4000, $0x38;
	[tilespmem:$0xC000] =	vst v63  }
0x5d: {  	_ =	swait.ge [sflag:s11], $0x4000  }
0x5e: {  	[sflag:s11] =	ssyncset.done $0x0  }
0x5f: {  	[sflag:s11] =	ssyncadd.s32 $0xFFFFC000  }
0x60: {  	_ =	sfence.sel $0x180000  }
0x61: {  	[bflag:$0x0] =	sbarrier.arrive $0xFFFF  }
0x62: {  	p0 =	sne.s32 s0, $0x0;
	_ =	strace $0x90000047  }
0x63: {  	s0 =	sadd.s32 @!p0 $0x100000, s1;
	[bflag:$0x2] =	sbarrier.arrive $0xFFFF  }
0x64: {  	[sflag:s0] =	ssyncadd.tile.s32 @!p0 $0x1;
	_ =	shalt  }
.Lfunc_end2:
_tile_overlayer_lowered:
.L_overlay_start_2:
0x65: {  	(tag) =	ssettag $0x2  }
0x66: {  	s0 =	rddreg [dreg:$0x0];
	s2 =	stileid.u32  }
0x67: {  	s1 =	rddreg [dreg:$0x1];
	p0 =	sne.s32 s2, $0x0  }
0x68: {  	s3 =	rddreg [dreg:$0x2];
	[bflag:$0x3] =	sbarrier.arrive $0xFFFF;
	s2 =	simm.s32 @!p0 $0x1C03  }
0x69: {  	[timem:s3], [sflag:s2] =	dma.local @!p0 [hbm:s0], s1  }
0x6a: {  	s0 =	simm.s32 @!p0 $0x3  }
0x6b: {  	_ =	swait.ge @!p0 [sflag:s0], s1  }
0x6c: {  	s1 =	ssub.s32 @!p0 $0x0, s1;
	[sflag:s0] =	ssyncset.done @!p0 $0x0  }
0x6d: {  	[sflag:s0] =	ssyncadd.s32 @!p0 s1  }
0x6e: {  	[bflag:$0x3] =	sbarrier.arrive $0xFFFF  }
0x6f: {  	_ =	shalt  }

// kernel: kernel.25.cloned.1.call-start
scs
__scs_entry_jumppad:
0x0: {  	(pc) =	sbr.rel $0x88, $3  }
0x1: {  	(tag) =	ssettag $0x0;
	lr =	simm.s32 $0x1  }
0x2: {  	[smem:$0x3F7F] =	sst lr;
	_ =	strace $0xD0000000  }
0x3: {  	_ = 	snop  }
0x4: {  	_ = 	snop  }
0x5: {  	_ = 	snop  }
0x6: {  	_ = 	snop  }
0x7: {  	_ = 	snop  }
__scs_overlays_trampoline_lowered:
0x8: {  	[smem:$0x3F8E] =	sst s0  }
0x9: {  	[smem:$0x3F8F] =	sst s1  }
0xa: {  	[smem:$0x3F90] =	sst s2  }
0xb: {  	[smem:$0x3F91] =	sst s3  }
0xc: {  	[smem:$0x3F92] =	sst s4  }
0xd: {  	[smem:$0x3F93] =	sst s5  }
0xe: {  	[smem:$0x3F94] =	sst s6  }
0xf: {  	[smem:$0x3F95] =	sst s7  }
0x10: {  	[smem:$0x3F96] =	sst s8  }
0x11: {  	[smem:$0x3F97] =	sst s9;
	s0 =	simm.s32 @!p0 $0x0  }
0x12: {  	s1 =	sld [smem:$0x3F7D];
	s0 =	simm.s32 @p0 $0x1  }
0x13: {  	[smem:$0x3F98] =	sst s0;
	s0 =	simm.s32 @!p1 $0x0  }
0x14: {  	s2 =	sld [smem:$0x3F7C];
	s0 =	simm.s32 @p1 $0x1  }
0x15: {  	[smem:$0x3F99] =	sst s0;
	s0 =	simm.s32 @!p2 $0x0  }
0x16: {  	s3 =	sld [smem:$0x3FDB];
	s0 =	simm.s32 @p2 $0x1  }
0x17: {  	s4 =	simm.s32 $0x1BF5;
	[smem:$0x3F9B] =	sst s0  }
0x18: {  	s0 =	sld [smem:$0x3F7E];
	_ =	swait.ge [sflag:s4], $0x0  }
0x19: {  	s7 =	sld [smem:$0x3F7F]  }
0x1a: {  	s8 =	sadd.s32 $0xFFFFE003, lr  }
0x1b: {  	s9 =	sadd.s32 $0xFFFFFEF7, lr;
	s5 =	simm.s32 $0xFFFFFFFF;
	p2 =	slt.u32 s8, $0xFFFFF086  }
0x1c: {  	p1 =	slt.u32 s9, $0xF7A;
	s5 =	simm.s32 @!p2 $0x0  }
0x1d: {  	s5 =	simm.s32 @p1 $0x1;
	p0 =	seq.s32 s7, s2  }
0x1e: {  	s7 =	smul.u32 @!p0 $0xF7A, s2;
	p2 =	seq.s32 @!p0 s5, $0x0  }
0x1f: {  	s9 =	smul.u32 $0xF7A, s1;
	s8 =	simm.s32 @!p0 $0x1BF5;
	p2 =	por !p2, p0  }
0x20: {  	[sflag:s8] =	ssyncset.s32 @!p0 $0xFFFFF086;
	s6 =	sadd.s32 @!p0 s3, s7;
	s7 =	simm.s32 @!p0 $0x108  }
0x21: {  	s3 =	sadd.s32 s3, s9;
	s6 =	sadd.s32 @!p0 $0x88, s6;
	s7 =	simm.s32 @p2 $0x1082  }
0x22: {  	[simem:s7], [sflag:s8] =	dma.local @!p0 [hbm:s6], $0xF7A  }
0x23: {  	s9 =	sor.u32 $0xD0000000, s2;
	s6 =	simm.s32 $0x108;
	_ =	swait.ge @!p0 [sflag:s8], $0x0  }
0x24: {  	s3 =	sadd.s32 $0x88, s3;
	s6 =	simm.s32 @!p1 $0x1082;
	[sflag:s4] =	ssyncset.s32 $0xFFFFF086  }
0x25: {  	[simem:s6], [sflag:s4] =	dma.local [hbm:s3], $0xF7A  }
0x26: {  	[smem:$0x3F7F] =	sst s1;
	(tag) =	ssettag s2;
	_ =	strace s9  }
0x27: {  	s1 =	sld [smem:$0x3F8F]  }
0x28: {  	s2 =	sld [smem:$0x3F90]  }
0x29: {  	s4 =	sld [smem:$0x3F92]  }
0x2a: {  	p0 =	seq.s32 s5, $0x0;
	s5 =	sld [smem:$0x3F93]  }
0x2b: {  	s6 =	sld [smem:$0x3F94]  }
0x2c: {  	s7 =	sld [smem:$0x3F95]  }
0x2d: {  	s3 =	simm.s32 $0x108;
	s8 =	sld [smem:$0x3F96]  }
0x2e: {  	s3 =	simm.s32 @!p0 $0x1082;
	s9 =	sld [smem:$0x3F97]  }
0x2f: {  	lr =	sadd.s32 s0, s3;
	s0 =	sld [smem:$0x3F8E]  }
0x30: {  	s3 =	sld [smem:$0x3F91]  }
0x31: {  	[smem:$0x3F9A] =	sst s10  }
0x32: {  	s10 =	sld [smem:$0x3F98];
	_ =	sdelay $0x3  }
0x33: {  	p0 =	seq.s32 s10, $0x1;
	s10 =	sld [smem:$0x3F9A];
	_ =	sdelay $0x3  }
0x34: {  	[smem:$0x3F9A] =	sst s10  }
0x35: {  	s10 =	sld [smem:$0x3F99];
	_ =	sdelay $0x3  }
0x36: {  	p1 =	seq.s32 s10, $0x1;
	s10 =	sld [smem:$0x3F9A];
	_ =	sdelay $0x3  }
0x37: {  	[smem:$0x3F9A] =	sst s10  }
0x38: {  	s10 =	sld [smem:$0x3F9B]  }
0x39: {  	_ = 	snop;
	(pc) =	sbr.ind lr, $3  }
0x3a: {  	_ = 	snop  }
0x3b: {  	_ = 	snop  }
0x3c: {  	p2 =	seq.s32 s10, $0x1;
	s10 =	sld [smem:$0x3F9A]  }
0x3d: {  	_ =	shalt  }
0x3e: {  	_ =	shalt  }
0x3f: {  	_ =	shalt  }
0x40: {  	_ =	shalt  }
0x41: {  	_ =	shalt  }
0x42: {  	_ =	shalt  }
0x43: {  	_ =	shalt  }
0x44: {  	_ =	shalt  }
0x45: {  	_ =	shalt  }
0x46: {  	_ =	shalt  }
0x47: {  	_ =	shalt  }
0x48: {  	_ =	shalt  }
0x49: {  	_ =	shalt  }
0x4a: {  	_ =	shalt  }
0x4b: {  	_ =	shalt  }
0x4c: {  	_ =	shalt  }
0x4d: {  	_ =	shalt  }
0x4e: {  	_ =	shalt  }
0x4f: {  	_ =	shalt  }
0x50: {  	_ =	shalt  }
0x51: {  	_ =	shalt  }
0x52: {  	_ =	shalt  }
0x53: {  	_ =	shalt  }
0x54: {  	_ =	shalt  }
0x55: {  	_ =	shalt  }
0x56: {  	_ =	shalt  }
0x57: {  	_ =	shalt  }
0x58: {  	_ =	shalt  }
0x59: {  	_ =	shalt  }
0x5a: {  	_ =	shalt  }
0x5b: {  	_ =	shalt  }
0x5c: {  	_ =	shalt  }
0x5d: {  	_ =	shalt  }
0x5e: {  	_ =	shalt  }
0x5f: {  	_ =	shalt  }
0x60: {  	_ =	shalt  }
0x61: {  	_ =	shalt  }
0x62: {  	_ =	shalt  }
0x63: {  	_ =	shalt  }
0x64: {  	_ =	shalt  }
0x65: {  	_ =	shalt  }
0x66: {  	_ =	shalt  }
0x67: {  	_ =	shalt  }
0x68: {  	_ =	shalt  }
0x69: {  	_ =	shalt  }
0x6a: {  	_ =	shalt  }
0x6b: {  	_ =	shalt  }
0x6c: {  	_ =	shalt  }
0x6d: {  	_ =	shalt  }
0x6e: {  	_ =	shalt  }
0x6f: {  	_ =	shalt  }
0x70: {  	_ =	shalt  }
0x71: {  	_ =	shalt  }
0x72: {  	_ =	shalt  }
0x73: {  	_ =	shalt  }
0x74: {  	_ =	shalt  }
0x75: {  	_ =	shalt  }
0x76: {  	_ =	shalt  }
0x77: {  	_ =	shalt  }
0x78: {  	_ =	shalt  }
0x79: {  	_ =	shalt  }
0x7a: {  	_ =	shalt  }
0x7b: {  	_ =	shalt  }
0x7c: {  	_ =	shalt  }
0x7d: {  	_ =	shalt  }
0x7e: {  	_ =	shalt  }
0x7f: {  	_ =	shalt  }
0x80: {  	_ =	shalt  }
0x81: {  	_ =	shalt  }
0x82: {  	_ =	shalt  }
0x83: {  	_ =	shalt  }
0x84: {  	_ =	shalt  }
0x85: {  	_ =	shalt  }
0x86: {  	_ =	shalt  }
0x87: {  	_ =	shalt  }
.Lfunc_end0:
.L_simem_size_0:
called_computation.1_lowered:
.L_overlay_start_0:
0x88: {  	s2 =	sld [smem:$0x3FD9]  }
0x89: {  	s3 =	sld [smem:$0x3FFE];
	_ =	sdelay $0x1  }
0x8a: {  	s1 =	srdreg.scid  }
0x8b: {  	s0 =	sand.u32 $0x1, s1  }
0x8c: {  	s16 =	sshll.u32 s0, $0xA;
	s2 =	sadd.s32 s3, s2  }
0x8d: {  	s2 =	sadd.s32 s2, s16  }
0x8e: {  	[smem:$0x3FA6] =	sst s2  }
0x8f: {  	_ = 	snop  }
0x90: {  	(tm) =	ssettm $0x1  }
0x91: {  	s17 =	sld [smem:$0x3FFB];
	_ =	sdelay $0x3  }
0x92: {  	_ =	strace s17  }
0x93: {  	s2 =	sld [smem:$0x3FFC];
	_ =	sdelay $0x3  }
0x94: {  	_ =	strace s2  }
0x95: {  	s2 =	sld [smem:$0x3FFD];
	_ =	sdelay $0x3  }
0x96: {  	_ =	strace s2  }
0x97: {  	_ =	strace $0x8FFFFFFF  }
0x98: {  	s18 =	sld [smem:$0x3FDB];
	_ =	sdelay $0x1  }
0x99: {  	s19 =	simm.s32 $_scs_section_size  }
0x9a: {  	s4 =	simm.s32 $_size__tile_overlayer_lowered;
	s5 =	simm.s32 $_tile_overlayer_lowered  }
0x9b: {  	s22 =	simm.s32 $0x1BFF;
	s21 =	sshll.u32 s5, $0x1;
	s2 =	sadd.s32 s19, s18  }
0x9c: {  	s6 =	simm.s32 $0x0;
	s20 =	sshll.u32 s4, $0x1;
	s4 =	sadd.s32 s21, s2  }
0x9d: {  	[timem:s6], [sflag:s22] =	dma.local [hbm:s4], s20  }
0x9e: {  	_ =	swait.ge [sflag:s22], s20  }
0x9f: {  	s3 =	ssub.s32 $0x0, s20;
	[sflag:s22] =	ssyncset.done $0x0  }
0xa0: {  	[sflag:s22] =	ssyncadd.s32 s3;
	_ =	sdelay $0x1  }
0xa1: {  	s23 =	simm.s32 $0x1B8B  }
0xa2: {  	_ =	swait.ge [sflag:s23], $0x1  }
0xa3: {  	[sflag:s23] =	ssyncset.done $0x0  }
0xa4: {  	s25 =	simm.s32 $0x1B8E;
	s24 =	sld [smem:$0x3FFE];
	[sflag:s23] =	ssyncadd.s32 $0xFFFFFFFF  }
0xa5: {  	s26 =	simm.s32 $execute0_lowered;
	[smem:$0x3FD2] =	sst s25  }
0xa6: {  	s4 =	sshll.u32 s26, $0x1;
	_ =	strace $0x80000049;
	[dreg:$0x1] =	wrdreg $0xFFFFFFFF  }
0xa7: {  	s28 =	simm.s32 $_size_execute0_lowered;
	s2 =	sadd.s32 s2, s4;
	[dreg:$0x0] =	wrdreg $0x0  }
0xa8: {  	s4 =	sshll.u32 s28, $0x1;
	[dreg:$0x2] =	wrdreg s2  }
0xa9: {  	[dreg:$0x3] =	wrdreg s4  }
0xaa: {  	[dreg:$0x4] =	wrdreg $0xC0  }
0xab: {  	_ =	task [dreg:s6], $0x5FFFF  }
0xac: {  	[dreg:$0x1] =	wrdreg $0xFFFFFFFF  }
0xad: {  	[dreg:$0x0] =	wrdreg $0x60  }
0xae: {  	[dreg:$0x2] =	wrdreg s24  }
0xaf: {  	[dreg:$0x3] =	wrdreg $0x9  }
0xb0: {  	_ =	task.clear_ibuf [dreg:s6], $0x4FFFF;
	_ =	strace $0x90000049  }
0xb1: {  	s29 =	simm.s32 $0x9;
	_ =	strace $0x8000004B  }
0xb2: {  	_ =	swait.ge [sflag:s29], $0x1  }
0xb3: {  	[sflag:s29] =	ssyncadd.s32 $0xFFFFFFFF  }
0xb4: {  	_ =	strace $0x9000004B  }
0xb5: {  	_ =	sfence  }
0xb6: {  	s30 =	sld [smem:$0x0];
	_ =	sdelay $0x2  }
0xb7: {  	s31 =	sshll.u32 s1, $0xD;
	s1 =	sshrl.u32 s1, $0x2  }
0xb8: {  	s3 =	sand.u32 $0x4000, s31;
	s1 =	sadd.s32 s1, s30  }
0xb9: {  	s0 =	sor.u32 s3, s0;
	s1 =	sshll.u32 s1, $0x11  }
0xba: {  	s0 =	sor.u32 s1, s0  }
0xbb: {  	s0 =	sadd.s32 $0x8F2B, s0  }
0xbc: {  	[sflag:s0] =	ssyncadd.remote.s32 $0x1  }
0xbd: {  	_ =	sfence.sel $0xFFFF  }
0xbe: {  	[dreg:$0x0] =	wrdreg $0xFFFFFFFF;
	(pc) =	sbr.abs _section_cstart, $3  }
0xbf: {  	[dreg:$0x1] =	wrdreg $0xFFFFFFFF  }
0xc0: {  	_ =	task.clear_ibuf [dreg:s6], $0x2FFFF;
	_ =	strace $0x9FFFFFFF  }
0xc1: {  	(tm) =	ssettm $0x7FFFFFFF  }
tec
execute0_lowered:
.L_overlay_start_1:
0x0: {  	(tag) =	ssettag $0x1  }
0x1: {  	s1 =	srdreg.scid;
	s0 =	stileid.u32  }
0x2: {  	s3 =	rddreg [dreg:$0x0];
	s2 =	simm.s32 $0x0;
	s11 =	simm.s32 $0x2  }
0x3: {  	s12 =	simm.s32 $0x6000;
	s4 =	sand.u32 $0x1, s1;
	s1 =	rddreg [dreg:$0x1]  }
0x4: {  	s13 =	simm.s32 $0x0;
	s5 =	sshll.u32 s0, $0x1;
	[smem:$0x7FF] =	sst s2  }
0x5: {  	s7 =	sshll.u32 s0, $0xB;
	s10 =	sadd.s32 $0x9E200, s3;
	s30 =	sshll.u32 s0, $0x15  }
0x6: {  	s5 =	sor.u32 s4, s5;
	_ =	strace $0x8000004A;
	s7 =	sand.u32 $0x6000, s7  }
0x7: {  	s9 =	ssub.s32 $0x2, s4;
	s4 =	sshll.u32 s4, $0x14;
	s6 =	sshll.u32 s5, $0x11  }
0x8: {  	s7 =	sadd.s32 s7, s3;
	s5 =	sshll.u32 s5, $0x4;
	s29 =	sshrl.u32 s9, $0x1  }
0x9: {  	s31 =	sor.u32 s4, s30;
	s8 =	sadd.s32 s6, s3;
	s5 =	sand.u32 $0x70, s5  }
0xa: {  	s9 =	ssub.s32 s9, s29;
	s6 =	sadd.s32 s6, s10;
	s5 =	sadd.s32 s5, s7  }
0xb: {  	s4 =	sadd.s32 $0x996200, s8;
	s7 =	sshrl.u32 s31, $0x3;
	s6 =	sadd.s32 $0x1F800, s6  }
0xc: {  	s8 =	simm.s32 $0x400;
	s3 =	sadd.s32 $0x96200, s5;
	s5 =	smax.u32 s9, $0x1  }
0xd: {  	s7 =	sadd.s32 s7, s10;
	s9 =	simm.s32 $0x3;
	s10 =	simm.s32 $0x2000  }
.LBB2_1:
0xe: {  	s14 =	simm.s32 $0x80  }
0xf: {  	[tilespmem:s2], [sflag:$0x3] =	stream.strided.gather [hbm4b:s3+s14], $0x2000, s8, s14, $0x38;
	[tilespmem:$0xA000] =	vst v63  }
0x10: {  	_ =	swait.ge [sflag:s9], $0x2000  }
0x11: {  	s15 =	sand.u32 $0x1, s2;
	[sflag:s9] =	ssyncset.done $0x0  }
0x12: {  	p0 =	seq.s32 s15, $0x1;
	[sflag:s9] =	ssyncadd.s32 $0xFFFFE000  }
0x13: {  	[tilespmem:s10], [sflag:$0x1] =	stream.indirect.gather [hbm4b:s4+s14], $0x80, s2, s14, $0xb8;
	[tilespmem:$0xA000] =	vst v63  }
0x14: {  	p1 =	seq.s32 s15, $0x0;
	s16 =	simm.s32 @!p0 $0x80;
	s17 =	simm.s32 @!p0 $0x6000  }
0x15: {  	[tilespmem:s17], [sflag:$0x2] =	stream.indirect.gather @!p0 [hbm4b:s4+s16], $0x80, s14, s16, $0xb8;
	[tilespmem:$0xA000] =	vst v63  }
0x16: {  	p2 =	sne.s32 s15, $0x0;
	s16 =	simm.s32 @!p1 $0x80;
	s17 =	simm.s32 @!p1 $0x2000  }
0x17: {  	[tilespmem:s17], [sflag:$0x1] =	stream.indirect.gather @!p1 [hbm4b:s4+s16], $0x80, s14, s16, $0xb8;
	[tilespmem:$0xA000] =	vst v63  }
0x18: {  	s14 =	simm.s32 @!p2 $0x1  }
0x19: {  	_ =	swait.ge @!p2 [sflag:s14], $0x4000  }
0x1a: {  	s15 =	simm.s32 @!p2 $0x0;
	[sflag:s14] =	ssyncset.done @!p2 $0x0  }
0x1b: {  	s16 =	simm.s32 @!p2 $0x2000;
	[sflag:s14] =	ssyncadd.s32 @!p2 $0xFFFFC000;
	s14 =	simm.s32 @!p2 $0x4  }
0x1c: {  	[hbm4b:s7+s15] =	stream.linear.scatter @!p2 [tilespmem:s16], [sflag:$0x4], $0x4000, $0x38;
	[tilespmem:$0xA000] =	vst v63  }
0x1d: {  	_ =	swait.ge @!p2 [sflag:s14], $0x4000  }
0x1e: {  	p0 =	por p0, p0;
	[sflag:s14] =	ssyncset.done @!p2 $0x0  }
0x1f: {  	s15 =	simm.s32 @p0 $0x2;
	[sflag:s14] =	ssyncadd.s32 @!p2 $0xFFFFC000  }
0x20: {  	s31 =	simm.s32 $0x1;
	s18 =	simm.s32 @p0 $0x3;
	_ =	swait.ge @p0 [sflag:s15], $0x4000  }
0x21: {  	s17 =	simm.s32 @p0 $0x6000;
	s16 =	simm.s32 @p0 $0x0;
	[sflag:s15] =	ssyncset.done @p0 $0x0  }
0x22: {  	s14 =	sadd.s32 $0x800, s7;
	[sflag:s15] =	ssyncadd.s32 @p0 $0xFFFFC000;
	s15 =	simm.s32 $0x100  }
0x23: {  	[hbm4b:s7+s16] =	stream.linear.scatter @p0 [tilespmem:s17], [sflag:$0x3], $0x4000, $0x38;
	[tilespmem:$0xA000] =	vst v63  }
0x24: {  	s16 =	simm.s32 $0x2;
	s17 =	sand.u32 $0x1, s31;
	_ =	swait.ge @p0 [sflag:s18], $0x4000  }
.LBB2_2:
0x25: {  	p3 =	seq.s32 s17, $0x1;
	p1 =	seq.s32 s17, $0x0;
	[sflag:s18] =	ssyncset.done @p0 $0x0  }
0x26: {  	s19 =	simm.s32 @!p3 $0x80;
	s20 =	simm.s32 @!p3 $0x6000;
	[sflag:s18] =	ssyncadd.s32 @p0 $0xFFFFC000  }
0x27: {  	[tilespmem:s20], [sflag:$0x2] =	stream.indirect.gather @!p3 [hbm4b:s4+s19], $0x80, s15, s19, $0xb8;
	[tilespmem:$0xA000] =	vst v63  }
0x28: {  	p2 =	sne.s32 s17, $0x0;
	s18 =	simm.s32 @!p1 $0x80;
	s19 =	simm.s32 @!p1 $0x2000  }
0x29: {  	[tilespmem:s19], [sflag:$0x1] =	stream.indirect.gather @!p1 [hbm4b:s4+s18], $0x80, s15, s18, $0xb8;
	[tilespmem:$0xA000] =	vst v63  }
0x2a: {  	s17 =	simm.s32 @!p2 $0x1;
	s19 =	smov.u32 s16;
	s16 =	sadd.s32 $0x1, s16  }
0x2b: {  	p0 =	por p3, p3;
	p1 =	sne.s32 s16, $0x3F;
	_ =	swait.ge @!p2 [sflag:s17], $0x4000  }
0x2c: {  	s20 =	simm.s32 @!p2 $0x2000;
	s18 =	simm.s32 @!p2 $0x0;
	[sflag:s17] =	ssyncset.done @!p2 $0x0  }
0x2d: {  	[sflag:s17] =	ssyncadd.s32 @!p2 $0xFFFFC000;
	s17 =	simm.s32 @!p2 $0x4  }
0x2e: {  	[hbm4b:s14+s18] =	stream.linear.scatter @!p2 [tilespmem:s20], [sflag:$0x4], $0x4000, $0x38;
	[tilespmem:$0xA000] =	vst v63  }
0x2f: {  	_ =	swait.ge @!p2 [sflag:s17], $0x4000  }
0x30: {  	s18 =	simm.s32 @p0 $0x2;
	[sflag:s17] =	ssyncset.done @!p2 $0x0  }
0x31: {  	[sflag:s17] =	ssyncadd.s32 @!p2 $0xFFFFC000  }
.Ltmp0:
0x32: {  	_ =	swait.ge @p0 [sflag:s18], $0x4000;
	(pc) =	sbr.rel @p1 .LBB2_2-.Ltmp0, $4  }
0x33: {  	s20 =	simm.s32 @p0 $0x6000;
	s17 =	simm.s32 @p0 $0x0;
	[sflag:s18] =	ssyncset.done @p0 $0x0  }
0x34: {  	s15 =	sadd.s32 $0x80, s15;
	[sflag:s18] =	ssyncadd.s32 @p0 $0xFFFFC000;
	s18 =	simm.s32 @p0 $0x3  }
0x35: {  	[hbm4b:s14+s17] =	stream.linear.scatter @p0 [tilespmem:s20], [sflag:$0x3], $0x4000, $0x38;
	[tilespmem:$0xA000] =	vst v63  }
0x36: {  	s17 =	sand.u32 $0x1, s19;
	s14 =	sadd.s32 $0x800, s14;
	_ =	swait.ge @p0 [sflag:s18], $0x4000  }
0x37: {  	p1 =	seq.s32 s17, $0x1;
	p2 =	seq.s32 s17, $0x0;
	[sflag:s18] =	ssyncset.done @p0 $0x0  }
0x38: {  	s16 =	simm.s32 @!p1 $0x80;
	s19 =	simm.s32 @!p1 $0x6000;
	[sflag:s18] =	ssyncadd.s32 @p0 $0xFFFFC000  }
0x39: {  	[tilespmem:s19], [sflag:$0x2] =	stream.indirect.gather @!p1 [hbm4b:s4+s16], $0x80, s15, s16, $0xb8;
	[tilespmem:$0xA000] =	vst v63  }
0x3a: {  	s18 =	simm.s32 @!p2 $0x2000;
	p0 =	sne.s32 s17, $0x0;
	s16 =	simm.s32 @!p2 $0x80  }
0x3b: {  	[tilespmem:s18], [sflag:$0x1] =	stream.indirect.gather @!p2 [hbm4b:s4+s16], $0x80, s15, s16, $0xb8;
	[tilespmem:$0xA000] =	vst v63  }
0x3c: {  	s15 =	simm.s32 @!p0 $0x1  }
0x3d: {  	_ =	swait.ge @!p0 [sflag:s15], $0x4000  }
0x3e: {  	s17 =	simm.s32 @!p0 $0x2000;
	[sflag:s15] =	ssyncset.done @!p0 $0x0  }
0x3f: {  	s16 =	simm.s32 @!p0 $0x0;
	[sflag:s15] =	ssyncadd.s32 @!p0 $0xFFFFC000;
	s15 =	simm.s32 @!p0 $0x4  }
0x40: {  	[hbm4b:s14+s16] =	stream.linear.scatter @!p0 [tilespmem:s17], [sflag:$0x4], $0x4000, $0x38;
	[tilespmem:$0xA000] =	vst v63  }
0x41: {  	_ =	swait.ge @!p0 [sflag:s15], $0x4000  }
0x42: {  	p1 =	por p1, p1;
	[sflag:s15] =	ssyncset.done @!p0 $0x0  }
0x43: {  	s16 =	simm.s32 @p1 $0x2;
	[sflag:s15] =	ssyncadd.s32 @!p0 $0xFFFFC000  }
0x44: {  	_ =	swait.ge @p1 [sflag:s16], $0x4000  }
0x45: {  	s17 =	simm.s32 @p1 $0x6000;
	[sflag:s16] =	ssyncset.done @p1 $0x0  }
0x46: {  	s15 =	simm.s32 @p1 $0x0;
	[sflag:s16] =	ssyncadd.s32 @p1 $0xFFFFC000;
	s16 =	simm.s32 @p1 $0x3  }
0x47: {  	[hbm4b:s14+s15] =	stream.linear.scatter @p1 [tilespmem:s17], [sflag:$0x3], $0x4000, $0x38;
	[tilespmem:$0xA000] =	vst v63  }
0x48: {  	_ =	swait.ge @p1 [sflag:s16], $0x4000  }
0x49: {  	[sflag:s16] =	ssyncset.done @p1 $0x0  }
0x4a: {  	[sflag:s16] =	ssyncadd.s32 @p1 $0xFFFFC000  }
0x4b: {  	s13 =	sadd.s32 $0x1, s13;
	_ =	swait.ge [sflag:s11], $0x4000  }
0x4c: {  	p0 =	sne.s32 s13, s5;
	[sflag:s11] =	ssyncset.done $0x0  }
.Ltmp1:
0x4d: {  	[sflag:s11] =	ssyncadd.s32 $0xFFFFC000;
	(pc) =	sbr.rel @p0 .LBB2_1-.Ltmp1, $4  }
0x4e: {  	[hbm4b:s6+s2] =	stream.linear.scatter [tilespmem:s12], [sflag:$0x3], $0x4000, $0x38;
	[tilespmem:$0xA000] =	vst v63  }
0x4f: {  	_ =	swait.ge [sflag:s9], $0x4000  }
0x50: {  	[sflag:s9] =	ssyncset.done $0x0  }
0x51: {  	[sflag:s9] =	ssyncadd.s32 $0xFFFFC000  }
0x52: {  	_ =	sfence.sel $0x180000  }
0x53: {  	[bflag:$0x0] =	sbarrier.arrive $0xFFFF  }
0x54: {  	p0 =	sne.s32 s0, $0x0;
	_ =	strace $0x9000004A  }
0x55: {  	s0 =	sadd.s32 @!p0 $0x100000, s1;
	[bflag:$0x2] =	sbarrier.arrive $0xFFFF  }
0x56: {  	[sflag:s0] =	ssyncadd.tile.s32 @!p0 $0x1;
	_ =	shalt  }
.Lfunc_end2:
_tile_overlayer_lowered:
.L_overlay_start_2:
0x57: {  	(tag) =	ssettag $0x2  }
0x58: {  	s0 =	rddreg [dreg:$0x0];
	s2 =	stileid.u32  }
0x59: {  	s1 =	rddreg [dreg:$0x1];
	p0 =	sne.s32 s2, $0x0  }
0x5a: {  	s3 =	rddreg [dreg:$0x2];
	[bflag:$0x3] =	sbarrier.arrive $0xFFFF;
	s2 =	simm.s32 @!p0 $0x1C03  }
0x5b: {  	[timem:s3], [sflag:s2] =	dma.local @!p0 [hbm:s0], s1  }
0x5c: {  	s0 =	simm.s32 @!p0 $0x3  }
0x5d: {  	_ =	swait.ge @!p0 [sflag:s0], s1  }
0x5e: {  	s1 =	ssub.s32 @!p0 $0x0, s1;
	[sflag:s0] =	ssyncset.done @!p0 $0x0  }
0x5f: {  	[sflag:s0] =	ssyncadd.s32 @!p0 s1  }
0x60: {  	[bflag:$0x3] =	sbarrier.arrive $0xFFFF  }
0x61: {  	_ =	shalt  }

// kernel: kernel.28.cloned.1.call-start
scs
__scs_entry_jumppad:
0x0: {  	(pc) =	sbr.rel $0x88, $3  }
0x1: {  	(tag) =	ssettag $0x0;
	lr =	simm.s32 $0x1  }
0x2: {  	[smem:$0x3F7F] =	sst lr;
	_ =	strace $0xD0000000  }
0x3: {  	_ = 	snop  }
0x4: {  	_ = 	snop  }
0x5: {  	_ = 	snop  }
0x6: {  	_ = 	snop  }
0x7: {  	_ = 	snop  }
__scs_overlays_trampoline_lowered:
0x8: {  	[smem:$0x3F8E] =	sst s0  }
0x9: {  	[smem:$0x3F8F] =	sst s1  }
0xa: {  	[smem:$0x3F90] =	sst s2  }
0xb: {  	[smem:$0x3F91] =	sst s3  }
0xc: {  	[smem:$0x3F92] =	sst s4  }
0xd: {  	[smem:$0x3F93] =	sst s5  }
0xe: {  	[smem:$0x3F94] =	sst s6  }
0xf: {  	[smem:$0x3F95] =	sst s7  }
0x10: {  	[smem:$0x3F96] =	sst s8  }
0x11: {  	[smem:$0x3F97] =	sst s9;
	s0 =	simm.s32 @!p0 $0x0  }
0x12: {  	s1 =	sld [smem:$0x3F7D];
	s0 =	simm.s32 @p0 $0x1  }
0x13: {  	[smem:$0x3F98] =	sst s0;
	s0 =	simm.s32 @!p1 $0x0  }
0x14: {  	s2 =	sld [smem:$0x3F7C];
	s0 =	simm.s32 @p1 $0x1  }
0x15: {  	[smem:$0x3F99] =	sst s0;
	s0 =	simm.s32 @!p2 $0x0  }
0x16: {  	s3 =	sld [smem:$0x3FDB];
	s0 =	simm.s32 @p2 $0x1  }
0x17: {  	s4 =	simm.s32 $0x1BF5;
	[smem:$0x3F9B] =	sst s0  }
0x18: {  	s0 =	sld [smem:$0x3F7E];
	_ =	swait.ge [sflag:s4], $0x0  }
0x19: {  	s7 =	sld [smem:$0x3F7F]  }
0x1a: {  	s8 =	sadd.s32 $0xFFFFE003, lr  }
0x1b: {  	s9 =	sadd.s32 $0xFFFFFEF7, lr;
	s5 =	simm.s32 $0xFFFFFFFF;
	p2 =	slt.u32 s8, $0xFFFFF086  }
0x1c: {  	p1 =	slt.u32 s9, $0xF7A;
	s5 =	simm.s32 @!p2 $0x0  }
0x1d: {  	s5 =	simm.s32 @p1 $0x1;
	p0 =	seq.s32 s7, s2  }
0x1e: {  	s7 =	smul.u32 @!p0 $0xF7A, s2;
	p2 =	seq.s32 @!p0 s5, $0x0  }
0x1f: {  	s9 =	smul.u32 $0xF7A, s1;
	s8 =	simm.s32 @!p0 $0x1BF5;
	p2 =	por !p2, p0  }
0x20: {  	[sflag:s8] =	ssyncset.s32 @!p0 $0xFFFFF086;
	s6 =	sadd.s32 @!p0 s3, s7;
	s7 =	simm.s32 @!p0 $0x108  }
0x21: {  	s3 =	sadd.s32 s3, s9;
	s6 =	sadd.s32 @!p0 $0x88, s6;
	s7 =	simm.s32 @p2 $0x1082  }
0x22: {  	[simem:s7], [sflag:s8] =	dma.local @!p0 [hbm:s6], $0xF7A  }
0x23: {  	s9 =	sor.u32 $0xD0000000, s2;
	s6 =	simm.s32 $0x108;
	_ =	swait.ge @!p0 [sflag:s8], $0x0  }
0x24: {  	s3 =	sadd.s32 $0x88, s3;
	s6 =	simm.s32 @!p1 $0x1082;
	[sflag:s4] =	ssyncset.s32 $0xFFFFF086  }
0x25: {  	[simem:s6], [sflag:s4] =	dma.local [hbm:s3], $0xF7A  }
0x26: {  	[smem:$0x3F7F] =	sst s1;
	(tag) =	ssettag s2;
	_ =	strace s9  }
0x27: {  	s1 =	sld [smem:$0x3F8F]  }
0x28: {  	s2 =	sld [smem:$0x3F90]  }
0x29: {  	s4 =	sld [smem:$0x3F92]  }
0x2a: {  	p0 =	seq.s32 s5, $0x0;
	s5 =	sld [smem:$0x3F93]  }
0x2b: {  	s6 =	sld [smem:$0x3F94]  }
0x2c: {  	s7 =	sld [smem:$0x3F95]  }
0x2d: {  	s3 =	simm.s32 $0x108;
	s8 =	sld [smem:$0x3F96]  }
0x2e: {  	s3 =	simm.s32 @!p0 $0x1082;
	s9 =	sld [smem:$0x3F97]  }
0x2f: {  	lr =	sadd.s32 s0, s3;
	s0 =	sld [smem:$0x3F8E]  }
0x30: {  	s3 =	sld [smem:$0x3F91]  }
0x31: {  	[smem:$0x3F9A] =	sst s10  }
0x32: {  	s10 =	sld [smem:$0x3F98];
	_ =	sdelay $0x3  }
0x33: {  	p0 =	seq.s32 s10, $0x1;
	s10 =	sld [smem:$0x3F9A];
	_ =	sdelay $0x3  }
0x34: {  	[smem:$0x3F9A] =	sst s10  }
0x35: {  	s10 =	sld [smem:$0x3F99];
	_ =	sdelay $0x3  }
0x36: {  	p1 =	seq.s32 s10, $0x1;
	s10 =	sld [smem:$0x3F9A];
	_ =	sdelay $0x3  }
0x37: {  	[smem:$0x3F9A] =	sst s10  }
0x38: {  	s10 =	sld [smem:$0x3F9B]  }
0x39: {  	_ = 	snop;
	(pc) =	sbr.ind lr, $3  }
0x3a: {  	_ = 	snop  }
0x3b: {  	_ = 	snop  }
0x3c: {  	p2 =	seq.s32 s10, $0x1;
	s10 =	sld [smem:$0x3F9A]  }
0x3d: {  	_ =	shalt  }
0x3e: {  	_ =	shalt  }
0x3f: {  	_ =	shalt  }
0x40: {  	_ =	shalt  }
0x41: {  	_ =	shalt  }
0x42: {  	_ =	shalt  }
0x43: {  	_ =	shalt  }
0x44: {  	_ =	shalt  }
0x45: {  	_ =	shalt  }
0x46: {  	_ =	shalt  }
0x47: {  	_ =	shalt  }
0x48: {  	_ =	shalt  }
0x49: {  	_ =	shalt  }
0x4a: {  	_ =	shalt  }
0x4b: {  	_ =	shalt  }
0x4c: {  	_ =	shalt  }
0x4d: {  	_ =	shalt  }
0x4e: {  	_ =	shalt  }
0x4f: {  	_ =	shalt  }
0x50: {  	_ =	shalt  }
0x51: {  	_ =	shalt  }
0x52: {  	_ =	shalt  }
0x53: {  	_ =	shalt  }
0x54: {  	_ =	shalt  }
0x55: {  	_ =	shalt  }
0x56: {  	_ =	shalt  }
0x57: {  	_ =	shalt  }
0x58: {  	_ =	shalt  }
0x59: {  	_ =	shalt  }
0x5a: {  	_ =	shalt  }
0x5b: {  	_ =	shalt  }
0x5c: {  	_ =	shalt  }
0x5d: {  	_ =	shalt  }
0x5e: {  	_ =	shalt  }
0x5f: {  	_ =	shalt  }
0x60: {  	_ =	shalt  }
0x61: {  	_ =	shalt  }
0x62: {  	_ =	shalt  }
0x63: {  	_ =	shalt  }
0x64: {  	_ =	shalt  }
0x65: {  	_ =	shalt  }
0x66: {  	_ =	shalt  }
0x67: {  	_ =	shalt  }
0x68: {  	_ =	shalt  }
0x69: {  	_ =	shalt  }
0x6a: {  	_ =	shalt  }
0x6b: {  	_ =	shalt  }
0x6c: {  	_ =	shalt  }
0x6d: {  	_ =	shalt  }
0x6e: {  	_ =	shalt  }
0x6f: {  	_ =	shalt  }
0x70: {  	_ =	shalt  }
0x71: {  	_ =	shalt  }
0x72: {  	_ =	shalt  }
0x73: {  	_ =	shalt  }
0x74: {  	_ =	shalt  }
0x75: {  	_ =	shalt  }
0x76: {  	_ =	shalt  }
0x77: {  	_ =	shalt  }
0x78: {  	_ =	shalt  }
0x79: {  	_ =	shalt  }
0x7a: {  	_ =	shalt  }
0x7b: {  	_ =	shalt  }
0x7c: {  	_ =	shalt  }
0x7d: {  	_ =	shalt  }
0x7e: {  	_ =	shalt  }
0x7f: {  	_ =	shalt  }
0x80: {  	_ =	shalt  }
0x81: {  	_ =	shalt  }
0x82: {  	_ =	shalt  }
0x83: {  	_ =	shalt  }
0x84: {  	_ =	shalt  }
0x85: {  	_ =	shalt  }
0x86: {  	_ =	shalt  }
0x87: {  	_ =	shalt  }
.Lfunc_end0:
.L_simem_size_0:
called_computation.2_lowered:
.L_overlay_start_0:
0x88: {  	s2 =	sld [smem:$0x3FD9]  }
0x89: {  	s3 =	sld [smem:$0x3FFE];
	_ =	sdelay $0x1  }
0x8a: {  	s1 =	srdreg.scid  }
0x8b: {  	s0 =	sand.u32 $0x1, s1  }
0x8c: {  	s16 =	sshll.u32 s0, $0xA;
	s2 =	sadd.s32 s3, s2  }
0x8d: {  	s2 =	sadd.s32 s2, s16  }
0x8e: {  	[smem:$0x3FA6] =	sst s2  }
0x8f: {  	_ = 	snop  }
0x90: {  	(tm) =	ssettm $0x1  }
0x91: {  	s17 =	sld [smem:$0x3FFB];
	_ =	sdelay $0x3  }
0x92: {  	_ =	strace s17  }
0x93: {  	s2 =	sld [smem:$0x3FFC];
	_ =	sdelay $0x3  }
0x94: {  	_ =	strace s2  }
0x95: {  	s2 =	sld [smem:$0x3FFD];
	_ =	sdelay $0x3  }
0x96: {  	_ =	strace s2  }
0x97: {  	_ =	strace $0x8FFFFFFF  }
0x98: {  	s18 =	sld [smem:$0x3FDB];
	_ =	sdelay $0x1  }
0x99: {  	s19 =	simm.s32 $_scs_section_size  }
0x9a: {  	s4 =	simm.s32 $_size__tile_overlayer_lowered;
	s5 =	simm.s32 $_tile_overlayer_lowered  }
0x9b: {  	s22 =	simm.s32 $0x1BFF;
	s21 =	sshll.u32 s5, $0x1;
	s2 =	sadd.s32 s19, s18  }
0x9c: {  	s6 =	simm.s32 $0x0;
	s20 =	sshll.u32 s4, $0x1;
	s4 =	sadd.s32 s21, s2  }
0x9d: {  	[timem:s6], [sflag:s22] =	dma.local [hbm:s4], s20  }
0x9e: {  	_ =	swait.ge [sflag:s22], s20  }
0x9f: {  	s3 =	ssub.s32 $0x0, s20;
	[sflag:s22] =	ssyncset.done $0x0  }
0xa0: {  	[sflag:s22] =	ssyncadd.s32 s3;
	_ =	sdelay $0x1  }
0xa1: {  	s23 =	simm.s32 $0x1B8B  }
0xa2: {  	_ =	swait.ge [sflag:s23], $0x1  }
0xa3: {  	[sflag:s23] =	ssyncset.done $0x0  }
0xa4: {  	s25 =	simm.s32 $0x1B8E;
	s24 =	sld [smem:$0x3FFE];
	[sflag:s23] =	ssyncadd.s32 $0xFFFFFFFF  }
0xa5: {  	s26 =	simm.s32 $execute0_lowered;
	[smem:$0x3FD2] =	sst s25  }
0xa6: {  	s4 =	sshll.u32 s26, $0x1;
	_ =	strace $0x8000004C;
	[dreg:$0x1] =	wrdreg $0xFFFFFFFF  }
0xa7: {  	s28 =	simm.s32 $_size_execute0_lowered;
	s2 =	sadd.s32 s2, s4;
	[dreg:$0x0] =	wrdreg $0x0  }
0xa8: {  	s4 =	sshll.u32 s28, $0x1;
	[dreg:$0x2] =	wrdreg s2  }
0xa9: {  	[dreg:$0x3] =	wrdreg s4  }
0xaa: {  	[dreg:$0x4] =	wrdreg $0xC0  }
0xab: {  	_ =	task [dreg:s6], $0x5FFFF  }
0xac: {  	[dreg:$0x1] =	wrdreg $0xFFFFFFFF  }
0xad: {  	[dreg:$0x0] =	wrdreg $0x60  }
0xae: {  	[dreg:$0x2] =	wrdreg s24  }
0xaf: {  	[dreg:$0x3] =	wrdreg $0x9  }
0xb0: {  	_ =	task.clear_ibuf [dreg:s6], $0x4FFFF;
	_ =	strace $0x9000004C  }
0xb1: {  	s29 =	simm.s32 $0x9;
	_ =	strace $0x8000004E  }
0xb2: {  	_ =	swait.ge [sflag:s29], $0x1  }
0xb3: {  	[sflag:s29] =	ssyncadd.s32 $0xFFFFFFFF  }
0xb4: {  	_ =	strace $0x9000004E  }
0xb5: {  	_ =	sfence  }
0xb6: {  	s30 =	sld [smem:$0x0];
	_ =	sdelay $0x2  }
0xb7: {  	s31 =	sshll.u32 s1, $0xD;
	s1 =	sshrl.u32 s1, $0x2  }
0xb8: {  	s3 =	sand.u32 $0x4000, s31;
	s1 =	sadd.s32 s1, s30  }
0xb9: {  	s0 =	sor.u32 s3, s0;
	s1 =	sshll.u32 s1, $0x11  }
0xba: {  	s0 =	sor.u32 s1, s0  }
0xbb: {  	s0 =	sadd.s32 $0x8F2B, s0  }
0xbc: {  	[sflag:s0] =	ssyncadd.remote.s32 $0x1  }
0xbd: {  	_ =	sfence.sel $0xFFFF  }
0xbe: {  	[dreg:$0x0] =	wrdreg $0xFFFFFFFF;
	(pc) =	sbr.abs _section_cstart, $3  }
0xbf: {  	[dreg:$0x1] =	wrdreg $0xFFFFFFFF  }
0xc0: {  	_ =	task.clear_ibuf [dreg:s6], $0x2FFFF;
	_ =	strace $0x9FFFFFFF  }
0xc1: {  	(tm) =	ssettm $0x7FFFFFFF  }
tec
execute0_lowered:
.L_overlay_start_1:
0x0: {  	(tag) =	ssettag $0x1  }
0x1: {  	s1 =	srdreg.scid  }
0x2: {  	s0 =	stileid.u32;
	s3 =	rddreg [dreg:$0x0];
	s2 =	simm.s32 $0x0  }
0x3: {  	s12 =	simm.s32 $0x2000;
	s13 =	simm.s32 $0x4000;
	s14 =	simm.s32 $0x2  }
0x4: {  	s15 =	simm.s32 $0x8000;
	s8 =	sand.u32 $0x1, s1;
	s1 =	rddreg [dreg:$0x1]  }
0x5: {  	s16 =	simm.s32 $0x0;
	s4 =	sshll.u32 s0, $0x1;
	[smem:$0x7FF] =	sst s2  }
0x6: {  	s28 =	sshll.u32 s0, $0xB;
	s10 =	sadd.s32 $0x96200, s3;
	s11 =	sshll.u32 s0, $0x12  }
0x7: {  	s6 =	sor.u32 s8, s4;
	_ =	strace $0x8000004D;
	s7 =	ssub.s32 $0x2, s8  }
0x8: {  	s31 =	sadd.s32 s11, s10;
	s8 =	sshll.u32 s8, $0x11;
	s11 =	simm.s32 $0x3  }
0x9: {  	s5 =	sshll.u32 s6, $0x4;
	s29 =	sshll.u32 s6, $0xF;
	s9 =	sshrl.u32 s7, $0x1  }
0xa: {  	s6 =	sshll.u32 s6, $0x11;
	s8 =	sadd.s32 s8, s31;
	s4 =	sor.u32 s28, s5  }
0xb: {  	s5 =	sadd.s32 s29, s3;
	s7 =	ssub.s32 s7, s9;
	s30 =	sadd.s32 s10, s6  }
0xc: {  	s9 =	simm.s32 $0x80;
	s10 =	simm.s32 $0x400;
	s4 =	sand.u32 $0x6070, s4  }
0xd: {  	s5 =	sadd.s32 $0x496200, s5;
	s6 =	smax.u32 s7, $0x1;
	s4 =	sadd.s32 s4, s3  }
0xe: {  	v0 =	vlaneseq.u32;
	s7 =	sadd.s32 $0x1F800, s30;
	s3 =	sadd.s32 $0x6200, s4;
	s4 =	sadd.s32 $0xE200, s4  }
.LBB2_1:
0xf: {  	[tilespmem:s2], [sflag:$0x3] =	stream.strided.gather [hbm4b:s3+s9], $0x2000, s10, s9, $0x38;
	[tilespmem:$0xC000] =	vst v63  }
0x10: {  	_ =	swait.ge [sflag:s11], $0x2000  }
0x11: {  	[sflag:s11] =	ssyncset.done $0x0  }
0x12: {  	[sflag:s11] =	ssyncadd.s32 $0xFFFFE000  }
0x13: {  	s17 =	simm.s32 $0x10;
	s18 =	simm.s32 $0x0;
	s19 =	simm.s32 $0x0;
	v1 =	vld [tilespmem:s2+$0x0]  }
.LBB2_2:
0x14: {  	p0 =	sne.s32 s17, $0x1FF0;
	_ =	sdelay $0x3  }
.Ltmp0:
0x15: {  	(pc) =	sbr.rel @p0 .LBB2_2-.Ltmp0, $4  }
0x16: {  	v2 =	vor.u32 s18, v0;
	s18 =	smov.u32 s17  }
0x17: {  	v2 =	vand.u32 $0x7FF, v2  }
0x18: {  	s19 =	sadd.s32 $0x10, s19;
	[tilespmem:v1+s12+$0x0] =	vst.idx.msk $0xffff, v2  }
0x19: {  	s17 =	sadd.s32 $0x10, s17;
	v1 =	vld [tilespmem:s19+$0x0]  }
0x1a: {  	_ =	sdelay $0x5  }
0x1b: {  	v2 =	vor.u32 s18, v0  }
0x1c: {  	v2 =	vand.u32 $0x7FF, v2  }
0x1d: {  	[tilespmem:v1+s12+$0x0] =	vst.idx.msk $0xffff, v2  }
0x1e: {  	[hbm4b:s4+s9] =	stream.strided.scatter [tilespmem:s12], [sflag:$0x3], $0x2000, s10, s9, $0x38;
	[tilespmem:$0xC000] =	vst v63  }
0x1f: {  	s17 =	simm.s32 $0x0;
	_ =	swait.ge [sflag:s11], $0x2000  }
0x20: {  	s18 =	simm.s32 $0x2080;
	s17 =	sand.u32 $0x1, s17;
	[sflag:s11] =	ssyncset.done $0x0  }
0x21: {  	p0 =	seq.s32 s17, $0x1;
	p1 =	seq.s32 s17, $0x0;
	[sflag:s11] =	ssyncadd.s32 $0xFFFFE000  }
0x22: {  	[tilespmem:s13], [sflag:$0x1] =	stream.indirect.gather [hbm4b:s5+s9], $0x80, s12, s9, $0xb8;
	[tilespmem:$0xC000] =	vst v63  }
0x23: {  	p2 =	sne.s32 s17, $0x0;
	s19 =	simm.s32 @!p0 $0x80;
	s20 =	simm.s32 @!p0 $0x8000  }
0x24: {  	[tilespmem:s20], [sflag:$0x2] =	stream.indirect.gather @!p0 [hbm4b:s5+s19], $0x80, s18, s19, $0xb8;
	[tilespmem:$0xC000] =	vst v63  }
0x25: {  	s17 =	simm.s32 @!p2 $0x1;
	s19 =	simm.s32 @!p1 $0x80;
	s20 =	simm.s32 @!p1 $0x4000  }
0x26: {  	[tilespmem:s20], [sflag:$0x1] =	stream.indirect.gather @!p1 [hbm4b:s5+s19], $0x80, s18, s19, $0xb8;
	[tilespmem:$0xC000] =	vst v63  }
0x27: {  	_ =	swait.ge @!p2 [sflag:s17], $0x4000  }
0x28: {  	s18 =	simm.s32 @!p2 $0x0;
	[sflag:s17] =	ssyncset.done @!p2 $0x0  }
0x29: {  	s19 =	simm.s32 @!p2 $0x4000;
	[sflag:s17] =	ssyncadd.s32 @!p2 $0xFFFFC000;
	s17 =	simm.s32 @!p2 $0x4  }
0x2a: {  	[hbm4b:s8+s18] =	stream.linear.scatter @!p2 [tilespmem:s19], [sflag:$0x4], $0x4000, $0x38;
	[tilespmem:$0xC000] =	vst v63  }
0x2b: {  	_ =	swait.ge @!p2 [sflag:s17], $0x4000  }
0x2c: {  	p0 =	por p0, p0;
	[sflag:s17] =	ssyncset.done @!p2 $0x0  }
0x2d: {  	s18 =	simm.s32 @p0 $0x2;
	[sflag:s17] =	ssyncadd.s32 @!p2 $0xFFFFC000  }
0x2e: {  	s31 =	simm.s32 $0x1;
	s21 =	simm.s32 @p0 $0x3;
	_ =	swait.ge @p0 [sflag:s18], $0x4000  }
0x2f: {  	s20 =	simm.s32 @p0 $0x8000;
	s19 =	simm.s32 @p0 $0x0;
	[sflag:s18] =	ssyncset.done @p0 $0x0  }
0x30: {  	s17 =	sadd.s32 $0x800, s8;
	[sflag:s18] =	ssyncadd.s32 @p0 $0xFFFFC000;
	s18 =	simm.s32 $0x2100  }
0x31: {  	[hbm4b:s8+s19] =	stream.linear.scatter @p0 [tilespmem:s20], [sflag:$0x3], $0x4000, $0x38;
	[tilespmem:$0xC000] =	vst v63  }
0x32: {  	s19 =	simm.s32 $0x2;
	s20 =	sand.u32 $0x1, s31;
	_ =	swait.ge @p0 [sflag:s21], $0x4000  }
.LBB2_4:
0x33: {  	p3 =	seq.s32 s20, $0x1;
	p1 =	seq.s32 s20, $0x0;
	[sflag:s21] =	ssyncset.done @p0 $0x0  }
0x34: {  	s22 =	simm.s32 @!p3 $0x80;
	s23 =	simm.s32 @!p3 $0x8000;
	[sflag:s21] =	ssyncadd.s32 @p0 $0xFFFFC000  }
0x35: {  	[tilespmem:s23], [sflag:$0x2] =	stream.indirect.gather @!p3 [hbm4b:s5+s22], $0x80, s18, s22, $0xb8;
	[tilespmem:$0xC000] =	vst v63  }
0x36: {  	p2 =	sne.s32 s20, $0x0;
	s21 =	simm.s32 @!p1 $0x80;
	s22 =	simm.s32 @!p1 $0x4000  }
0x37: {  	[tilespmem:s22], [sflag:$0x1] =	stream.indirect.gather @!p1 [hbm4b:s5+s21], $0x80, s18, s21, $0xb8;
	[tilespmem:$0xC000] =	vst v63  }
0x38: {  	s20 =	simm.s32 @!p2 $0x1;
	s22 =	smov.u32 s19;
	s19 =	sadd.s32 $0x1, s19  }
0x39: {  	p0 =	por p3, p3;
	p1 =	sne.s32 s19, $0x3F;
	_ =	swait.ge @!p2 [sflag:s20], $0x4000  }
0x3a: {  	s23 =	simm.s32 @!p2 $0x4000;
	s21 =	simm.s32 @!p2 $0x0;
	[sflag:s20] =	ssyncset.done @!p2 $0x0  }
0x3b: {  	[sflag:s20] =	ssyncadd.s32 @!p2 $0xFFFFC000;
	s20 =	simm.s32 @!p2 $0x4  }
0x3c: {  	[hbm4b:s17+s21] =	stream.linear.scatter @!p2 [tilespmem:s23], [sflag:$0x4], $0x4000, $0x38;
	[tilespmem:$0xC000] =	vst v63  }
0x3d: {  	_ =	swait.ge @!p2 [sflag:s20], $0x4000  }
0x3e: {  	s21 =	simm.s32 @p0 $0x2;
	[sflag:s20] =	ssyncset.done @!p2 $0x0  }
0x3f: {  	[sflag:s20] =	ssyncadd.s32 @!p2 $0xFFFFC000  }
.Ltmp1:
0x40: {  	_ =	swait.ge @p0 [sflag:s21], $0x4000;
	(pc) =	sbr.rel @p1 .LBB2_4-.Ltmp1, $4  }
0x41: {  	s23 =	simm.s32 @p0 $0x8000;
	s20 =	simm.s32 @p0 $0x0;
	[sflag:s21] =	ssyncset.done @p0 $0x0  }
0x42: {  	s18 =	sadd.s32 $0x80, s18;
	[sflag:s21] =	ssyncadd.s32 @p0 $0xFFFFC000;
	s21 =	simm.s32 @p0 $0x3  }
0x43: {  	[hbm4b:s17+s20] =	stream.linear.scatter @p0 [tilespmem:s23], [sflag:$0x3], $0x4000, $0x38;
	[tilespmem:$0xC000] =	vst v63  }
0x44: {  	s20 =	sand.u32 $0x1, s22;
	s17 =	sadd.s32 $0x800, s17;
	_ =	swait.ge @p0 [sflag:s21], $0x4000  }
0x45: {  	p1 =	seq.s32 s20, $0x1;
	p2 =	seq.s32 s20, $0x0;
	[sflag:s21] =	ssyncset.done @p0 $0x0  }
0x46: {  	s19 =	simm.s32 @!p1 $0x80;
	s22 =	simm.s32 @!p1 $0x8000;
	[sflag:s21] =	ssyncadd.s32 @p0 $0xFFFFC000  }
0x47: {  	[tilespmem:s22], [sflag:$0x2] =	stream.indirect.gather @!p1 [hbm4b:s5+s19], $0x80, s18, s19, $0xb8;
	[tilespmem:$0xC000] =	vst v63  }
0x48: {  	s21 =	simm.s32 @!p2 $0x4000;
	p0 =	sne.s32 s20, $0x0;
	s19 =	simm.s32 @!p2 $0x80  }
0x49: {  	[tilespmem:s21], [sflag:$0x1] =	stream.indirect.gather @!p2 [hbm4b:s5+s19], $0x80, s18, s19, $0xb8;
	[tilespmem:$0xC000] =	vst v63  }
0x4a: {  	s18 =	simm.s32 @!p0 $0x1  }
0x4b: {  	_ =	swait.ge @!p0 [sflag:s18], $0x4000  }
0x4c: {  	s20 =	simm.s32 @!p0 $0x4000;
	[sflag:s18] =	ssyncset.done @!p0 $0x0  }
0x4d: {  	s19 =	simm.s32 @!p0 $0x0;
	[sflag:s18] =	ssyncadd.s32 @!p0 $0xFFFFC000;
	s18 =	simm.s32 @!p0 $0x4  }
0x4e: {  	[hbm4b:s17+s19] =	stream.linear.scatter @!p0 [tilespmem:s20], [sflag:$0x4], $0x4000, $0x38;
	[tilespmem:$0xC000] =	vst v63  }
0x4f: {  	_ =	swait.ge @!p0 [sflag:s18], $0x4000  }
0x50: {  	p1 =	por p1, p1;
	[sflag:s18] =	ssyncset.done @!p0 $0x0  }
0x51: {  	s19 =	simm.s32 @p1 $0x2;
	[sflag:s18] =	ssyncadd.s32 @!p0 $0xFFFFC000  }
0x52: {  	_ =	swait.ge @p1 [sflag:s19], $0x4000  }
0x53: {  	s20 =	simm.s32 @p1 $0x8000;
	[sflag:s19] =	ssyncset.done @p1 $0x0  }
0x54: {  	s18 =	simm.s32 @p1 $0x0;
	[sflag:s19] =	ssyncadd.s32 @p1 $0xFFFFC000;
	s19 =	simm.s32 @p1 $0x3  }
0x55: {  	[hbm4b:s17+s18] =	stream.linear.scatter @p1 [tilespmem:s20], [sflag:$0x3], $0x4000, $0x38;
	[tilespmem:$0xC000] =	vst v63  }
0x56: {  	_ =	swait.ge @p1 [sflag:s19], $0x4000  }
0x57: {  	[sflag:s19] =	ssyncset.done @p1 $0x0  }
0x58: {  	[sflag:s19] =	ssyncadd.s32 @p1 $0xFFFFC000  }
0x59: {  	s16 =	sadd.s32 $0x1, s16;
	_ =	swait.ge [sflag:s14], $0x4000  }
0x5a: {  	p0 =	sne.s32 s16, s6;
	[sflag:s14] =	ssyncset.done $0x0  }
.Ltmp2:
0x5b: {  	[sflag:s14] =	ssyncadd.s32 $0xFFFFC000;
	(pc) =	sbr.rel @p0 .LBB2_1-.Ltmp2, $4  }
0x5c: {  	[hbm4b:s7+s2] =	stream.linear.scatter [tilespmem:s15], [sflag:$0x3], $0x4000, $0x38;
	[tilespmem:$0xC000] =	vst v63  }
0x5d: {  	_ =	swait.ge [sflag:s11], $0x4000  }
0x5e: {  	[sflag:s11] =	ssyncset.done $0x0  }
0x5f: {  	[sflag:s11] =	ssyncadd.s32 $0xFFFFC000  }
0x60: {  	_ =	sfence.sel $0x180000  }
0x61: {  	[bflag:$0x0] =	sbarrier.arrive $0xFFFF  }
0x62: {  	p0 =	sne.s32 s0, $0x0;
	_ =	strace $0x9000004D  }
0x63: {  	s0 =	sadd.s32 @!p0 $0x100000, s1;
	[bflag:$0x2] =	sbarrier.arrive $0xFFFF  }
0x64: {  	[sflag:s0] =	ssyncadd.tile.s32 @!p0 $0x1;
	_ =	shalt  }
.Lfunc_end2:
_tile_overlayer_lowered:
.L_overlay_start_2:
0x65: {  	(tag) =	ssettag $0x2  }
0x66: {  	s0 =	rddreg [dreg:$0x0];
	s2 =	stileid.u32  }
0x67: {  	s1 =	rddreg [dreg:$0x1];
	p0 =	sne.s32 s2, $0x0  }
0x68: {  	s3 =	rddreg [dreg:$0x2];
	[bflag:$0x3] =	sbarrier.arrive $0xFFFF;
	s2 =	simm.s32 @!p0 $0x1C03  }
0x69: {  	[timem:s3], [sflag:s2] =	dma.local @!p0 [hbm:s0], s1  }
0x6a: {  	s0 =	simm.s32 @!p0 $0x3  }
0x6b: {  	_ =	swait.ge @!p0 [sflag:s0], s1  }
0x6c: {  	s1 =	ssub.s32 @!p0 $0x0, s1;
	[sflag:s0] =	ssyncset.done @!p0 $0x0  }
0x6d: {  	[sflag:s0] =	ssyncadd.s32 @!p0 s1  }
0x6e: {  	[bflag:$0x3] =	sbarrier.arrive $0xFFFF  }
0x6f: {  	_ =	shalt  }

// kernel: kernel.31.cloned.1.call-start
scs
__scs_entry_jumppad:
0x0: {  	(pc) =	sbr.rel $0x88, $3  }
0x1: {  	(tag) =	ssettag $0x0;
	lr =	simm.s32 $0x1  }
0x2: {  	[smem:$0x3F7F] =	sst lr;
	_ =	strace $0xD0000000  }
0x3: {  	_ = 	snop  }
0x4: {  	_ = 	snop  }
0x5: {  	_ = 	snop  }
0x6: {  	_ = 	snop  }
0x7: {  	_ = 	snop  }
__scs_overlays_trampoline_lowered:
0x8: {  	[smem:$0x3F8E] =	sst s0  }
0x9: {  	[smem:$0x3F8F] =	sst s1  }
0xa: {  	[smem:$0x3F90] =	sst s2  }
0xb: {  	[smem:$0x3F91] =	sst s3  }
0xc: {  	[smem:$0x3F92] =	sst s4  }
0xd: {  	[smem:$0x3F93] =	sst s5  }
0xe: {  	[smem:$0x3F94] =	sst s6  }
0xf: {  	[smem:$0x3F95] =	sst s7  }
0x10: {  	[smem:$0x3F96] =	sst s8  }
0x11: {  	[smem:$0x3F97] =	sst s9;
	s0 =	simm.s32 @!p0 $0x0  }
0x12: {  	s1 =	sld [smem:$0x3F7D];
	s0 =	simm.s32 @p0 $0x1  }
0x13: {  	[smem:$0x3F98] =	sst s0;
	s0 =	simm.s32 @!p1 $0x0  }
0x14: {  	s2 =	sld [smem:$0x3F7C];
	s0 =	simm.s32 @p1 $0x1  }
0x15: {  	[smem:$0x3F99] =	sst s0;
	s0 =	simm.s32 @!p2 $0x0  }
0x16: {  	s3 =	sld [smem:$0x3FDB];
	s0 =	simm.s32 @p2 $0x1  }
0x17: {  	s4 =	simm.s32 $0x1BF5;
	[smem:$0x3F9B] =	sst s0  }
0x18: {  	s0 =	sld [smem:$0x3F7E];
	_ =	swait.ge [sflag:s4], $0x0  }
0x19: {  	s7 =	sld [smem:$0x3F7F]  }
0x1a: {  	s8 =	sadd.s32 $0xFFFFE003, lr  }
0x1b: {  	s9 =	sadd.s32 $0xFFFFFEF7, lr;
	s5 =	simm.s32 $0xFFFFFFFF;
	p2 =	slt.u32 s8, $0xFFFFF086  }
0x1c: {  	p1 =	slt.u32 s9, $0xF7A;
	s5 =	simm.s32 @!p2 $0x0  }
0x1d: {  	s5 =	simm.s32 @p1 $0x1;
	p0 =	seq.s32 s7, s2  }
0x1e: {  	s7 =	smul.u32 @!p0 $0xF7A, s2;
	p2 =	seq.s32 @!p0 s5, $0x0  }
0x1f: {  	s9 =	smul.u32 $0xF7A, s1;
	s8 =	simm.s32 @!p0 $0x1BF5;
	p2 =	por !p2, p0  }
0x20: {  	[sflag:s8] =	ssyncset.s32 @!p0 $0xFFFFF086;
	s6 =	sadd.s32 @!p0 s3, s7;
	s7 =	simm.s32 @!p0 $0x108  }
0x21: {  	s3 =	sadd.s32 s3, s9;
	s6 =	sadd.s32 @!p0 $0x88, s6;
	s7 =	simm.s32 @p2 $0x1082  }
0x22: {  	[simem:s7], [sflag:s8] =	dma.local @!p0 [hbm:s6], $0xF7A  }
0x23: {  	s9 =	sor.u32 $0xD0000000, s2;
	s6 =	simm.s32 $0x108;
	_ =	swait.ge @!p0 [sflag:s8], $0x0  }
0x24: {  	s3 =	sadd.s32 $0x88, s3;
	s6 =	simm.s32 @!p1 $0x1082;
	[sflag:s4] =	ssyncset.s32 $0xFFFFF086  }
0x25: {  	[simem:s6], [sflag:s4] =	dma.local [hbm:s3], $0xF7A  }
0x26: {  	[smem:$0x3F7F] =	sst s1;
	(tag) =	ssettag s2;
	_ =	strace s9  }
0x27: {  	s1 =	sld [smem:$0x3F8F]  }
0x28: {  	s2 =	sld [smem:$0x3F90]  }
0x29: {  	s4 =	sld [smem:$0x3F92]  }
0x2a: {  	p0 =	seq.s32 s5, $0x0;
	s5 =	sld [smem:$0x3F93]  }
0x2b: {  	s6 =	sld [smem:$0x3F94]  }
0x2c: {  	s7 =	sld [smem:$0x3F95]  }
0x2d: {  	s3 =	simm.s32 $0x108;
	s8 =	sld [smem:$0x3F96]  }
0x2e: {  	s3 =	simm.s32 @!p0 $0x1082;
	s9 =	sld [smem:$0x3F97]  }
0x2f: {  	lr =	sadd.s32 s0, s3;
	s0 =	sld [smem:$0x3F8E]  }
0x30: {  	s3 =	sld [smem:$0x3F91]  }
0x31: {  	[smem:$0x3F9A] =	sst s10  }
0x32: {  	s10 =	sld [smem:$0x3F98];
	_ =	sdelay $0x3  }
0x33: {  	p0 =	seq.s32 s10, $0x1;
	s10 =	sld [smem:$0x3F9A];
	_ =	sdelay $0x3  }
0x34: {  	[smem:$0x3F9A] =	sst s10  }
0x35: {  	s10 =	sld [smem:$0x3F99];
	_ =	sdelay $0x3  }
0x36: {  	p1 =	seq.s32 s10, $0x1;
	s10 =	sld [smem:$0x3F9A];
	_ =	sdelay $0x3  }
0x37: {  	[smem:$0x3F9A] =	sst s10  }
0x38: {  	s10 =	sld [smem:$0x3F9B]  }
0x39: {  	_ = 	snop;
	(pc) =	sbr.ind lr, $3  }
0x3a: {  	_ = 	snop  }
0x3b: {  	_ = 	snop  }
0x3c: {  	p2 =	seq.s32 s10, $0x1;
	s10 =	sld [smem:$0x3F9A]  }
0x3d: {  	_ =	shalt  }
0x3e: {  	_ =	shalt  }
0x3f: {  	_ =	shalt  }
0x40: {  	_ =	shalt  }
0x41: {  	_ =	shalt  }
0x42: {  	_ =	shalt  }
0x43: {  	_ =	shalt  }
0x44: {  	_ =	shalt  }
0x45: {  	_ =	shalt  }
0x46: {  	_ =	shalt  }
0x47: {  	_ =	shalt  }
0x48: {  	_ =	shalt  }
0x49: {  	_ =	shalt  }
0x4a: {  	_ =	shalt  }
0x4b: {  	_ =	shalt  }
0x4c: {  	_ =	shalt  }
0x4d: {  	_ =	shalt  }
0x4e: {  	_ =	shalt  }
0x4f: {  	_ =	shalt  }
0x50: {  	_ =	shalt  }
0x51: {  	_ =	shalt  }
0x52: {  	_ =	shalt  }
0x53: {  	_ =	shalt  }
0x54: {  	_ =	shalt  }
0x55: {  	_ =	shalt  }
0x56: {  	_ =	shalt  }
0x57: {  	_ =	shalt  }
0x58: {  	_ =	shalt  }
0x59: {  	_ =	shalt  }
0x5a: {  	_ =	shalt  }
0x5b: {  	_ =	shalt  }
0x5c: {  	_ =	shalt  }
0x5d: {  	_ =	shalt  }
0x5e: {  	_ =	shalt  }
0x5f: {  	_ =	shalt  }
0x60: {  	_ =	shalt  }
0x61: {  	_ =	shalt  }
0x62: {  	_ =	shalt  }
0x63: {  	_ =	shalt  }
0x64: {  	_ =	shalt  }
0x65: {  	_ =	shalt  }
0x66: {  	_ =	shalt  }
0x67: {  	_ =	shalt  }
0x68: {  	_ =	shalt  }
0x69: {  	_ =	shalt  }
0x6a: {  	_ =	shalt  }
0x6b: {  	_ =	shalt  }
0x6c: {  	_ =	shalt  }
0x6d: {  	_ =	shalt  }
0x6e: {  	_ =	shalt  }
0x6f: {  	_ =	shalt  }
0x70: {  	_ =	shalt  }
0x71: {  	_ =	shalt  }
0x72: {  	_ =	shalt  }
0x73: {  	_ =	shalt  }
0x74: {  	_ =	shalt  }
0x75: {  	_ =	shalt  }
0x76: {  	_ =	shalt  }
0x77: {  	_ =	shalt  }
0x78: {  	_ =	shalt  }
0x79: {  	_ =	shalt  }
0x7a: {  	_ =	shalt  }
0x7b: {  	_ =	shalt  }
0x7c: {  	_ =	shalt  }
0x7d: {  	_ =	shalt  }
0x7e: {  	_ =	shalt  }
0x7f: {  	_ =	shalt  }
0x80: {  	_ =	shalt  }
0x81: {  	_ =	shalt  }
0x82: {  	_ =	shalt  }
0x83: {  	_ =	shalt  }
0x84: {  	_ =	shalt  }
0x85: {  	_ =	shalt  }
0x86: {  	_ =	shalt  }
0x87: {  	_ =	shalt  }
.Lfunc_end0:
.L_simem_size_0:
called_computation.3_lowered:
.L_overlay_start_0:
0x88: {  	s2 =	sld [smem:$0x3FD9]  }
0x89: {  	s3 =	sld [smem:$0x3FFE];
	_ =	sdelay $0x1  }
0x8a: {  	s1 =	srdreg.scid  }
0x8b: {  	s0 =	sand.u32 $0x1, s1  }
0x8c: {  	s16 =	sshll.u32 s0, $0xA;
	s2 =	sadd.s32 s3, s2  }
0x8d: {  	s2 =	sadd.s32 s2, s16  }
0x8e: {  	[smem:$0x3FA6] =	sst s2  }
0x8f: {  	_ = 	snop  }
0x90: {  	(tm) =	ssettm $0x1  }
0x91: {  	s17 =	sld [smem:$0x3FFB];
	_ =	sdelay $0x3  }
0x92: {  	_ =	strace s17  }
0x93: {  	s2 =	sld [smem:$0x3FFC];
	_ =	sdelay $0x3  }
0x94: {  	_ =	strace s2  }
0x95: {  	s2 =	sld [smem:$0x3FFD];
	_ =	sdelay $0x3  }
0x96: {  	_ =	strace s2  }
0x97: {  	_ =	strace $0x8FFFFFFF  }
0x98: {  	s18 =	sld [smem:$0x3FDB];
	_ =	sdelay $0x1  }
0x99: {  	s19 =	simm.s32 $_scs_section_size  }
0x9a: {  	s4 =	simm.s32 $_size__tile_overlayer_lowered;
	s5 =	simm.s32 $_tile_overlayer_lowered  }
0x9b: {  	s22 =	simm.s32 $0x1BFF;
	s21 =	sshll.u32 s5, $0x1;
	s2 =	sadd.s32 s19, s18  }
0x9c: {  	s6 =	simm.s32 $0x0;
	s20 =	sshll.u32 s4, $0x1;
	s4 =	sadd.s32 s21, s2  }
0x9d: {  	[timem:s6], [sflag:s22] =	dma.local [hbm:s4], s20  }
0x9e: {  	_ =	swait.ge [sflag:s22], s20  }
0x9f: {  	s3 =	ssub.s32 $0x0, s20;
	[sflag:s22] =	ssyncset.done $0x0  }
0xa0: {  	[sflag:s22] =	ssyncadd.s32 s3;
	_ =	sdelay $0x1  }
0xa1: {  	s23 =	simm.s32 $0x1B8B  }
0xa2: {  	_ =	swait.ge [sflag:s23], $0x1  }
0xa3: {  	[sflag:s23] =	ssyncset.done $0x0  }
0xa4: {  	s25 =	simm.s32 $0x1B8E;
	s24 =	sld [smem:$0x3FFE];
	[sflag:s23] =	ssyncadd.s32 $0xFFFFFFFF  }
0xa5: {  	s26 =	simm.s32 $execute0_lowered;
	[smem:$0x3FD2] =	sst s25  }
0xa6: {  	s4 =	sshll.u32 s26, $0x1;
	_ =	strace $0x8000004F;
	[dreg:$0x1] =	wrdreg $0xFFFFFFFF  }
0xa7: {  	s28 =	simm.s32 $_size_execute0_lowered;
	s2 =	sadd.s32 s2, s4;
	[dreg:$0x0] =	wrdreg $0x0  }
0xa8: {  	s4 =	sshll.u32 s28, $0x1;
	[dreg:$0x2] =	wrdreg s2  }
0xa9: {  	[dreg:$0x3] =	wrdreg s4  }
0xaa: {  	[dreg:$0x4] =	wrdreg $0xC0  }
0xab: {  	_ =	task [dreg:s6], $0x5FFFF  }
0xac: {  	[dreg:$0x1] =	wrdreg $0xFFFFFFFF  }
0xad: {  	[dreg:$0x0] =	wrdreg $0x60  }
0xae: {  	[dreg:$0x2] =	wrdreg s24  }
0xaf: {  	[dreg:$0x3] =	wrdreg $0x9  }
0xb0: {  	_ =	task.clear_ibuf [dreg:s6], $0x4FFFF;
	_ =	strace $0x9000004F  }
0xb1: {  	s29 =	simm.s32 $0x9;
	_ =	strace $0x80000051  }
0xb2: {  	_ =	swait.ge [sflag:s29], $0x1  }
0xb3: {  	[sflag:s29] =	ssyncadd.s32 $0xFFFFFFFF  }
0xb4: {  	_ =	strace $0x90000051  }
0xb5: {  	_ =	sfence  }
0xb6: {  	s30 =	sld [smem:$0x0];
	_ =	sdelay $0x2  }
0xb7: {  	s31 =	sshll.u32 s1, $0xD;
	s1 =	sshrl.u32 s1, $0x2  }
0xb8: {  	s3 =	sand.u32 $0x4000, s31;
	s1 =	sadd.s32 s1, s30  }
0xb9: {  	s0 =	sor.u32 s3, s0;
	s1 =	sshll.u32 s1, $0x11  }
0xba: {  	s0 =	sor.u32 s1, s0  }
0xbb: {  	s0 =	sadd.s32 $0x8F2B, s0  }
0xbc: {  	[sflag:s0] =	ssyncadd.remote.s32 $0x1  }
0xbd: {  	_ =	sfence.sel $0xFFFF  }
0xbe: {  	[dreg:$0x0] =	wrdreg $0xFFFFFFFF;
	(pc) =	sbr.abs _section_cstart, $3  }
0xbf: {  	[dreg:$0x1] =	wrdreg $0xFFFFFFFF  }
0xc0: {  	_ =	task.clear_ibuf [dreg:s6], $0x2FFFF;
	_ =	strace $0x9FFFFFFF  }
0xc1: {  	(tm) =	ssettm $0x7FFFFFFF  }
tec
execute0_lowered:
.L_overlay_start_1:
0x0: {  	(tag) =	ssettag $0x1  }
0x1: {  	s1 =	srdreg.scid;
	s0 =	stileid.u32  }
0x2: {  	s3 =	rddreg [dreg:$0x0];
	s2 =	simm.s32 $0x0;
	s11 =	simm.s32 $0x2  }
0x3: {  	s12 =	simm.s32 $0x6000;
	s4 =	sand.u32 $0x1, s1;
	s1 =	rddreg [dreg:$0x1]  }
0x4: {  	s13 =	simm.s32 $0x0;
	s5 =	sshll.u32 s0, $0x1;
	[smem:$0x7FF] =	sst s2  }
0x5: {  	s7 =	sshll.u32 s0, $0xB;
	s10 =	sadd.s32 $0x96200, s3;
	s30 =	sshll.u32 s0, $0x15  }
0x6: {  	s5 =	sor.u32 s4, s5;
	_ =	strace $0x80000050;
	s7 =	sand.u32 $0x6000, s7  }
0x7: {  	s9 =	ssub.s32 $0x2, s4;
	s4 =	sshll.u32 s4, $0x14;
	s6 =	sshll.u32 s5, $0x11  }
0x8: {  	s7 =	sadd.s32 s7, s3;
	s5 =	sshll.u32 s5, $0x4;
	s29 =	sshrl.u32 s9, $0x1  }
0x9: {  	s31 =	sor.u32 s4, s30;
	s8 =	sadd.s32 s6, s3;
	s5 =	sand.u32 $0x70, s5  }
0xa: {  	s9 =	ssub.s32 s9, s29;
	s6 =	sadd.s32 s6, s10;
	s5 =	sadd.s32 s5, s7  }
0xb: {  	s4 =	sadd.s32 $0x896200, s8;
	s7 =	sshrl.u32 s31, $0x3;
	s6 =	sadd.s32 $0x1F800, s6  }
0xc: {  	s8 =	simm.s32 $0x400;
	s3 =	sadd.s32 $0x6200, s5;
	s5 =	smax.u32 s9, $0x1  }
0xd: {  	s7 =	sadd.s32 s7, s10;
	s9 =	simm.s32 $0x3;
	s10 =	simm.s32 $0x2000  }
.LBB2_1:
0xe: {  	s14 =	simm.s32 $0x80  }
0xf: {  	[tilespmem:s2], [sflag:$0x3] =	stream.strided.gather [hbm4b:s3+s14], $0x2000, s8, s14, $0x38;
	[tilespmem:$0xA000] =	vst v63  }
0x10: {  	_ =	swait.ge [sflag:s9], $0x2000  }
0x11: {  	s15 =	sand.u32 $0x1, s2;
	[sflag:s9] =	ssyncset.done $0x0  }
0x12: {  	p0 =	seq.s32 s15, $0x1;
	[sflag:s9] =	ssyncadd.s32 $0xFFFFE000  }
0x13: {  	[tilespmem:s10], [sflag:$0x1] =	stream.indirect.gather [hbm4b:s4+s14], $0x80, s2, s14, $0xb8;
	[tilespmem:$0xA000] =	vst v63  }
0x14: {  	p1 =	seq.s32 s15, $0x0;
	s16 =	simm.s32 @!p0 $0x80;
	s17 =	simm.s32 @!p0 $0x6000  }
0x15: {  	[tilespmem:s17], [sflag:$0x2] =	stream.indirect.gather @!p0 [hbm4b:s4+s16], $0x80, s14, s16, $0xb8;
	[tilespmem:$0xA000] =	vst v63  }
0x16: {  	p2 =	sne.s32 s15, $0x0;
	s16 =	simm.s32 @!p1 $0x80;
	s17 =	simm.s32 @!p1 $0x2000  }
0x17: {  	[tilespmem:s17], [sflag:$0x1] =	stream.indirect.gather @!p1 [hbm4b:s4+s16], $0x80, s14, s16, $0xb8;
	[tilespmem:$0xA000] =	vst v63  }
0x18: {  	s14 =	simm.s32 @!p2 $0x1  }
0x19: {  	_ =	swait.ge @!p2 [sflag:s14], $0x4000  }
0x1a: {  	s15 =	simm.s32 @!p2 $0x0;
	[sflag:s14] =	ssyncset.done @!p2 $0x0  }
0x1b: {  	s16 =	simm.s32 @!p2 $0x2000;
	[sflag:s14] =	ssyncadd.s32 @!p2 $0xFFFFC000;
	s14 =	simm.s32 @!p2 $0x4  }
0x1c: {  	[hbm4b:s7+s15] =	stream.linear.scatter @!p2 [tilespmem:s16], [sflag:$0x4], $0x4000, $0x38;
	[tilespmem:$0xA000] =	vst v63  }
0x1d: {  	_ =	swait.ge @!p2 [sflag:s14], $0x4000  }
0x1e: {  	p0 =	por p0, p0;
	[sflag:s14] =	ssyncset.done @!p2 $0x0  }
0x1f: {  	s15 =	simm.s32 @p0 $0x2;
	[sflag:s14] =	ssyncadd.s32 @!p2 $0xFFFFC000  }
0x20: {  	s31 =	simm.s32 $0x1;
	s18 =	simm.s32 @p0 $0x3;
	_ =	swait.ge @p0 [sflag:s15], $0x4000  }
0x21: {  	s17 =	simm.s32 @p0 $0x6000;
	s16 =	simm.s32 @p0 $0x0;
	[sflag:s15] =	ssyncset.done @p0 $0x0  }
0x22: {  	s14 =	sadd.s32 $0x800, s7;
	[sflag:s15] =	ssyncadd.s32 @p0 $0xFFFFC000;
	s15 =	simm.s32 $0x100  }
0x23: {  	[hbm4b:s7+s16] =	stream.linear.scatter @p0 [tilespmem:s17], [sflag:$0x3], $0x4000, $0x38;
	[tilespmem:$0xA000] =	vst v63  }
0x24: {  	s16 =	simm.s32 $0x2;
	s17 =	sand.u32 $0x1, s31;
	_ =	swait.ge @p0 [sflag:s18], $0x4000  }
.LBB2_2:
0x25: {  	p3 =	seq.s32 s17, $0x1;
	p1 =	seq.s32 s17, $0x0;
	[sflag:s18] =	ssyncset.done @p0 $0x0  }
0x26: {  	s19 =	simm.s32 @!p3 $0x80;
	s20 =	simm.s32 @!p3 $0x6000;
	[sflag:s18] =	ssyncadd.s32 @p0 $0xFFFFC000  }
0x27: {  	[tilespmem:s20], [sflag:$0x2] =	stream.indirect.gather @!p3 [hbm4b:s4+s19], $0x80, s15, s19, $0xb8;
	[tilespmem:$0xA000] =	vst v63  }
0x28: {  	p2 =	sne.s32 s17, $0x0;
	s18 =	simm.s32 @!p1 $0x80;
	s19 =	simm.s32 @!p1 $0x2000  }
0x29: {  	[tilespmem:s19], [sflag:$0x1] =	stream.indirect.gather @!p1 [hbm4b:s4+s18], $0x80, s15, s18, $0xb8;
	[tilespmem:$0xA000] =	vst v63  }
0x2a: {  	s17 =	simm.s32 @!p2 $0x1;
	s19 =	smov.u32 s16;
	s16 =	sadd.s32 $0x1, s16  }
0x2b: {  	p0 =	por p3, p3;
	p1 =	sne.s32 s16, $0x3F;
	_ =	swait.ge @!p2 [sflag:s17], $0x4000  }
0x2c: {  	s20 =	simm.s32 @!p2 $0x2000;
	s18 =	simm.s32 @!p2 $0x0;
	[sflag:s17] =	ssyncset.done @!p2 $0x0  }
0x2d: {  	[sflag:s17] =	ssyncadd.s32 @!p2 $0xFFFFC000;
	s17 =	simm.s32 @!p2 $0x4  }
0x2e: {  	[hbm4b:s14+s18] =	stream.linear.scatter @!p2 [tilespmem:s20], [sflag:$0x4], $0x4000, $0x38;
	[tilespmem:$0xA000] =	vst v63  }
0x2f: {  	_ =	swait.ge @!p2 [sflag:s17], $0x4000  }
0x30: {  	s18 =	simm.s32 @p0 $0x2;
	[sflag:s17] =	ssyncset.done @!p2 $0x0  }
0x31: {  	[sflag:s17] =	ssyncadd.s32 @!p2 $0xFFFFC000  }
.Ltmp0:
0x32: {  	_ =	swait.ge @p0 [sflag:s18], $0x4000;
	(pc) =	sbr.rel @p1 .LBB2_2-.Ltmp0, $4  }
0x33: {  	s20 =	simm.s32 @p0 $0x6000;
	s17 =	simm.s32 @p0 $0x0;
	[sflag:s18] =	ssyncset.done @p0 $0x0  }
0x34: {  	s15 =	sadd.s32 $0x80, s15;
	[sflag:s18] =	ssyncadd.s32 @p0 $0xFFFFC000;
	s18 =	simm.s32 @p0 $0x3  }
0x35: {  	[hbm4b:s14+s17] =	stream.linear.scatter @p0 [tilespmem:s20], [sflag:$0x3], $0x4000, $0x38;
	[tilespmem:$0xA000] =	vst v63  }
0x36: {  	s17 =	sand.u32 $0x1, s19;
	s14 =	sadd.s32 $0x800, s14;
	_ =	swait.ge @p0 [sflag:s18], $0x4000  }
0x37: {  	p1 =	seq.s32 s17, $0x1;
	p2 =	seq.s32 s17, $0x0;
	[sflag:s18] =	ssyncset.done @p0 $0x0  }
0x38: {  	s16 =	simm.s32 @!p1 $0x80;
	s19 =	simm.s32 @!p1 $0x6000;
	[sflag:s18] =	ssyncadd.s32 @p0 $0xFFFFC000  }
0x39: {  	[tilespmem:s19], [sflag:$0x2] =	stream.indirect.gather @!p1 [hbm4b:s4+s16], $0x80, s15, s16, $0xb8;
	[tilespmem:$0xA000] =	vst v63  }
0x3a: {  	s18 =	simm.s32 @!p2 $0x2000;
	p0 =	sne.s32 s17, $0x0;
	s16 =	simm.s32 @!p2 $0x80  }
0x3b: {  	[tilespmem:s18], [sflag:$0x1] =	stream.indirect.gather @!p2 [hbm4b:s4+s16], $0x80, s15, s16, $0xb8;
	[tilespmem:$0xA000] =	vst v63  }
0x3c: {  	s15 =	simm.s32 @!p0 $0x1  }
0x3d: {  	_ =	swait.ge @!p0 [sflag:s15], $0x4000  }
0x3e: {  	s17 =	simm.s32 @!p0 $0x2000;
	[sflag:s15] =	ssyncset.done @!p0 $0x0  }
0x3f: {  	s16 =	simm.s32 @!p0 $0x0;
	[sflag:s15] =	ssyncadd.s32 @!p0 $0xFFFFC000;
	s15 =	simm.s32 @!p0 $0x4  }
0x40: {  	[hbm4b:s14+s16] =	stream.linear.scatter @!p0 [tilespmem:s17], [sflag:$0x4], $0x4000, $0x38;
	[tilespmem:$0xA000] =	vst v63  }
0x41: {  	_ =	swait.ge @!p0 [sflag:s15], $0x4000  }
0x42: {  	p1 =	por p1, p1;
	[sflag:s15] =	ssyncset.done @!p0 $0x0  }
0x43: {  	s16 =	simm.s32 @p1 $0x2;
	[sflag:s15] =	ssyncadd.s32 @!p0 $0xFFFFC000  }
0x44: {  	_ =	swait.ge @p1 [sflag:s16], $0x4000  }
0x45: {  	s17 =	simm.s32 @p1 $0x6000;
	[sflag:s16] =	ssyncset.done @p1 $0x0  }
0x46: {  	s15 =	simm.s32 @p1 $0x0;
	[sflag:s16] =	ssyncadd.s32 @p1 $0xFFFFC000;
	s16 =	simm.s32 @p1 $0x3  }
0x47: {  	[hbm4b:s14+s15] =	stream.linear.scatter @p1 [tilespmem:s17], [sflag:$0x3], $0x4000, $0x38;
	[tilespmem:$0xA000] =	vst v63  }
0x48: {  	_ =	swait.ge @p1 [sflag:s16], $0x4000  }
0x49: {  	[sflag:s16] =	ssyncset.done @p1 $0x0  }
0x4a: {  	[sflag:s16] =	ssyncadd.s32 @p1 $0xFFFFC000  }
0x4b: {  	s13 =	sadd.s32 $0x1, s13;
	_ =	swait.ge [sflag:s11], $0x4000  }
0x4c: {  	p0 =	sne.s32 s13, s5;
	[sflag:s11] =	ssyncset.done $0x0  }
.Ltmp1:
0x4d: {  	[sflag:s11] =	ssyncadd.s32 $0xFFFFC000;
	(pc) =	sbr.rel @p0 .LBB2_1-.Ltmp1, $4  }
0x4e: {  	[hbm4b:s6+s2] =	stream.linear.scatter [tilespmem:s12], [sflag:$0x3], $0x4000, $0x38;
	[tilespmem:$0xA000] =	vst v63  }
0x4f: {  	_ =	swait.ge [sflag:s9], $0x4000  }
0x50: {  	[sflag:s9] =	ssyncset.done $0x0  }
0x51: {  	[sflag:s9] =	ssyncadd.s32 $0xFFFFC000  }
0x52: {  	_ =	sfence.sel $0x180000  }
0x53: {  	[bflag:$0x0] =	sbarrier.arrive $0xFFFF  }
0x54: {  	p0 =	sne.s32 s0, $0x0;
	_ =	strace $0x90000050  }
0x55: {  	s0 =	sadd.s32 @!p0 $0x100000, s1;
	[bflag:$0x2] =	sbarrier.arrive $0xFFFF  }
0x56: {  	[sflag:s0] =	ssyncadd.tile.s32 @!p0 $0x1;
	_ =	shalt  }
.Lfunc_end2:
_tile_overlayer_lowered:
.L_overlay_start_2:
0x57: {  	(tag) =	ssettag $0x2  }
0x58: {  	s0 =	rddreg [dreg:$0x0];
	s2 =	stileid.u32  }
0x59: {  	s1 =	rddreg [dreg:$0x1];
	p0 =	sne.s32 s2, $0x0  }
0x5a: {  	s3 =	rddreg [dreg:$0x2];
	[bflag:$0x3] =	sbarrier.arrive $0xFFFF;
	s2 =	simm.s32 @!p0 $0x1C03  }
0x5b: {  	[timem:s3], [sflag:s2] =	dma.local @!p0 [hbm:s0], s1  }
0x5c: {  	s0 =	simm.s32 @!p0 $0x3  }
0x5d: {  	_ =	swait.ge @!p0 [sflag:s0], s1  }
0x5e: {  	s1 =	ssub.s32 @!p0 $0x0, s1;
	[sflag:s0] =	ssyncset.done @!p0 $0x0  }
0x5f: {  	[sflag:s0] =	ssyncadd.s32 @!p0 s1  }
0x60: {  	[bflag:$0x3] =	sbarrier.arrive $0xFFFF  }
0x61: {  	_ =	shalt  }

</sc_bundles>
